<compile_context>
chip_gen: v7x
topology: tpu7x:2x2x1
jax: 0.10.2.dev20260603
libtpu: 0.0.44.dev20260713+nightly
codegen_flags: <defaults>
</compile_context>

<pallas_src>
import functools
import math

import jax
import jax.numpy as jnp
from jax import lax
from jax.experimental import pallas as pl
from jax.experimental.pallas import tpu as pltpu
from jax.experimental.pallas import tpu_sc as plsc

N = 10000
NP = 10240
E = 160000
EP = 163840
HID = 64
NCORE = 2
NSUB = 16
NWK = NCORE * NSUB
GCH = 128

RELS = ('ww', 'ii', 'iw', 'wi')
SLOTS = (('ww', 'Wl'), ('ww', 'Wr'), ('iw', 'Wr'), ('wi', 'Wl'),
         ('ii', 'Wl'), ('ii', 'Wr'), ('iw', 'Wl'), ('wi', 'Wr'))
SL = {'ww': 0, 'ii': 4, 'iw': 6, 'wi': 3}
SR = {'ww': 1, 'ii': 5, 'iw': 2, 'wi': 7}

G_TOT = 8 * EP
G_PER_W = G_TOT // NWK
G_NCH = G_PER_W // GCH

TAB_R = NP
ZR = TAB_R // NSUB
E_PER_T = EP // NSUB
SCH_N = E_PER_T // GCH

BN = 1024
BE = 2048


def _mesh():
    return plsc.VectorSubcoreMesh(core_axis_name="c", subcore_axis_name="s",
                                  num_cores=NCORE, num_subcores=NSUB)


def _gather_body(table, gidx, out, idx_v, rows_v, sem):
    wid = lax.axis_index("s") * NCORE + lax.axis_index("c")

    def chunk(i, carry):
        base = wid * G_PER_W + i * GCH
        pltpu.sync_copy(gidx.at[pl.ds(base, GCH)], idx_v)
        pltpu.async_copy(table.at[idx_v], rows_v, sem).wait()
        pltpu.sync_copy(rows_v, out.at[pl.ds(base, GCH)])
        return carry

    lax.fori_loop(0, G_NCH, chunk, 0)


_gather_rows = functools.partial(
    pl.kernel,
    out_type=jax.ShapeDtypeStruct((G_TOT, 128), jnp.float32),
    mesh=_mesh(),
    scratch_types=[pltpu.VMEM((GCH,), jnp.int32),
                   pltpu.VMEM((GCH, 128), jnp.float32),
                   pltpu.SemaphoreType.DMA],
)(_gather_body)


def _scatter_body(inv, pk, dsti, acc_out, zb, wv, dv, tab):
    cid = lax.axis_index("c")
    sid = lax.axis_index("s")
    r = 2 * inv + cid

    def zfill(k, carry):
        zb[k // 8, pl.ds((k % 8) * 16, 16)] = jnp.zeros((16,), jnp.float32)
        return carry

    lax.fori_loop(0, (GCH * 128) // 16, zfill, 0)

    for j in range(ZR // GCH):
        pltpu.sync_copy(zb, tab.at[pl.ds(sid * ZR + j * GCH, GCH)])
    plsc.subcore_barrier()

    def chunk(i, carry):
        base = sid * E_PER_T + i * GCH
        pltpu.sync_copy(dsti.at[r, pl.ds(base, GCH)], dv)
        pltpu.sync_copy(pk.at[r, pl.ds(base, GCH)], wv)
        pltpu.sync_copy(wv, tab.at[dv], add=True)
        return carry

    lax.fori_loop(0, SCH_N, chunk, 0)
    plsc.subcore_barrier()

    pltpu.sync_copy(tab.at[pl.ds(sid * ZR, ZR)],
                    acc_out.at[cid, pl.ds(sid * ZR, ZR)])


def _scatter_acc(inv):
    return functools.partial(
        pl.kernel,
        out_type=jax.ShapeDtypeStruct((2, NP, 128), jnp.float32),
        mesh=_mesh(),
        scratch_types=[pltpu.VMEM((GCH, 128), jnp.float32),
                       pltpu.VMEM((GCH, 128), jnp.float32),
                       pltpu.VMEM((GCH,), jnp.int32),
                       pltpu.VMEM_SHARED((TAB_R, 128), jnp.float32)],
    )(functools.partial(_scatter_body, inv))


def _proj_body(x_ref, w_ref, b_ref, t_ref, pos_ref, o_ref):
    x = x_ref[...]
    base = jnp.dot(x, w_ref[...], preferred_element_type=jnp.float32) + b_ref[0]
    t = t_ref[0, 0]
    oh = (t[:, None] == lax.broadcasted_iota(jnp.int32, (BN, 256), 1))
    pe = jnp.dot(oh.astype(jnp.float32), pos_ref[...],
                 preferred_element_type=jnp.float32)
    o_ref[...] = base + pe


def _proj(x, w, b, t3, pos):
    din = x.shape[1]
    return pl.pallas_call(
        _proj_body,
        grid=(NP // BN,),
        in_specs=[pl.BlockSpec((BN, din), lambda i: (i, 0)),
                  pl.BlockSpec((din, HID), lambda i: (0, 0)),
                  pl.BlockSpec((1, HID), lambda i: (0, 0)),
                  pl.BlockSpec((1, 1, BN), lambda i: (i, 0, 0)),
                  pl.BlockSpec((256, HID), lambda i: (0, 0))],
        out_specs=pl.BlockSpec((BN, HID), lambda i: (i, 0)),
        out_shape=jax.ShapeDtypeStruct((NP, HID), jnp.float32),
    )(x, w, b, t3, pos)


def _pre_body(x_ref, w_ref, b_ref, o_ref):
    o_ref[0] = (jnp.dot(x_ref[0], w_ref[0], preferred_element_type=jnp.float32)
                + b_ref[0, 0])


def _pre(xs, wst, bst):
    return pl.pallas_call(
        _pre_body,
        grid=(8, NP // BN),
        in_specs=[pl.BlockSpec((1, BN, HID), lambda s, i: (s // 4, i, 0)),
                  pl.BlockSpec((1, HID, 128), lambda s, i: (s, 0, 0)),
                  pl.BlockSpec((1, 1, 128), lambda s, i: (s, 0, 0))],
        out_specs=pl.BlockSpec((1, BN, 128), lambda s, i: (s, i, 0)),
        out_shape=jax.ShapeDtypeStruct((8, NP, 128), jnp.float32),
    )(xs, wst, bst)


def _edge_body(xj_ref, xi_ref, eat_ref, we_ref, att_ref, pk_ref):
    xj = xj_ref[:, :HID]
    xe = lax.dot_general(eat_ref[0], we_ref[0], (((0,), (0,)), ((), ())),
                         preferred_element_type=jnp.float32)
    v = xj + xi_ref[:, :HID] + xe
    lr = jnp.maximum(v, 0.2 * v)
    weighted = lr * att_ref[0]
    sel = (lax.broadcasted_iota(jnp.int32, (HID, 16), 0) // 16
           == lax.broadcasted_iota(jnp.int32, (HID, 16), 1))
    alpha = jnp.dot(weighted, sel.astype(jnp.float32),
                    preferred_element_type=jnp.float32)
    hmask = lax.broadcasted_iota(jnp.int32, (BE, 16), 1) < 4
    ex = jnp.where(hmask, jnp.exp(alpha), 0.0)
    selt = (lax.broadcasted_iota(jnp.int32, (16, HID), 0)
            == lax.broadcasted_iota(jnp.int32, (16, HID), 1) // 16)
    exb = jnp.dot(ex, selt.astype(jnp.float32),
                  preferred_element_type=jnp.float32)
    wmsg = xj * exb
    p1 = (lax.broadcasted_iota(jnp.int32, (HID, 128), 0)
          == lax.broadcasted_iota(jnp.int32, (HID, 128), 1))
    p2 = (lax.broadcasted_iota(jnp.int32, (16, 128), 0) + HID
          == lax.broadcasted_iota(jnp.int32, (16, 128), 1))
    pk_ref[0] = (jnp.dot(wmsg, p1.astype(jnp.float32),
                         preferred_element_type=jnp.float32)
                 + jnp.dot(ex, p2.astype(jnp.float32),
                           preferred_element_type=jnp.float32))


def _edge_math(rows, eat_all, we_all, att_all):
    nb = EP // BE
    return pl.pallas_call(
        _edge_body,
        grid=(4, nb),
        in_specs=[pl.BlockSpec((BE, 128), lambda r, i: (r * nb + i, 0)),
                  pl.BlockSpec((BE, 128), lambda r, i: (4 * nb + r * nb + i, 0)),
                  pl.BlockSpec((1, 8, BE), lambda r, i: (r, 0, i)),
                  pl.BlockSpec((1, 8, HID), lambda r, i: (r, 0, 0)),
                  pl.BlockSpec((1, 1, HID), lambda r, i: (r, 0, 0))],
        out_specs=pl.BlockSpec((1, BE, 128), lambda r, i: (r, i, 0)),
        out_shape=jax.ShapeDtypeStruct((4, EP, 128), jnp.float32),
    )(rows, rows, eat_all, we_all, att_all)


def _post_body(pa_ref, pb_ref, res_ref, ba_ref, bb_ref, g_ref, be_ref, o_ref):
    rsel = (lax.broadcasted_iota(jnp.int32, (128, HID), 0)
            == lax.broadcasted_iota(jnp.int32, (128, HID), 1)).astype(jnp.float32)
    qsel = (lax.broadcasted_iota(jnp.int32, (128, HID), 0) - HID
            == lax.broadcasted_iota(jnp.int32, (128, HID), 1) // 16
            ).astype(jnp.float32)
    pa = pa_ref[0]
    pb = pb_ref[0]
    ma = jnp.dot(pa, rsel, preferred_element_type=jnp.float32)
    mb = jnp.dot(pb, rsel, preferred_element_type=jnp.float32)
    da = jnp.dot(pa, qsel, preferred_element_type=jnp.float32)
    db = jnp.dot(pb, qsel, preferred_element_type=jnp.float32)
    o = (ma / (da + 1e-16) + ba_ref[0]
         + mb / (db + 1e-16) + bb_ref[0])
    g = 0.5 * o * (1.0 + lax.erf(o * (1.0 / math.sqrt(2.0))))
    x = g + res_ref[...]
    mu = jnp.mean(x, axis=1, keepdims=True)
    var = jnp.mean((x - mu) ** 2, axis=1, keepdims=True)
    o_ref[...] = (x - mu) / jnp.sqrt(var + 1e-5) * g_ref[0] + be_ref[0]


def _post(acc, res, slot_a, slot_b, ba, bb, gam, bet):
    return pl.pallas_call(
        _post_body,
        grid=(NP // BN,),
        in_specs=[pl.BlockSpec((1, BN, 128), lambda i: (slot_a, i, 0)),
                  pl.BlockSpec((1, BN, 128), lambda i: (slot_b, i, 0)),
                  pl.BlockSpec((BN, HID), lambda i: (i, 0)),
                  pl.BlockSpec((1, HID), lambda i: (0, 0)),
                  pl.BlockSpec((1, HID), lambda i: (0, 0)),
                  pl.BlockSpec((1, HID), lambda i: (0, 0)),
                  pl.BlockSpec((1, HID), lambda i: (0, 0))],
        out_specs=pl.BlockSpec((BN, HID), lambda i: (i, 0)),
        out_shape=jax.ShapeDtypeStruct((NP, HID), jnp.float32),
    )(acc, acc, res, ba, bb, gam, bet)


def kernel(x_wifi, x_imu, time_wifi, time_imu, edge_index_ww, edge_index_ii,
           edge_index_iw, edge_index_wi, edge_attr_ww, edge_attr_ii,
           edge_attr_iw, edge_attr_wi, params):
    P = params
    eis = {'ww': edge_index_ww, 'ii': edge_index_ii,
           'iw': edge_index_iw, 'wi': edge_index_wi}
    eas = {'ww': edge_attr_ww, 'ii': edge_attr_ii,
           'iw': edge_attr_iw, 'wi': edge_attr_wi}

    xw = jnp.pad(x_wifi, ((0, NP - N), (0, 0)))
    xm = jnp.pad(x_imu, ((0, NP - N), (0, 0)))
    tw = jnp.pad(time_wifi.astype(jnp.int32), (0, NP - N)).reshape(NP // BN, 1, BN)
    tm = jnp.pad(time_imu.astype(jnp.int32), (0, NP - N)).reshape(NP // BN, 1, BN)
    pos = jnp.pad(P['pos_emb'], ((0, 256 - P['pos_emb'].shape[0]), (0, 0)))

    w = _proj(xw, P['wifi_proj']['W'], P['wifi_proj']['b'].reshape(1, HID), tw, pos)
    m = _proj(xm, P['imu_proj']['W'], P['imu_proj']['b'].reshape(1, HID), tm, pos)

    src_p, dst_p, eat = {}, {}, {}
    for r in RELS:
        src_p[r] = jnp.concatenate(
            [eis[r][0].astype(jnp.int32), jnp.full((EP - E,), N, jnp.int32)])
        dst_p[r] = jnp.concatenate(
            [eis[r][1].astype(jnp.int32), jnp.full((EP - E,), N, jnp.int32)])
        eat[r] = jnp.pad(eas[r], ((0, EP - E), (0, 8 - eas[r].shape[1]))).T
    gidx = jnp.concatenate([src_p[r] + SL[r] * NP for r in RELS]
                           + [dst_p[r] + SR[r] * NP for r in RELS])
    dsti = jnp.stack([dst_p[r] for r in RELS])
    eat_all = jnp.stack([eat[r] for r in RELS])

    for lp in P['layers']:
        rw, rm = w, m
        wst = jnp.pad(jnp.stack([lp[r][wn] for r, wn in SLOTS]),
                      ((0, 0), (0, 0), (0, 128 - HID)))
        bst = jnp.pad(jnp.stack([lp[r][wn.replace('W', 'b')] for r, wn in SLOTS]
                                ).reshape(8, 1, HID),
                      ((0, 0), (0, 0), (0, 128 - HID)))
        xs = jnp.stack([w, m])
        tab = _pre(xs, wst, bst).reshape(8 * NP, 128)
        rows = _gather_rows(tab, gidx)
        we_all = jnp.stack(
            [jnp.pad(lp[r]['We'], ((0, 8 - lp[r]['We'].shape[0]), (0, 0)))
             for r in RELS])
        att_all = jnp.stack([lp[r]['att'].reshape(1, HID) for r in RELS])
        pk = _edge_math(rows, eat_all, we_all, att_all)
        acc = jnp.concatenate([_scatter_acc(0)(pk, dsti),
                               _scatter_acc(1)(pk, dsti)])
        w = _post(acc, rw, 0, 2,
                  lp['ww']['b'].reshape(1, HID), lp['iw']['b'].reshape(1, HID),
                  lp['ln_wifi']['g'].reshape(1, HID),
                  lp['ln_wifi']['b'].reshape(1, HID))
        m = _post(acc, rm, 1, 3,
                  lp['ii']['b'].reshape(1, HID), lp['wi']['b'].reshape(1, HID),
                  lp['ln_imu']['g'].reshape(1, HID),
                  lp['ln_imu']['b'].reshape(1, HID))
    return w[:N], m[:N]

# --- scband reference (transcript-rebuilt; emitter-appended) ---
"""Pipeline reference for scband-gnnencoder-43190191129139 (READ-ONLY COPY).

The authoritative reference and input builder live on the scoring server;
editing this copy changes nothing except your own understanding.
"""

import jax, jax.numpy as jnp
import numpy as np

NW = 10000; NM = 10000; E = 160000
H = 4; C = 16; HID = 64
WIFI_IN = 128; IMU_IN = 64; WIN = 200; NUM_LAYERS = 2

def _lin(k, din, dout):
    return {'W': jax.random.normal(k, (din, dout), jnp.float32) / np.sqrt(din),
            'b': jnp.zeros((dout,), jnp.float32)}

def _gat(k, dsrc, ddst, edim):
    k1, k2, k3, k4 = jax.random.split(k, 4)
    return {'Wl': jax.random.normal(k1, (dsrc, H * C), jnp.float32) / np.sqrt(dsrc),
            'bl': jnp.zeros((H * C,), jnp.float32),
            'Wr': jax.random.normal(k2, (ddst, H * C), jnp.float32) / np.sqrt(ddst),
            'br': jnp.zeros((H * C,), jnp.float32),
            'We': jax.random.normal(k3, (edim, H * C), jnp.float32) / np.sqrt(edim),
            'att': jax.random.normal(k4, (H, C), jnp.float32) * 0.1,
            'b': jnp.zeros((H * C,), jnp.float32)}

def make_params(key):
    ks = jax.random.split(key, 3)
    layers = []
    for i in range(NUM_LAYERS):
        base = jax.random.fold_in(key, 100 + i)
        kk = jax.random.split(base, 4)
        layers.append({'ww': _gat(kk[0], HID, HID, 1),
                       'ii': _gat(kk[1], HID, HID, 1),
                       'iw': _gat(kk[2], HID, HID, 2),
                       'wi': _gat(kk[3], HID, HID, 1),
                       'ln_wifi': {'g': jnp.ones((HID,), jnp.float32), 'b': jnp.zeros((HID,), jnp.float32)},
                       'ln_imu': {'g': jnp.ones((HID,), jnp.float32), 'b': jnp.zeros((HID,), jnp.float32)}})
    return {'wifi_proj': _lin(ks[0], WIFI_IN, HID),
            'imu_proj': _lin(ks[1], IMU_IN, HID),
            'pos_emb': jax.random.normal(ks[2], (WIN + 10, HID), jnp.float32) * 0.02,
            'layers': layers}

def setup_inputs(seed: int = 0):
    key = jax.random.key(seed)
    ks = jax.random.split(key, 16)
    return {'x_wifi': jax.random.normal(ks[0], (NW, WIFI_IN), jnp.float32),
            'x_imu': jax.random.normal(ks[1], (NM, IMU_IN), jnp.float32),
            'time_wifi': jax.random.randint(ks[2], (NW,), 0, WIN),
            'time_imu': jax.random.randint(ks[3], (NM,), 0, WIN),
            'edge_index_ww': jax.random.randint(ks[4], (2, E), 0, NW),
            'edge_index_ii': jax.random.randint(ks[5], (2, E), 0, NM),
            'edge_index_iw': jax.random.randint(ks[6], (2, E), 0, NW),
            'edge_index_wi': jax.random.randint(ks[7], (2, E), 0, NM),
            'edge_attr_ww': jax.random.normal(ks[8], (E, 1), jnp.float32),
            'edge_attr_ii': jax.random.normal(ks[9], (E, 1), jnp.float32),
            'edge_attr_iw': jax.random.normal(ks[10], (E, 2), jnp.float32),
            'edge_attr_wi': jax.random.normal(ks[11], (E, 1), jnp.float32),
            'params': make_params(ks[12])}

def _gatv2(x_src, x_dst, ei, ea, p, n_dst):
    src = ei[0]; dst = ei[1]
    xl = (x_src @ p['Wl'] + p['bl']).reshape(-1, H, C)
    xr = (x_dst @ p['Wr'] + p['br']).reshape(-1, H, C)
    xe = (ea @ p['We']).reshape(-1, H, C)
    xj = xl[src]
    xi = xr[dst]
    e = jax.nn.leaky_relu(xi + xj + xe, negative_slope=0.2)
    alpha = (e * p['att'][None, :, :]).sum(-1)
    amax = jax.ops.segment_max(alpha, dst, num_segments=n_dst)
    amax = jnp.where(jnp.isfinite(amax), amax, 0.0)
    ex = jnp.exp(alpha - amax[dst])
    den = jax.ops.segment_sum(ex, dst, num_segments=n_dst)
    a = ex / (den[dst] + 1e-16)
    out = jax.ops.segment_sum(a[:, :, None] * xj, dst, num_segments=n_dst)
    return out.reshape(n_dst, H * C) + p['b']

def _ln(x, p):
    mu = jnp.mean(x, axis=-1, keepdims=True)
    var = jnp.mean((x - mu) ** 2, axis=-1, keepdims=True)
    return (x - mu) / jnp.sqrt(var + 1e-5) * p['g'] + p['b']

def _forward(x_wifi, x_imu, ea_ww, ea_ii, ea_iw, ea_wi, params, t_wifi, t_imu, ei_ww, ei_ii, ei_iw, ei_wi):
    w = x_wifi @ params['wifi_proj']['W'] + params['wifi_proj']['b']
    m = x_imu @ params['imu_proj']['W'] + params['imu_proj']['b']
    w = w + params['pos_emb'][t_wifi]
    m = m + params['pos_emb'][t_imu]
    for lp in params['layers']:
        rw = w; rm = m
        ow = _gatv2(w, w, ei_ww, ea_ww, lp['ww'], NW) + _gatv2(m, w, ei_iw, ea_iw, lp['iw'], NW)
        om = _gatv2(m, m, ei_ii, ea_ii, lp['ii'], NM) + _gatv2(w, m, ei_wi, ea_wi, lp['wi'], NM)
        w = _ln(jax.nn.gelu(ow, approximate=False) + rw, lp['ln_wifi'])
        m = _ln(jax.nn.gelu(om, approximate=False) + rm, lp['ln_imu'])
    return w, m

def reference(x_wifi, x_imu, time_wifi, time_imu, edge_index_ww, edge_index_ii, edge_index_iw, edge_index_wi, edge_attr_ww, edge_attr_ii, edge_attr_iw, edge_attr_wi, params):
    return _forward(x_wifi, x_imu, edge_attr_ww, edge_attr_ii, edge_attr_iw, edge_attr_wi, params, time_wifi, time_imu, edge_index_ww, edge_index_ii, edge_index_iw, edge_index_wi)

if __name__ == "__main__":
    import jax
    _d = setup_inputs()
    print(jax.jit(kernel)(*tuple(_d.values())))

</pallas_src>

<mosaic_0001>
#map = affine_map<(d0, d1) -> (0, 0, 0)>
#map1 = affine_map<(d0, d1) -> (0, 0)>
module attributes {stable_mosaic.version = 14 : i64} {
  func.func @_scatter_body(%arg0: i32, %arg1: i32, %arg2: memref<4x163840x128xf32, #tpu.memory_space<hbm>>, %arg3: memref<4x163840xi32, #tpu.memory_space<hbm>>, %arg4: memref<2x10240x128xf32, #tpu.memory_space<hbm>>, %arg5: memref<128x128xf32, #tpu.memory_space<vmem>>, %arg6: memref<128x128xf32, #tpu.memory_space<vmem>>, %arg7: memref<128xi32, #tpu.memory_space<vmem>>, %arg8: memref<10240x128xf32, #tpu.memory_space<vmem_shared>>) attributes {dimension_semantics = [#tpu.dimension_semantics<core_parallel>, #tpu.dimension_semantics<subcore_parallel>], iteration_bounds = array<i64: 2, 16>, scalar_prefetch = 0 : i64, scratch_operands = 4 : i64, tpu.core_type = #tpu.core_type<sc_vector_subcore>, window_params = [{transform_indices = #map}, {transform_indices = #map1}, {transform_indices = #map}]} {
    %add3A = arith.constant 0 : i32
    %add3A_0 = arith.addi %add3A, %arg0 : i32
    %scan3A = arith.constant 0 : i32
    %scan3A_1 = arith.constant 0 : i32
    %scan3A_2 = arith.constant 1024 : i32
    %scan3A_3 = arith.addi %scan3A_1, %scan3A_2 : i32
    %scan3A_4 = arith.constant 1 : i32
    scf.for %scan3A_36 = %scan3A_1 to %scan3A_3 step %scan3A_4  : i32 {
      %broadcast_in_dim3A = arith.constant 0.000000e+00 : f32
      %broadcast_in_dim3A_37 = vector.broadcast %broadcast_in_dim3A : f32 to vector<16xf32>
      %jit3A = arith.constant 8 : i32
      %div3A = arith.divsi %scan3A_36, %jit3A : i32
      %sign3A = arith.constant 0 : i32
      %sign3A_38 = arith.cmpi sgt, %scan3A_36, %sign3A : i32
      %sign3A_39 = arith.extui %sign3A_38 : i1 to i32
      %sign3A_40 = arith.constant 0 : i32
      %sign3A_41 = arith.cmpi slt, %scan3A_36, %sign3A_40 : i32
      %sign3A_42 = arith.extui %sign3A_41 : i1 to i32
      %sign3A_43 = arith.subi %sign3A_39, %sign3A_42 : i32
      %sign3A_44 = arith.constant 0 : i32
      %sign3A_45 = arith.cmpi sgt, %jit3A, %sign3A_44 : i32
      %sign3A_46 = arith.extui %sign3A_45 : i1 to i32
      %sign3A_47 = arith.constant 0 : i32
      %sign3A_48 = arith.cmpi slt, %jit3A, %sign3A_47 : i32
      %sign3A_49 = arith.extui %sign3A_48 : i1 to i32
      %sign3A_50 = arith.subi %sign3A_46, %sign3A_49 : i32
      %ne3A = arith.cmpi ne, %sign3A_43, %sign3A_50 : i32
      %rem3A = arith.remsi %scan3A_36, %jit3A : i32
      %ne3A_51 = arith.constant 0 : i32
      %ne3A_52 = arith.cmpi ne, %rem3A, %ne3A_51 : i32
      %and3A = arith.andi %ne3A, %ne3A_52 : i1
      %sub3A = arith.constant 1 : i32
      %sub3A_53 = arith.subi %div3A, %sub3A : i32
      %select_n3A = arith.select %and3A, %sub3A_53, %div3A : i32
      %jit3A_54 = arith.constant 8 : i32
      %eq3A = arith.constant 0 : i32
      %eq3A_55 = arith.cmpi eq, %jit3A_54, %eq3A : i32
      %jit3A_56 = arith.constant 1 : i32
      %select_n3A_57 = arith.select %eq3A_55, %jit3A_56, %jit3A_54 : i32
      %rem3A_58 = arith.remsi %scan3A_36, %select_n3A_57 : i32
      %ne3A_59 = arith.constant 0 : i32
      %ne3A_60 = arith.cmpi ne, %rem3A_58, %ne3A_59 : i32
      %lt3A = arith.constant 0 : i32
      %lt3A_61 = arith.cmpi slt, %rem3A_58, %lt3A : i32
      %lt3A_62 = arith.constant 0 : i32
      %lt3A_63 = arith.cmpi slt, %select_n3A_57, %lt3A_62 : i32
      %ne3A_64 = arith.xori %lt3A_61, %lt3A_63 : i1
      %and3A_65 = arith.andi %ne3A_64, %ne3A_60 : i1
      %add3A_66 = arith.addi %rem3A_58, %select_n3A_57 : i32
      %select_n3A_67 = arith.select %and3A_65, %add3A_66, %rem3A_58 : i32
      %mul3A_68 = arith.constant 16 : i32
      %mul3A_69 = arith.muli %select_n3A_67, %mul3A_68 : i32
      %swap3A = arith.index_cast %select_n3A : i32 to index
      %swap3A_70 = arith.index_cast %mul3A_69 : i32 to index
      %swap3A_71 = tpu.vector_load %arg5[%swap3A, %swap3A_70] {strides = array<i32>} : memref<128x128xf32, #tpu.memory_space<vmem>>, vector<1x16xf32>,
      %swap3A_72 = vector.shape_cast %swap3A_71 : vector<1x16xf32> to vector<16xf32>
      %swap3A_73 = vector.shape_cast %broadcast_in_dim3A_37 : vector<16xf32> to vector<1x16xf32>
      tpu.vector_store %arg5[%swap3A, %swap3A_70], %swap3A_73 {strides = array<i32>} : memref<128x128xf32, #tpu.memory_space<vmem>>, vector<1x16xf32>,
    }
    %scan3A_5 = arith.constant 1024 : i32
    %mul3A = arith.constant 640 : i32
    %mul3A_6 = arith.muli %arg1, %mul3A : i32
    %add3A_7 = arith.constant 0 : i32
    %add3A_8 = arith.addi %mul3A_6, %add3A_7 : i32
    "tpu.region"() ({
      %run_scoped3A = tpu.sem_alloc : memref<!tpu.dma_semaphore, #tpu.memory_space<semaphore_mem>>
      %dma_start3A = arith.constant 0 : i32
      %dma_start3A_36 = tpu.memref_slice %arg8[%add3A_8, %dma_start3A] : memref<10240x128xf32, #tpu.memory_space<vmem_shared>> -> memref<128x128xf32, #tpu.memory_space<vmem_shared>>
      %dma_start3A_37 = arith.constant 0 : i32
      %dma_start3A_38 = tpu.memref_slice %arg8[%add3A_8, %dma_start3A_37] : memref<10240x128xf32, #tpu.memory_space<vmem_shared>> -> memref<128x128xf32, #tpu.memory_space<vmem_shared>>
      tpu.enqueue_dma source(%arg5 : memref<128x128xf32, #tpu.memory_space<vmem>>) target(%dma_start3A_38 : memref<128x128xf32, #tpu.memory_space<vmem_shared>>) target_semaphore(%run_scoped3A : memref<!tpu.dma_semaphore, #tpu.memory_space<semaphore_mem>>)
      %dma_wait3A = arith.constant 0 : i32
      %dma_wait3A_39 = tpu.memref_slice %arg8[%add3A_8, %dma_wait3A] : memref<10240x128xf32, #tpu.memory_space<vmem_shared>> -> memref<128x128xf32, #tpu.memory_space<vmem_shared>>
      %dma_wait3A_40 = arith.constant 0 : i32
      %dma_wait3A_41 = tpu.memref_slice %arg8[%add3A_8, %dma_wait3A_40] : memref<10240x128xf32, #tpu.memory_space<vmem_shared>> -> memref<128x128xf32, #tpu.memory_space<vmem_shared>>
      tpu.wait_dma2 semaphore(%run_scoped3A : memref<!tpu.dma_semaphore, #tpu.memory_space<semaphore_mem>>) src(%arg5 : memref<128x128xf32, #tpu.memory_space<vmem>>) dst(%dma_wait3A_41 : memref<128x128xf32, #tpu.memory_space<vmem_shared>>)
      tpu.yield
    }) : () -> ()
    %mul3A_9 = arith.constant 640 : i32
    %mul3A_10 = arith.muli %arg1, %mul3A_9 : i32
    %add3A_11 = arith.constant 128 : i32
    %add3A_12 = arith.addi %mul3A_10, %add3A_11 : i32
    "tpu.region"() ({
      %run_scoped3A = tpu.sem_alloc : memref<!tpu.dma_semaphore, #tpu.memory_space<semaphore_mem>>
      %dma_start3A = arith.constant 0 : i32
      %dma_start3A_36 = tpu.memref_slice %arg8[%add3A_12, %dma_start3A] : memref<10240x128xf32, #tpu.memory_space<vmem_shared>> -> memref<128x128xf32, #tpu.memory_space<vmem_shared>>
      %dma_start3A_37 = arith.constant 0 : i32
      %dma_start3A_38 = tpu.memref_slice %arg8[%add3A_12, %dma_start3A_37] : memref<10240x128xf32, #tpu.memory_space<vmem_shared>> -> memref<128x128xf32, #tpu.memory_space<vmem_shared>>
      tpu.enqueue_dma source(%arg5 : memref<128x128xf32, #tpu.memory_space<vmem>>) target(%dma_start3A_38 : memref<128x128xf32, #tpu.memory_space<vmem_shared>>) target_semaphore(%run_scoped3A : memref<!tpu.dma_semaphore, #tpu.memory_space<semaphore_mem>>)
      %dma_wait3A = arith.constant 0 : i32
      %dma_wait3A_39 = tpu.memref_slice %arg8[%add3A_12, %dma_wait3A] : memref<10240x128xf32, #tpu.memory_space<vmem_shared>> -> memref<128x128xf32, #tpu.memory_space<vmem_shared>>
      %dma_wait3A_40 = arith.constant 0 : i32
      %dma_wait3A_41 = tpu.memref_slice %arg8[%add3A_12, %dma_wait3A_40] : memref<10240x128xf32, #tpu.memory_space<vmem_shared>> -> memref<128x128xf32, #tpu.memory_space<vmem_shared>>
      tpu.wait_dma2 semaphore(%run_scoped3A : memref<!tpu.dma_semaphore, #tpu.memory_space<semaphore_mem>>) src(%arg5 : memref<128x128xf32, #tpu.memory_space<vmem>>) dst(%dma_wait3A_41 : memref<128x128xf32, #tpu.memory_space<vmem_shared>>)
      tpu.yield
    }) : () -> ()
    %mul3A_13 = arith.constant 640 : i32
    %mul3A_14 = arith.muli %arg1, %mul3A_13 : i32
    %add3A_15 = arith.constant 256 : i32
    %add3A_16 = arith.addi %mul3A_14, %add3A_15 : i32
    "tpu.region"() ({
      %run_scoped3A = tpu.sem_alloc : memref<!tpu.dma_semaphore, #tpu.memory_space<semaphore_mem>>
      %dma_start3A = arith.constant 0 : i32
      %dma_start3A_36 = tpu.memref_slice %arg8[%add3A_16, %dma_start3A] : memref<10240x128xf32, #tpu.memory_space<vmem_shared>> -> memref<128x128xf32, #tpu.memory_space<vmem_shared>>
      %dma_start3A_37 = arith.constant 0 : i32
      %dma_start3A_38 = tpu.memref_slice %arg8[%add3A_16, %dma_start3A_37] : memref<10240x128xf32, #tpu.memory_space<vmem_shared>> -> memref<128x128xf32, #tpu.memory_space<vmem_shared>>
      tpu.enqueue_dma source(%arg5 : memref<128x128xf32, #tpu.memory_space<vmem>>) target(%dma_start3A_38 : memref<128x128xf32, #tpu.memory_space<vmem_shared>>) target_semaphore(%run_scoped3A : memref<!tpu.dma_semaphore, #tpu.memory_space<semaphore_mem>>)
      %dma_wait3A = arith.constant 0 : i32
      %dma_wait3A_39 = tpu.memref_slice %arg8[%add3A_16, %dma_wait3A] : memref<10240x128xf32, #tpu.memory_space<vmem_shared>> -> memref<128x128xf32, #tpu.memory_space<vmem_shared>>
      %dma_wait3A_40 = arith.constant 0 : i32
      %dma_wait3A_41 = tpu.memref_slice %arg8[%add3A_16, %dma_wait3A_40] : memref<10240x128xf32, #tpu.memory_space<vmem_shared>> -> memref<128x128xf32, #tpu.memory_space<vmem_shared>>
      tpu.wait_dma2 semaphore(%run_scoped3A : memref<!tpu.dma_semaphore, #tpu.memory_space<semaphore_mem>>) src(%arg5 : memref<128x128xf32, #tpu.memory_space<vmem>>) dst(%dma_wait3A_41 : memref<128x128xf32, #tpu.memory_space<vmem_shared>>)
      tpu.yield
    }) : () -> ()
    %mul3A_17 = arith.constant 640 : i32
    %mul3A_18 = arith.muli %arg1, %mul3A_17 : i32
    %add3A_19 = arith.constant 384 : i32
    %add3A_20 = arith.addi %mul3A_18, %add3A_19 : i32
    "tpu.region"() ({
      %run_scoped3A = tpu.sem_alloc : memref<!tpu.dma_semaphore, #tpu.memory_space<semaphore_mem>>
      %dma_start3A = arith.constant 0 : i32
      %dma_start3A_36 = tpu.memref_slice %arg8[%add3A_20, %dma_start3A] : memref<10240x128xf32, #tpu.memory_space<vmem_shared>> -> memref<128x128xf32, #tpu.memory_space<vmem_shared>>
      %dma_start3A_37 = arith.constant 0 : i32
      %dma_start3A_38 = tpu.memref_slice %arg8[%add3A_20, %dma_start3A_37] : memref<10240x128xf32, #tpu.memory_space<vmem_shared>> -> memref<128x128xf32, #tpu.memory_space<vmem_shared>>
      tpu.enqueue_dma source(%arg5 : memref<128x128xf32, #tpu.memory_space<vmem>>) target(%dma_start3A_38 : memref<128x128xf32, #tpu.memory_space<vmem_shared>>) target_semaphore(%run_scoped3A : memref<!tpu.dma_semaphore, #tpu.memory_space<semaphore_mem>>)
      %dma_wait3A = arith.constant 0 : i32
      %dma_wait3A_39 = tpu.memref_slice %arg8[%add3A_20, %dma_wait3A] : memref<10240x128xf32, #tpu.memory_space<vmem_shared>> -> memref<128x128xf32, #tpu.memory_space<vmem_shared>>
      %dma_wait3A_40 = arith.constant 0 : i32
      %dma_wait3A_41 = tpu.memref_slice %arg8[%add3A_20, %dma_wait3A_40] : memref<10240x128xf32, #tpu.memory_space<vmem_shared>> -> memref<128x128xf32, #tpu.memory_space<vmem_shared>>
      tpu.wait_dma2 semaphore(%run_scoped3A : memref<!tpu.dma_semaphore, #tpu.memory_space<semaphore_mem>>) src(%arg5 : memref<128x128xf32, #tpu.memory_space<vmem>>) dst(%dma_wait3A_41 : memref<128x128xf32, #tpu.memory_space<vmem_shared>>)
      tpu.yield
    }) : () -> ()
    %mul3A_21 = arith.constant 640 : i32
    %mul3A_22 = arith.muli %arg1, %mul3A_21 : i32
    %add3A_23 = arith.constant 512 : i32
    %add3A_24 = arith.addi %mul3A_22, %add3A_23 : i32
    "tpu.region"() ({
      %run_scoped3A = tpu.sem_alloc : memref<!tpu.dma_semaphore, #tpu.memory_space<semaphore_mem>>
      %dma_start3A = arith.constant 0 : i32
      %dma_start3A_36 = tpu.memref_slice %arg8[%add3A_24, %dma_start3A] : memref<10240x128xf32, #tpu.memory_space<vmem_shared>> -> memref<128x128xf32, #tpu.memory_space<vmem_shared>>
      %dma_start3A_37 = arith.constant 0 : i32
      %dma_start3A_38 = tpu.memref_slice %arg8[%add3A_24, %dma_start3A_37] : memref<10240x128xf32, #tpu.memory_space<vmem_shared>> -> memref<128x128xf32, #tpu.memory_space<vmem_shared>>
      tpu.enqueue_dma source(%arg5 : memref<128x128xf32, #tpu.memory_space<vmem>>) target(%dma_start3A_38 : memref<128x128xf32, #tpu.memory_space<vmem_shared>>) target_semaphore(%run_scoped3A : memref<!tpu.dma_semaphore, #tpu.memory_space<semaphore_mem>>)
      %dma_wait3A = arith.constant 0 : i32
      %dma_wait3A_39 = tpu.memref_slice %arg8[%add3A_24, %dma_wait3A] : memref<10240x128xf32, #tpu.memory_space<vmem_shared>> -> memref<128x128xf32, #tpu.memory_space<vmem_shared>>
      %dma_wait3A_40 = arith.constant 0 : i32
      %dma_wait3A_41 = tpu.memref_slice %arg8[%add3A_24, %dma_wait3A_40] : memref<10240x128xf32, #tpu.memory_space<vmem_shared>> -> memref<128x128xf32, #tpu.memory_space<vmem_shared>>
      tpu.wait_dma2 semaphore(%run_scoped3A : memref<!tpu.dma_semaphore, #tpu.memory_space<semaphore_mem>>) src(%arg5 : memref<128x128xf32, #tpu.memory_space<vmem>>) dst(%dma_wait3A_41 : memref<128x128xf32, #tpu.memory_space<vmem_shared>>)
      tpu.yield
    }) : () -> ()
    %barrier3A = arith.constant 0 : index
    tpu.barrier barrier_id(%barrier3A)
    %scan3A_25 = arith.constant 0 : i32
    %scan3A_26 = arith.constant 0 : i32
    %scan3A_27 = arith.constant 80 : i32
    %scan3A_28 = arith.addi %scan3A_26, %scan3A_27 : i32
    %scan3A_29 = arith.constant 1 : i32
    scf.for %scan3A_36 = %scan3A_26 to %scan3A_28 step %scan3A_29  : i32 {
      %mul3A_37 = arith.constant 10240 : i32
      %mul3A_38 = arith.muli %arg1, %mul3A_37 : i32
      %mul3A_39 = arith.constant 128 : i32
      %mul3A_40 = arith.muli %scan3A_36, %mul3A_39 : i32
      %add3A_41 = arith.addi %mul3A_38, %mul3A_40 : i32
      "tpu.region"() ({
        %run_scoped3A = tpu.sem_alloc : memref<!tpu.dma_semaphore, #tpu.memory_space<semaphore_mem>>
        %dma_start3A = tpu.memref_slice %arg3[%add3A_0, %add3A_41] : memref<4x163840xi32, #tpu.memory_space<hbm>> -> memref<1x128xi32, #tpu.memory_space<hbm>>
        %dma_start3A_42 = tpu.memref_squeeze %dma_start3A : memref<1x128xi32, #tpu.memory_space<hbm>> -> memref<128xi32, #tpu.memory_space<hbm>>
        %dma_start3A_43 = tpu.memref_slice %arg3[%add3A_0, %add3A_41] : memref<4x163840xi32, #tpu.memory_space<hbm>> -> memref<1x128xi32, #tpu.memory_space<hbm>>
        %dma_start3A_44 = tpu.memref_squeeze %dma_start3A_43 : memref<1x128xi32, #tpu.memory_space<hbm>> -> memref<128xi32, #tpu.memory_space<hbm>>
        tpu.enqueue_dma source(%dma_start3A_44 : memref<128xi32, #tpu.memory_space<hbm>>) target(%arg7 : memref<128xi32, #tpu.memory_space<vmem>>) target_semaphore(%run_scoped3A : memref<!tpu.dma_semaphore, #tpu.memory_space<semaphore_mem>>)
        %dma_wait3A = tpu.memref_slice %arg3[%add3A_0, %add3A_41] : memref<4x163840xi32, #tpu.memory_space<hbm>> -> memref<1x128xi32, #tpu.memory_space<hbm>>
        %dma_wait3A_45 = tpu.memref_squeeze %dma_wait3A : memref<1x128xi32, #tpu.memory_space<hbm>> -> memref<128xi32, #tpu.memory_space<hbm>>
        %dma_wait3A_46 = tpu.memref_slice %arg3[%add3A_0, %add3A_41] : memref<4x163840xi32, #tpu.memory_space<hbm>> -> memref<1x128xi32, #tpu.memory_space<hbm>>
        %dma_wait3A_47 = tpu.memref_squeeze %dma_wait3A_46 : memref<1x128xi32, #tpu.memory_space<hbm>> -> memref<128xi32, #tpu.memory_space<hbm>>
        tpu.wait_dma2 semaphore(%run_scoped3A : memref<!tpu.dma_semaphore, #tpu.memory_space<semaphore_mem>>) src(%dma_wait3A_47 : memref<128xi32, #tpu.memory_space<hbm>>) dst(%arg7 : memref<128xi32, #tpu.memory_space<vmem>>)
        tpu.yield
      }) : () -> ()
      "tpu.region"() ({
        %run_scoped3A = tpu.sem_alloc : memref<!tpu.dma_semaphore, #tpu.memory_space<semaphore_mem>>
        %dma_start3A = arith.constant 0 : i32
        %dma_start3A_42 = tpu.memref_slice %arg2[%add3A_0, %add3A_41, %dma_start3A] : memref<4x163840x128xf32, #tpu.memory_space<hbm>> -> memref<1x128x128xf32, #tpu.memory_space<hbm>>
        %dma_start3A_43 = tpu.memref_squeeze %dma_start3A_42 : memref<1x128x128xf32, #tpu.memory_space<hbm>> -> memref<128x128xf32, #tpu.memory_space<hbm>>
        %dma_start3A_44 = arith.constant 0 : i32
        %dma_start3A_45 = tpu.memref_slice %arg2[%add3A_0, %add3A_41, %dma_start3A_44] : memref<4x163840x128xf32, #tpu.memory_space<hbm>> -> memref<1x128x128xf32, #tpu.memory_space<hbm>>
        %dma_start3A_46 = tpu.memref_squeeze %dma_start3A_45 : memref<1x128x128xf32, #tpu.memory_space<hbm>> -> memref<128x128xf32, #tpu.memory_space<hbm>>
        tpu.enqueue_dma source(%dma_start3A_46 : memref<128x128xf32, #tpu.memory_space<hbm>>) target(%arg6 : memref<128x128xf32, #tpu.memory_space<vmem>>) target_semaphore(%run_scoped3A : memref<!tpu.dma_semaphore, #tpu.memory_space<semaphore_mem>>)
        %dma_wait3A = arith.constant 0 : i32
        %dma_wait3A_47 = tpu.memref_slice %arg2[%add3A_0, %add3A_41, %dma_wait3A] : memref<4x163840x128xf32, #tpu.memory_space<hbm>> -> memref<1x128x128xf32, #tpu.memory_space<hbm>>
        %dma_wait3A_48 = tpu.memref_squeeze %dma_wait3A_47 : memref<1x128x128xf32, #tpu.memory_space<hbm>> -> memref<128x128xf32, #tpu.memory_space<hbm>>
        %dma_wait3A_49 = arith.constant 0 : i32
        %dma_wait3A_50 = tpu.memref_slice %arg2[%add3A_0, %add3A_41, %dma_wait3A_49] : memref<4x163840x128xf32, #tpu.memory_space<hbm>> -> memref<1x128x128xf32, #tpu.memory_space<hbm>>
        %dma_wait3A_51 = tpu.memref_squeeze %dma_wait3A_50 : memref<1x128x128xf32, #tpu.memory_space<hbm>> -> memref<128x128xf32, #tpu.memory_space<hbm>>
        tpu.wait_dma2 semaphore(%run_scoped3A : memref<!tpu.dma_semaphore, #tpu.memory_space<semaphore_mem>>) src(%dma_wait3A_51 : memref<128x128xf32, #tpu.memory_space<hbm>>) dst(%arg6 : memref<128x128xf32, #tpu.memory_space<vmem>>)
        tpu.yield
      }) : () -> ()
      "tpu.region"() ({
        %run_scoped3A = tpu.sem_alloc : memref<!tpu.dma_semaphore, #tpu.memory_space<semaphore_mem>>
        %dma_start3A = arith.constant 0 : i32
        %dma_start3A_42 = arith.constant 0 : i32
        %dma_start3A_43 = tpu.memref_slice %arg8[%dma_start3A, %dma_start3A_42] : memref<10240x128xf32, #tpu.memory_space<vmem_shared>> -> memref<10240x128xf32, #tpu.memory_space<vmem_shared>>
        tpu.enqueue_indirect_dma source(%arg6 : memref<128x128xf32, #tpu.memory_space<vmem>>) target(%dma_start3A_43 : memref<10240x128xf32, #tpu.memory_space<vmem_shared>>) offsets(%arg7 : memref<128xi32, #tpu.memory_space<vmem>>) semaphore(%run_scoped3A : memref<!tpu.dma_semaphore, #tpu.memory_space<semaphore_mem>>) {add = true}
        %dma_wait3A = arith.constant 0 : i32
        %dma_wait3A_44 = arith.constant 0 : i32
        %dma_wait3A_45 = tpu.memref_slice %arg8[%dma_wait3A, %dma_wait3A_44] : memref<10240x128xf32, #tpu.memory_space<vmem_shared>> -> memref<10240x128xf32, #tpu.memory_space<vmem_shared>>
        tpu.wait_indirect_dma semaphore(%run_scoped3A : memref<!tpu.dma_semaphore, #tpu.memory_space<semaphore_mem>>) src(%arg6 : memref<128x128xf32, #tpu.memory_space<vmem>>) dst(%dma_wait3A_45 : memref<10240x128xf32, #tpu.memory_space<vmem_shared>>)
        tpu.yield
      }) : () -> ()
    }
    %scan3A_30 = arith.constant 80 : i32
    %barrier3A_31 = arith.constant 0 : index
    tpu.barrier barrier_id(%barrier3A_31)
    %mul3A_32 = arith.constant 640 : i32
    %mul3A_33 = arith.muli %arg1, %mul3A_32 : i32
    %mul3A_34 = arith.constant 640 : i32
    %mul3A_35 = arith.muli %arg1, %mul3A_34 : i32
    "tpu.region"() ({
      %run_scoped3A = tpu.sem_alloc : memref<!tpu.dma_semaphore, #tpu.memory_space<semaphore_mem>>
      %dma_start3A = arith.constant 0 : i32
      %dma_start3A_36 = tpu.memref_slice %arg4[%arg0, %mul3A_35, %dma_start3A] : memref<2x10240x128xf32, #tpu.memory_space<hbm>> -> memref<1x640x128xf32, #tpu.memory_space<hbm>>
      %dma_start3A_37 = tpu.memref_squeeze %dma_start3A_36 : memref<1x640x128xf32, #tpu.memory_space<hbm>> -> memref<640x128xf32, #tpu.memory_space<hbm>>
      %dma_start3A_38 = arith.constant 0 : i32
      %dma_start3A_39 = tpu.memref_slice %arg8[%mul3A_33, %dma_start3A_38] : memref<10240x128xf32, #tpu.memory_space<vmem_shared>> -> memref<640x128xf32, #tpu.memory_space<vmem_shared>>
      tpu.enqueue_dma source(%dma_start3A_39 : memref<640x128xf32, #tpu.memory_space<vmem_shared>>) target(%dma_start3A_37 : memref<640x128xf32, #tpu.memory_space<hbm>>) target_semaphore(%run_scoped3A : memref<!tpu.dma_semaphore, #tpu.memory_space<semaphore_mem>>)
      %dma_wait3A = arith.constant 0 : i32
      %dma_wait3A_40 = tpu.memref_slice %arg4[%arg0, %mul3A_35, %dma_wait3A] : memref<2x10240x128xf32, #tpu.memory_space<hbm>> -> memref<1x640x128xf32, #tpu.memory_space<hbm>>
      %dma_wait3A_41 = tpu.memref_squeeze %dma_wait3A_40 : memref<1x640x128xf32, #tpu.memory_space<hbm>> -> memref<640x128xf32, #tpu.memory_space<hbm>>
      %dma_wait3A_42 = arith.constant 0 : i32
      %dma_wait3A_43 = tpu.memref_slice %arg8[%mul3A_33, %dma_wait3A_42] : memref<10240x128xf32, #tpu.memory_space<vmem_shared>> -> memref<640x128xf32, #tpu.memory_space<vmem_shared>>
      tpu.wait_dma2 semaphore(%run_scoped3A : memref<!tpu.dma_semaphore, #tpu.memory_space<semaphore_mem>>) src(%dma_wait3A_43 : memref<640x128xf32, #tpu.memory_space<vmem_shared>>) dst(%dma_wait3A_41 : memref<640x128xf32, #tpu.memory_space<hbm>>)
      tpu.yield
    }) : () -> ()
    return
  }
}

#map = affine_map<(d0, d1) -> (0, 0)>
#map1 = affine_map<(d0, d1) -> (0)>
module attributes {stable_mosaic.version = 14 : i64} {
  func.func @_gather_body(%arg0: i32, %arg1: i32, %arg2: memref<81920x128xf32, #tpu.memory_space<hbm>>, %arg3: memref<1310720xi32, #tpu.memory_space<hbm>>, %arg4: memref<1310720x128xf32, #tpu.memory_space<hbm>>, %arg5: memref<128xi32, #tpu.memory_space<vmem>>, %arg6: memref<128x128xf32, #tpu.memory_space<vmem>>, %arg7: memref<!tpu.dma_semaphore, #tpu.memory_space<semaphore_mem>>) attributes {dimension_semantics = [#tpu.dimension_semantics<core_parallel>, #tpu.dimension_semantics<subcore_parallel>], iteration_bounds = array<i64: 2, 16>, scalar_prefetch = 0 : i64, scratch_operands = 3 : i64, tpu.core_type = #tpu.core_type<sc_vector_subcore>, window_params = [{transform_indices = #map}, {transform_indices = #map1}, {transform_indices = #map}]} {
    %mul3A = arith.constant 2 : i32
    %mul3A_0 = arith.muli %arg1, %mul3A : i32
    %add3A = arith.addi %mul3A_0, %arg0 : i32
    %scan3A = arith.constant 0 : i32
    %scan3A_1 = arith.constant 0 : i32
    %scan3A_2 = arith.constant 320 : i32
    %scan3A_3 = arith.addi %scan3A_1, %scan3A_2 : i32
    %scan3A_4 = arith.constant 1 : i32
    scf.for %scan3A_6 = %scan3A_1 to %scan3A_3 step %scan3A_4  : i32 {
      %mul3A_7 = arith.constant 40960 : i32
      %mul3A_8 = arith.muli %add3A, %mul3A_7 : i32
      %mul3A_9 = arith.constant 128 : i32
      %mul3A_10 = arith.muli %scan3A_6, %mul3A_9 : i32
      %add3A_11 = arith.addi %mul3A_8, %mul3A_10 : i32
      "tpu.region"() ({
        %run_scoped3A = tpu.sem_alloc : memref<!tpu.dma_semaphore, #tpu.memory_space<semaphore_mem>>
        %dma_start3A_16 = tpu.memref_slice %arg3[%add3A_11] : memref<1310720xi32, #tpu.memory_space<hbm>> -> memref<128xi32, #tpu.memory_space<hbm>>
        %dma_start3A_17 = tpu.memref_slice %arg3[%add3A_11] : memref<1310720xi32, #tpu.memory_space<hbm>> -> memref<128xi32, #tpu.memory_space<hbm>>
        tpu.enqueue_dma source(%dma_start3A_17 : memref<128xi32, #tpu.memory_space<hbm>>) target(%arg5 : memref<128xi32, #tpu.memory_space<vmem>>) target_semaphore(%run_scoped3A : memref<!tpu.dma_semaphore, #tpu.memory_space<semaphore_mem>>)
        %dma_wait3A_18 = tpu.memref_slice %arg3[%add3A_11] : memref<1310720xi32, #tpu.memory_space<hbm>> -> memref<128xi32, #tpu.memory_space<hbm>>
        %dma_wait3A_19 = tpu.memref_slice %arg3[%add3A_11] : memref<1310720xi32, #tpu.memory_space<hbm>> -> memref<128xi32, #tpu.memory_space<hbm>>
        tpu.wait_dma2 semaphore(%run_scoped3A : memref<!tpu.dma_semaphore, #tpu.memory_space<semaphore_mem>>) src(%dma_wait3A_19 : memref<128xi32, #tpu.memory_space<hbm>>) dst(%arg5 : memref<128xi32, #tpu.memory_space<vmem>>)
        tpu.yield
      }) : () -> ()
      %dma_start3A = arith.constant 0 : i32
      %dma_start3A_12 = arith.constant 0 : i32
      %dma_start3A_13 = tpu.memref_slice %arg2[%dma_start3A, %dma_start3A_12] : memref<81920x128xf32, #tpu.memory_space<hbm>> -> memref<81920x128xf32, #tpu.memory_space<hbm>>
      tpu.enqueue_indirect_dma source(%dma_start3A_13 : memref<81920x128xf32, #tpu.memory_space<hbm>>) target(%arg6 : memref<128x128xf32, #tpu.memory_space<vmem>>) offsets(%arg5 : memref<128xi32, #tpu.memory_space<vmem>>) semaphore(%arg7 : memref<!tpu.dma_semaphore, #tpu.memory_space<semaphore_mem>>)
      %dma_wait3A = arith.constant 0 : i32
      %dma_wait3A_14 = arith.constant 0 : i32
      %dma_wait3A_15 = tpu.memref_slice %arg2[%dma_wait3A, %dma_wait3A_14] : memref<81920x128xf32, #tpu.memory_space<hbm>> -> memref<81920x128xf32, #tpu.memory_space<hbm>>
      tpu.wait_indirect_dma semaphore(%arg7 : memref<!tpu.dma_semaphore, #tpu.memory_space<semaphore_mem>>) src(%dma_wait3A_15 : memref<81920x128xf32, #tpu.memory_space<hbm>>) dst(%arg6 : memref<128x128xf32, #tpu.memory_space<vmem>>)
      "tpu.region"() ({
        %run_scoped3A = tpu.sem_alloc : memref<!tpu.dma_semaphore, #tpu.memory_space<semaphore_mem>>
        %dma_start3A_16 = arith.constant 0 : i32
        %dma_start3A_17 = tpu.memref_slice %arg4[%add3A_11, %dma_start3A_16] : memref<1310720x128xf32, #tpu.memory_space<hbm>> -> memref<128x128xf32, #tpu.memory_space<hbm>>
        %dma_start3A_18 = arith.constant 0 : i32
        %dma_start3A_19 = tpu.memref_slice %arg4[%add3A_11, %dma_start3A_18] : memref<1310720x128xf32, #tpu.memory_space<hbm>> -> memref<128x128xf32, #tpu.memory_space<hbm>>
        tpu.enqueue_dma source(%arg6 : memref<128x128xf32, #tpu.memory_space<vmem>>) target(%dma_start3A_19 : memref<128x128xf32, #tpu.memory_space<hbm>>) target_semaphore(%run_scoped3A : memref<!tpu.dma_semaphore, #tpu.memory_space<semaphore_mem>>)
        %dma_wait3A_20 = arith.constant 0 : i32
        %dma_wait3A_21 = tpu.memref_slice %arg4[%add3A_11, %dma_wait3A_20] : memref<1310720x128xf32, #tpu.memory_space<hbm>> -> memref<128x128xf32, #tpu.memory_space<hbm>>
        %dma_wait3A_22 = arith.constant 0 : i32
        %dma_wait3A_23 = tpu.memref_slice %arg4[%add3A_11, %dma_wait3A_22] : memref<1310720x128xf32, #tpu.memory_space<hbm>> -> memref<128x128xf32, #tpu.memory_space<hbm>>
        tpu.wait_dma2 semaphore(%run_scoped3A : memref<!tpu.dma_semaphore, #tpu.memory_space<semaphore_mem>>) src(%arg6 : memref<128x128xf32, #tpu.memory_space<vmem>>) dst(%dma_wait3A_23 : memref<128x128xf32, #tpu.memory_space<hbm>>)
        tpu.yield
      }) : () -> ()
    }
    %scan3A_5 = arith.constant 320 : i32
    return
  }
}

#map = affine_map<(d0, d1) -> (0, 0)>
#map1 = affine_map<(d0, d1) -> (0)>
module attributes {stable_mosaic.version = 14 : i64} {
  func.func @_gather_body(%arg0: i32, %arg1: i32, %arg2: memref<81920x128xf32, #tpu.memory_space<hbm>>, %arg3: memref<1310720xi32, #tpu.memory_space<hbm>>, %arg4: memref<1310720x128xf32, #tpu.memory_space<hbm>>, %arg5: memref<128xi32, #tpu.memory_space<vmem>>, %arg6: memref<128x128xf32, #tpu.memory_space<vmem>>, %arg7: memref<!tpu.dma_semaphore, #tpu.memory_space<semaphore_mem>>) attributes {dimension_semantics = [#tpu.dimension_semantics<core_parallel>, #tpu.dimension_semantics<subcore_parallel>], iteration_bounds = array<i64: 2, 16>, scalar_prefetch = 0 : i64, scratch_operands = 3 : i64, tpu.core_type = #tpu.core_type<sc_vector_subcore>, window_params = [{transform_indices = #map}, {transform_indices = #map1}, {transform_indices = #map}]} {
    %mul3A = arith.constant 2 : i32
    %mul3A_0 = arith.muli %arg1, %mul3A : i32
    %add3A = arith.addi %mul3A_0, %arg0 : i32
    %scan3A = arith.constant 0 : i32
    %scan3A_1 = arith.constant 0 : i32
    %scan3A_2 = arith.constant 320 : i32
    %scan3A_3 = arith.addi %scan3A_1, %scan3A_2 : i32
    %scan3A_4 = arith.constant 1 : i32
    scf.for %scan3A_6 = %scan3A_1 to %scan3A_3 step %scan3A_4  : i32 {
      %mul3A_7 = arith.constant 40960 : i32
      %mul3A_8 = arith.muli %add3A, %mul3A_7 : i32
      %mul3A_9 = arith.constant 128 : i32
      %mul3A_10 = arith.muli %scan3A_6, %mul3A_9 : i32
      %add3A_11 = arith.addi %mul3A_8, %mul3A_10 : i32
      "tpu.region"() ({
        %run_scoped3A = tpu.sem_alloc : memref<!tpu.dma_semaphore, #tpu.memory_space<semaphore_mem>>
        %dma_start3A_16 = tpu.memref_slice %arg3[%add3A_11] : memref<1310720xi32, #tpu.memory_space<hbm>> -> memref<128xi32, #tpu.memory_space<hbm>>
        %dma_start3A_17 = tpu.memref_slice %arg3[%add3A_11] : memref<1310720xi32, #tpu.memory_space<hbm>> -> memref<128xi32, #tpu.memory_space<hbm>>
        tpu.enqueue_dma source(%dma_start3A_17 : memref<128xi32, #tpu.memory_space<hbm>>) target(%arg5 : memref<128xi32, #tpu.memory_space<vmem>>) target_semaphore(%run_scoped3A : memref<!tpu.dma_semaphore, #tpu.memory_space<semaphore_mem>>)
        %dma_wait3A_18 = tpu.memref_slice %arg3[%add3A_11] : memref<1310720xi32, #tpu.memory_space<hbm>> -> memref<128xi32, #tpu.memory_space<hbm>>
        %dma_wait3A_19 = tpu.memref_slice %arg3[%add3A_11] : memref<1310720xi32, #tpu.memory_space<hbm>> -> memref<128xi32, #tpu.memory_space<hbm>>
        tpu.wait_dma2 semaphore(%run_scoped3A : memref<!tpu.dma_semaphore, #tpu.memory_space<semaphore_mem>>) src(%dma_wait3A_19 : memref<128xi32, #tpu.memory_space<hbm>>) dst(%arg5 : memref<128xi32, #tpu.memory_space<vmem>>)
        tpu.yield
      }) : () -> ()
      %dma_start3A = arith.constant 0 : i32
      %dma_start3A_12 = arith.constant 0 : i32
      %dma_start3A_13 = tpu.memref_slice %arg2[%dma_start3A, %dma_start3A_12] : memref<81920x128xf32, #tpu.memory_space<hbm>> -> memref<81920x128xf32, #tpu.memory_space<hbm>>
      tpu.enqueue_indirect_dma source(%dma_start3A_13 : memref<81920x128xf32, #tpu.memory_space<hbm>>) target(%arg6 : memref<128x128xf32, #tpu.memory_space<vmem>>) offsets(%arg5 : memref<128xi32, #tpu.memory_space<vmem>>) semaphore(%arg7 : memref<!tpu.dma_semaphore, #tpu.memory_space<semaphore_mem>>)
      %dma_wait3A = arith.constant 0 : i32
      %dma_wait3A_14 = arith.constant 0 : i32
      %dma_wait3A_15 = tpu.memref_slice %arg2[%dma_wait3A, %dma_wait3A_14] : memref<81920x128xf32, #tpu.memory_space<hbm>> -> memref<81920x128xf32, #tpu.memory_space<hbm>>
      tpu.wait_indirect_dma semaphore(%arg7 : memref<!tpu.dma_semaphore, #tpu.memory_space<semaphore_mem>>) src(%dma_wait3A_15 : memref<81920x128xf32, #tpu.memory_space<hbm>>) dst(%arg6 : memref<128x128xf32, #tpu.memory_space<vmem>>)
      "tpu.region"() ({
        %run_scoped3A = tpu.sem_alloc : memref<!tpu.dma_semaphore, #tpu.memory_space<semaphore_mem>>
        %dma_start3A_16 = arith.constant 0 : i32
        %dma_start3A_17 = tpu.memref_slice %arg4[%add3A_11, %dma_start3A_16] : memref<1310720x128xf32, #tpu.memory_space<hbm>> -> memref<128x128xf32, #tpu.memory_space<hbm>>
        %dma_start3A_18 = arith.constant 0 : i32
        %dma_start3A_19 = tpu.memref_slice %arg4[%add3A_11, %dma_start3A_18] : memref<1310720x128xf32, #tpu.memory_space<hbm>> -> memref<128x128xf32, #tpu.memory_space<hbm>>
        tpu.enqueue_dma source(%arg6 : memref<128x128xf32, #tpu.memory_space<vmem>>) target(%dma_start3A_19 : memref<128x128xf32, #tpu.memory_space<hbm>>) target_semaphore(%run_scoped3A : memref<!tpu.dma_semaphore, #tpu.memory_space<semaphore_mem>>)
        %dma_wait3A_20 = arith.constant 0 : i32
        %dma_wait3A_21 = tpu.memref_slice %arg4[%add3A_11, %dma_wait3A_20] : memref<1310720x128xf32, #tpu.memory_space<hbm>> -> memref<128x128xf32, #tpu.memory_space<hbm>>
        %dma_wait3A_22 = arith.constant 0 : i32
        %dma_wait3A_23 = tpu.memref_slice %arg4[%add3A_11, %dma_wait3A_22] : memref<1310720x128xf32, #tpu.memory_space<hbm>> -> memref<128x128xf32, #tpu.memory_space<hbm>>
        tpu.wait_dma2 semaphore(%run_scoped3A : memref<!tpu.dma_semaphore, #tpu.memory_space<semaphore_mem>>) src(%arg6 : memref<128x128xf32, #tpu.memory_space<vmem>>) dst(%dma_wait3A_23 : memref<128x128xf32, #tpu.memory_space<hbm>>)
        tpu.yield
      }) : () -> ()
    }
    %scan3A_5 = arith.constant 320 : i32
    return
  }
}

#map = affine_map<(d0, d1) -> (0, 0, 0)>
#map1 = affine_map<(d0, d1) -> (0, 0)>
module attributes {stable_mosaic.version = 14 : i64} {
  func.func @_scatter_body(%arg0: i32, %arg1: i32, %arg2: memref<4x163840x128xf32, #tpu.memory_space<hbm>>, %arg3: memref<4x163840xi32, #tpu.memory_space<hbm>>, %arg4: memref<2x10240x128xf32, #tpu.memory_space<hbm>>, %arg5: memref<128x128xf32, #tpu.memory_space<vmem>>, %arg6: memref<128x128xf32, #tpu.memory_space<vmem>>, %arg7: memref<128xi32, #tpu.memory_space<vmem>>, %arg8: memref<10240x128xf32, #tpu.memory_space<vmem_shared>>) attributes {dimension_semantics = [#tpu.dimension_semantics<core_parallel>, #tpu.dimension_semantics<subcore_parallel>], iteration_bounds = array<i64: 2, 16>, scalar_prefetch = 0 : i64, scratch_operands = 4 : i64, tpu.core_type = #tpu.core_type<sc_vector_subcore>, window_params = [{transform_indices = #map}, {transform_indices = #map1}, {transform_indices = #map}]} {
    %add3A = arith.constant 2 : i32
    %add3A_0 = arith.addi %add3A, %arg0 : i32
    %scan3A = arith.constant 0 : i32
    %scan3A_1 = arith.constant 0 : i32
    %scan3A_2 = arith.constant 1024 : i32
    %scan3A_3 = arith.addi %scan3A_1, %scan3A_2 : i32
    %scan3A_4 = arith.constant 1 : i32
    scf.for %scan3A_36 = %scan3A_1 to %scan3A_3 step %scan3A_4  : i32 {
      %broadcast_in_dim3A = arith.constant 0.000000e+00 : f32
      %broadcast_in_dim3A_37 = vector.broadcast %broadcast_in_dim3A : f32 to vector<16xf32>
      %jit3A = arith.constant 8 : i32
      %div3A = arith.divsi %scan3A_36, %jit3A : i32
      %sign3A = arith.constant 0 : i32
      %sign3A_38 = arith.cmpi sgt, %scan3A_36, %sign3A : i32
      %sign3A_39 = arith.extui %sign3A_38 : i1 to i32
      %sign3A_40 = arith.constant 0 : i32
      %sign3A_41 = arith.cmpi slt, %scan3A_36, %sign3A_40 : i32
      %sign3A_42 = arith.extui %sign3A_41 : i1 to i32
      %sign3A_43 = arith.subi %sign3A_39, %sign3A_42 : i32
      %sign3A_44 = arith.constant 0 : i32
      %sign3A_45 = arith.cmpi sgt, %jit3A, %sign3A_44 : i32
      %sign3A_46 = arith.extui %sign3A_45 : i1 to i32
      %sign3A_47 = arith.constant 0 : i32
      %sign3A_48 = arith.cmpi slt, %jit3A, %sign3A_47 : i32
      %sign3A_49 = arith.extui %sign3A_48 : i1 to i32
      %sign3A_50 = arith.subi %sign3A_46, %sign3A_49 : i32
      %ne3A = arith.cmpi ne, %sign3A_43, %sign3A_50 : i32
      %rem3A = arith.remsi %scan3A_36, %jit3A : i32
      %ne3A_51 = arith.constant 0 : i32
      %ne3A_52 = arith.cmpi ne, %rem3A, %ne3A_51 : i32
      %and3A = arith.andi %ne3A, %ne3A_52 : i1
      %sub3A = arith.constant 1 : i32
      %sub3A_53 = arith.subi %div3A, %sub3A : i32
      %select_n3A = arith.select %and3A, %sub3A_53, %div3A : i32
      %jit3A_54 = arith.constant 8 : i32
      %eq3A = arith.constant 0 : i32
      %eq3A_55 = arith.cmpi eq, %jit3A_54, %eq3A : i32
      %jit3A_56 = arith.constant 1 : i32
      %select_n3A_57 = arith.select %eq3A_55, %jit3A_56, %jit3A_54 : i32
      %rem3A_58 = arith.remsi %scan3A_36, %select_n3A_57 : i32
      %ne3A_59 = arith.constant 0 : i32
      %ne3A_60 = arith.cmpi ne, %rem3A_58, %ne3A_59 : i32
      %lt3A = arith.constant 0 : i32
      %lt3A_61 = arith.cmpi slt, %rem3A_58, %lt3A : i32
      %lt3A_62 = arith.constant 0 : i32
      %lt3A_63 = arith.cmpi slt, %select_n3A_57, %lt3A_62 : i32
      %ne3A_64 = arith.xori %lt3A_61, %lt3A_63 : i1
      %and3A_65 = arith.andi %ne3A_64, %ne3A_60 : i1
      %add3A_66 = arith.addi %rem3A_58, %select_n3A_57 : i32
      %select_n3A_67 = arith.select %and3A_65, %add3A_66, %rem3A_58 : i32
      %mul3A_68 = arith.constant 16 : i32
      %mul3A_69 = arith.muli %select_n3A_67, %mul3A_68 : i32
      %swap3A = arith.index_cast %select_n3A : i32 to index
      %swap3A_70 = arith.index_cast %mul3A_69 : i32 to index
      %swap3A_71 = tpu.vector_load %arg5[%swap3A, %swap3A_70] {strides = array<i32>} : memref<128x128xf32, #tpu.memory_space<vmem>>, vector<1x16xf32>,
      %swap3A_72 = vector.shape_cast %swap3A_71 : vector<1x16xf32> to vector<16xf32>
      %swap3A_73 = vector.shape_cast %broadcast_in_dim3A_37 : vector<16xf32> to vector<1x16xf32>
      tpu.vector_store %arg5[%swap3A, %swap3A_70], %swap3A_73 {strides = array<i32>} : memref<128x128xf32, #tpu.memory_space<vmem>>, vector<1x16xf32>,
    }
    %scan3A_5 = arith.constant 1024 : i32
    %mul3A = arith.constant 640 : i32
    %mul3A_6 = arith.muli %arg1, %mul3A : i32
    %add3A_7 = arith.constant 0 : i32
    %add3A_8 = arith.addi %mul3A_6, %add3A_7 : i32
    "tpu.region"() ({
      %run_scoped3A = tpu.sem_alloc : memref<!tpu.dma_semaphore, #tpu.memory_space<semaphore_mem>>
      %dma_start3A = arith.constant 0 : i32
      %dma_start3A_36 = tpu.memref_slice %arg8[%add3A_8, %dma_start3A] : memref<10240x128xf32, #tpu.memory_space<vmem_shared>> -> memref<128x128xf32, #tpu.memory_space<vmem_shared>>
      %dma_start3A_37 = arith.constant 0 : i32
      %dma_start3A_38 = tpu.memref_slice %arg8[%add3A_8, %dma_start3A_37] : memref<10240x128xf32, #tpu.memory_space<vmem_shared>> -> memref<128x128xf32, #tpu.memory_space<vmem_shared>>
      tpu.enqueue_dma source(%arg5 : memref<128x128xf32, #tpu.memory_space<vmem>>) target(%dma_start3A_38 : memref<128x128xf32, #tpu.memory_space<vmem_shared>>) target_semaphore(%run_scoped3A : memref<!tpu.dma_semaphore, #tpu.memory_space<semaphore_mem>>)
      %dma_wait3A = arith.constant 0 : i32
      %dma_wait3A_39 = tpu.memref_slice %arg8[%add3A_8, %dma_wait3A] : memref<10240x128xf32, #tpu.memory_space<vmem_shared>> -> memref<128x128xf32, #tpu.memory_space<vmem_shared>>
      %dma_wait3A_40 = arith.constant 0 : i32
      %dma_wait3A_41 = tpu.memref_slice %arg8[%add3A_8, %dma_wait3A_40] : memref<10240x128xf32, #tpu.memory_space<vmem_shared>> -> memref<128x128xf32, #tpu.memory_space<vmem_shared>>
      tpu.wait_dma2 semaphore(%run_scoped3A : memref<!tpu.dma_semaphore, #tpu.memory_space<semaphore_mem>>) src(%arg5 : memref<128x128xf32, #tpu.memory_space<vmem>>) dst(%dma_wait3A_41 : memref<128x128xf32, #tpu.memory_space<vmem_shared>>)
      tpu.yield
    }) : () -> ()
    %mul3A_9 = arith.constant 640 : i32
    %mul3A_10 = arith.muli %arg1, %mul3A_9 : i32
    %add3A_11 = arith.constant 128 : i32
    %add3A_12 = arith.addi %mul3A_10, %add3A_11 : i32
    "tpu.region"() ({
      %run_scoped3A = tpu.sem_alloc : memref<!tpu.dma_semaphore, #tpu.memory_space<semaphore_mem>>
      %dma_start3A = arith.constant 0 : i32
      %dma_start3A_36 = tpu.memref_slice %arg8[%add3A_12, %dma_start3A] : memref<10240x128xf32, #tpu.memory_space<vmem_shared>> -> memref<128x128xf32, #tpu.memory_space<vmem_shared>>
      %dma_start3A_37 = arith.constant 0 : i32
      %dma_start3A_38 = tpu.memref_slice %arg8[%add3A_12, %dma_start3A_37] : memref<10240x128xf32, #tpu.memory_space<vmem_shared>> -> memref<128x128xf32, #tpu.memory_space<vmem_shared>>
      tpu.enqueue_dma source(%arg5 : memref<128x128xf32, #tpu.memory_space<vmem>>) target(%dma_start3A_38 : memref<128x128xf32, #tpu.memory_space<vmem_shared>>) target_semaphore(%run_scoped3A : memref<!tpu.dma_semaphore, #tpu.memory_space<semaphore_mem>>)
      %dma_wait3A = arith.constant 0 : i32
      %dma_wait3A_39 = tpu.memref_slice %arg8[%add3A_12, %dma_wait3A] : memref<10240x128xf32, #tpu.memory_space<vmem_shared>> -> memref<128x128xf32, #tpu.memory_space<vmem_shared>>
      %dma_wait3A_40 = arith.constant 0 : i32
      %dma_wait3A_41 = tpu.memref_slice %arg8[%add3A_12, %dma_wait3A_40] : memref<10240x128xf32, #tpu.memory_space<vmem_shared>> -> memref<128x128xf32, #tpu.memory_space<vmem_shared>>
      tpu.wait_dma2 semaphore(%run_scoped3A : memref<!tpu.dma_semaphore, #tpu.memory_space<semaphore_mem>>) src(%arg5 : memref<128x128xf32, #tpu.memory_space<vmem>>) dst(%dma_wait3A_41 : memref<128x128xf32, #tpu.memory_space<vmem_shared>>)
      tpu.yield
    }) : () -> ()
    %mul3A_13 = arith.constant 640 : i32
    %mul3A_14 = arith.muli %arg1, %mul3A_13 : i32
    %add3A_15 = arith.constant 256 : i32
    %add3A_16 = arith.addi %mul3A_14, %add3A_15 : i32
    "tpu.region"() ({
      %run_scoped3A = tpu.sem_alloc : memref<!tpu.dma_semaphore, #tpu.memory_space<semaphore_mem>>
      %dma_start3A = arith.constant 0 : i32
      %dma_start3A_36 = tpu.memref_slice %arg8[%add3A_16, %dma_start3A] : memref<10240x128xf32, #tpu.memory_space<vmem_shared>> -> memref<128x128xf32, #tpu.memory_space<vmem_shared>>
      %dma_start3A_37 = arith.constant 0 : i32
      %dma_start3A_38 = tpu.memref_slice %arg8[%add3A_16, %dma_start3A_37] : memref<10240x128xf32, #tpu.memory_space<vmem_shared>> -> memref<128x128xf32, #tpu.memory_space<vmem_shared>>
      tpu.enqueue_dma source(%arg5 : memref<128x128xf32, #tpu.memory_space<vmem>>) target(%dma_start3A_38 : memref<128x128xf32, #tpu.memory_space<vmem_shared>>) target_semaphore(%run_scoped3A : memref<!tpu.dma_semaphore, #tpu.memory_space<semaphore_mem>>)
      %dma_wait3A = arith.constant 0 : i32
      %dma_wait3A_39 = tpu.memref_slice %arg8[%add3A_16, %dma_wait3A] : memref<10240x128xf32, #tpu.memory_space<vmem_shared>> -> memref<128x128xf32, #tpu.memory_space<vmem_shared>>
      %dma_wait3A_40 = arith.constant 0 : i32
      %dma_wait3A_41 = tpu.memref_slice %arg8[%add3A_16, %dma_wait3A_40] : memref<10240x128xf32, #tpu.memory_space<vmem_shared>> -> memref<128x128xf32, #tpu.memory_space<vmem_shared>>
      tpu.wait_dma2 semaphore(%run_scoped3A : memref<!tpu.dma_semaphore, #tpu.memory_space<semaphore_mem>>) src(%arg5 : memref<128x128xf32, #tpu.memory_space<vmem>>) dst(%dma_wait3A_41 : memref<128x128xf32, #tpu.memory_space<vmem_shared>>)
      tpu.yield
    }) : () -> ()
    %mul3A_17 = arith.constant 640 : i32
    %mul3A_18 = arith.muli %arg1, %mul3A_17 : i32
    %add3A_19 = arith.constant 384 : i32
    %add3A_20 = arith.addi %mul3A_18, %add3A_19 : i32
    "tpu.region"() ({
      %run_scoped3A = tpu.sem_alloc : memref<!tpu.dma_semaphore, #tpu.memory_space<semaphore_mem>>
      %dma_start3A = arith.constant 0 : i32
      %dma_start3A_36 = tpu.memref_slice %arg8[%add3A_20, %dma_start3A] : memref<10240x128xf32, #tpu.memory_space<vmem_shared>> -> memref<128x128xf32, #tpu.memory_space<vmem_shared>>
      %dma_start3A_37 = arith.constant 0 : i32
      %dma_start3A_38 = tpu.memref_slice %arg8[%add3A_20, %dma_start3A_37] : memref<10240x128xf32, #tpu.memory_space<vmem_shared>> -> memref<128x128xf32, #tpu.memory_space<vmem_shared>>
      tpu.enqueue_dma source(%arg5 : memref<128x128xf32, #tpu.memory_space<vmem>>) target(%dma_start3A_38 : memref<128x128xf32, #tpu.memory_space<vmem_shared>>) target_semaphore(%run_scoped3A : memref<!tpu.dma_semaphore, #tpu.memory_space<semaphore_mem>>)
      %dma_wait3A = arith.constant 0 : i32
      %dma_wait3A_39 = tpu.memref_slice %arg8[%add3A_20, %dma_wait3A] : memref<10240x128xf32, #tpu.memory_space<vmem_shared>> -> memref<128x128xf32, #tpu.memory_space<vmem_shared>>
      %dma_wait3A_40 = arith.constant 0 : i32
      %dma_wait3A_41 = tpu.memref_slice %arg8[%add3A_20, %dma_wait3A_40] : memref<10240x128xf32, #tpu.memory_space<vmem_shared>> -> memref<128x128xf32, #tpu.memory_space<vmem_shared>>
      tpu.wait_dma2 semaphore(%run_scoped3A : memref<!tpu.dma_semaphore, #tpu.memory_space<semaphore_mem>>) src(%arg5 : memref<128x128xf32, #tpu.memory_space<vmem>>) dst(%dma_wait3A_41 : memref<128x128xf32, #tpu.memory_space<vmem_shared>>)
      tpu.yield
    }) : () -> ()
    %mul3A_21 = arith.constant 640 : i32
    %mul3A_22 = arith.muli %arg1, %mul3A_21 : i32
    %add3A_23 = arith.constant 512 : i32
    %add3A_24 = arith.addi %mul3A_22, %add3A_23 : i32
    "tpu.region"() ({
      %run_scoped3A = tpu.sem_alloc : memref<!tpu.dma_semaphore, #tpu.memory_space<semaphore_mem>>
      %dma_start3A = arith.constant 0 : i32
      %dma_start3A_36 = tpu.memref_slice %arg8[%add3A_24, %dma_start3A] : memref<10240x128xf32, #tpu.memory_space<vmem_shared>> -> memref<128x128xf32, #tpu.memory_space<vmem_shared>>
      %dma_start3A_37 = arith.constant 0 : i32
      %dma_start3A_38 = tpu.memref_slice %arg8[%add3A_24, %dma_start3A_37] : memref<10240x128xf32, #tpu.memory_space<vmem_shared>> -> memref<128x128xf32, #tpu.memory_space<vmem_shared>>
      tpu.enqueue_dma source(%arg5 : memref<128x128xf32, #tpu.memory_space<vmem>>) target(%dma_start3A_38 : memref<128x128xf32, #tpu.memory_space<vmem_shared>>) target_semaphore(%run_scoped3A : memref<!tpu.dma_semaphore, #tpu.memory_space<semaphore_mem>>)
      %dma_wait3A = arith.constant 0 : i32
      %dma_wait3A_39 = tpu.memref_slice %arg8[%add3A_24, %dma_wait3A] : memref<10240x128xf32, #tpu.memory_space<vmem_shared>> -> memref<128x128xf32, #tpu.memory_space<vmem_shared>>
      %dma_wait3A_40 = arith.constant 0 : i32
      %dma_wait3A_41 = tpu.memref_slice %arg8[%add3A_24, %dma_wait3A_40] : memref<10240x128xf32, #tpu.memory_space<vmem_shared>> -> memref<128x128xf32, #tpu.memory_space<vmem_shared>>
      tpu.wait_dma2 semaphore(%run_scoped3A : memref<!tpu.dma_semaphore, #tpu.memory_space<semaphore_mem>>) src(%arg5 : memref<128x128xf32, #tpu.memory_space<vmem>>) dst(%dma_wait3A_41 : memref<128x128xf32, #tpu.memory_space<vmem_shared>>)
      tpu.yield
    }) : () -> ()
    %barrier3A = arith.constant 0 : index
    tpu.barrier barrier_id(%barrier3A)
    %scan3A_25 = arith.constant 0 : i32
    %scan3A_26 = arith.constant 0 : i32
    %scan3A_27 = arith.constant 80 : i32
    %scan3A_28 = arith.addi %scan3A_26, %scan3A_27 : i32
    %scan3A_29 = arith.constant 1 : i32
    scf.for %scan3A_36 = %scan3A_26 to %scan3A_28 step %scan3A_29  : i32 {
      %mul3A_37 = arith.constant 10240 : i32
      %mul3A_38 = arith.muli %arg1, %mul3A_37 : i32
      %mul3A_39 = arith.constant 128 : i32
      %mul3A_40 = arith.muli %scan3A_36, %mul3A_39 : i32
      %add3A_41 = arith.addi %mul3A_38, %mul3A_40 : i32
      "tpu.region"() ({
        %run_scoped3A = tpu.sem_alloc : memref<!tpu.dma_semaphore, #tpu.memory_space<semaphore_mem>>
        %dma_start3A = tpu.memref_slice %arg3[%add3A_0, %add3A_41] : memref<4x163840xi32, #tpu.memory_space<hbm>> -> memref<1x128xi32, #tpu.memory_space<hbm>>
        %dma_start3A_42 = tpu.memref_squeeze %dma_start3A : memref<1x128xi32, #tpu.memory_space<hbm>> -> memref<128xi32, #tpu.memory_space<hbm>>
        %dma_start3A_43 = tpu.memref_slice %arg3[%add3A_0, %add3A_41] : memref<4x163840xi32, #tpu.memory_space<hbm>> -> memref<1x128xi32, #tpu.memory_space<hbm>>
        %dma_start3A_44 = tpu.memref_squeeze %dma_start3A_43 : memref<1x128xi32, #tpu.memory_space<hbm>> -> memref<128xi32, #tpu.memory_space<hbm>>
        tpu.enqueue_dma source(%dma_start3A_44 : memref<128xi32, #tpu.memory_space<hbm>>) target(%arg7 : memref<128xi32, #tpu.memory_space<vmem>>) target_semaphore(%run_scoped3A : memref<!tpu.dma_semaphore, #tpu.memory_space<semaphore_mem>>)
        %dma_wait3A = tpu.memref_slice %arg3[%add3A_0, %add3A_41] : memref<4x163840xi32, #tpu.memory_space<hbm>> -> memref<1x128xi32, #tpu.memory_space<hbm>>
        %dma_wait3A_45 = tpu.memref_squeeze %dma_wait3A : memref<1x128xi32, #tpu.memory_space<hbm>> -> memref<128xi32, #tpu.memory_space<hbm>>
        %dma_wait3A_46 = tpu.memref_slice %arg3[%add3A_0, %add3A_41] : memref<4x163840xi32, #tpu.memory_space<hbm>> -> memref<1x128xi32, #tpu.memory_space<hbm>>
        %dma_wait3A_47 = tpu.memref_squeeze %dma_wait3A_46 : memref<1x128xi32, #tpu.memory_space<hbm>> -> memref<128xi32, #tpu.memory_space<hbm>>
        tpu.wait_dma2 semaphore(%run_scoped3A : memref<!tpu.dma_semaphore, #tpu.memory_space<semaphore_mem>>) src(%dma_wait3A_47 : memref<128xi32, #tpu.memory_space<hbm>>) dst(%arg7 : memref<128xi32, #tpu.memory_space<vmem>>)
        tpu.yield
      }) : () -> ()
      "tpu.region"() ({
        %run_scoped3A = tpu.sem_alloc : memref<!tpu.dma_semaphore, #tpu.memory_space<semaphore_mem>>
        %dma_start3A = arith.constant 0 : i32
        %dma_start3A_42 = tpu.memref_slice %arg2[%add3A_0, %add3A_41, %dma_start3A] : memref<4x163840x128xf32, #tpu.memory_space<hbm>> -> memref<1x128x128xf32, #tpu.memory_space<hbm>>
        %dma_start3A_43 = tpu.memref_squeeze %dma_start3A_42 : memref<1x128x128xf32, #tpu.memory_space<hbm>> -> memref<128x128xf32, #tpu.memory_space<hbm>>
        %dma_start3A_44 = arith.constant 0 : i32
        %dma_start3A_45 = tpu.memref_slice %arg2[%add3A_0, %add3A_41, %dma_start3A_44] : memref<4x163840x128xf32, #tpu.memory_space<hbm>> -> memref<1x128x128xf32, #tpu.memory_space<hbm>>
        %dma_start3A_46 = tpu.memref_squeeze %dma_start3A_45 : memref<1x128x128xf32, #tpu.memory_space<hbm>> -> memref<128x128xf32, #tpu.memory_space<hbm>>
        tpu.enqueue_dma source(%dma_start3A_46 : memref<128x128xf32, #tpu.memory_space<hbm>>) target(%arg6 : memref<128x128xf32, #tpu.memory_space<vmem>>) target_semaphore(%run_scoped3A : memref<!tpu.dma_semaphore, #tpu.memory_space<semaphore_mem>>)
        %dma_wait3A = arith.constant 0 : i32
        %dma_wait3A_47 = tpu.memref_slice %arg2[%add3A_0, %add3A_41, %dma_wait3A] : memref<4x163840x128xf32, #tpu.memory_space<hbm>> -> memref<1x128x128xf32, #tpu.memory_space<hbm>>
        %dma_wait3A_48 = tpu.memref_squeeze %dma_wait3A_47 : memref<1x128x128xf32, #tpu.memory_space<hbm>> -> memref<128x128xf32, #tpu.memory_space<hbm>>
        %dma_wait3A_49 = arith.constant 0 : i32
        %dma_wait3A_50 = tpu.memref_slice %arg2[%add3A_0, %add3A_41, %dma_wait3A_49] : memref<4x163840x128xf32, #tpu.memory_space<hbm>> -> memref<1x128x128xf32, #tpu.memory_space<hbm>>
        %dma_wait3A_51 = tpu.memref_squeeze %dma_wait3A_50 : memref<1x128x128xf32, #tpu.memory_space<hbm>> -> memref<128x128xf32, #tpu.memory_space<hbm>>
        tpu.wait_dma2 semaphore(%run_scoped3A : memref<!tpu.dma_semaphore, #tpu.memory_space<semaphore_mem>>) src(%dma_wait3A_51 : memref<128x128xf32, #tpu.memory_space<hbm>>) dst(%arg6 : memref<128x128xf32, #tpu.memory_space<vmem>>)
        tpu.yield
      }) : () -> ()
      "tpu.region"() ({
        %run_scoped3A = tpu.sem_alloc : memref<!tpu.dma_semaphore, #tpu.memory_space<semaphore_mem>>
        %dma_start3A = arith.constant 0 : i32
        %dma_start3A_42 = arith.constant 0 : i32
        %dma_start3A_43 = tpu.memref_slice %arg8[%dma_start3A, %dma_start3A_42] : memref<10240x128xf32, #tpu.memory_space<vmem_shared>> -> memref<10240x128xf32, #tpu.memory_space<vmem_shared>>
        tpu.enqueue_indirect_dma source(%arg6 : memref<128x128xf32, #tpu.memory_space<vmem>>) target(%dma_start3A_43 : memref<10240x128xf32, #tpu.memory_space<vmem_shared>>) offsets(%arg7 : memref<128xi32, #tpu.memory_space<vmem>>) semaphore(%run_scoped3A : memref<!tpu.dma_semaphore, #tpu.memory_space<semaphore_mem>>) {add = true}
        %dma_wait3A = arith.constant 0 : i32
        %dma_wait3A_44 = arith.constant 0 : i32
        %dma_wait3A_45 = tpu.memref_slice %arg8[%dma_wait3A, %dma_wait3A_44] : memref<10240x128xf32, #tpu.memory_space<vmem_shared>> -> memref<10240x128xf32, #tpu.memory_space<vmem_shared>>
        tpu.wait_indirect_dma semaphore(%run_scoped3A : memref<!tpu.dma_semaphore, #tpu.memory_space<semaphore_mem>>) src(%arg6 : memref<128x128xf32, #tpu.memory_space<vmem>>) dst(%dma_wait3A_45 : memref<10240x128xf32, #tpu.memory_space<vmem_shared>>)
        tpu.yield
      }) : () -> ()
    }
    %scan3A_30 = arith.constant 80 : i32
    %barrier3A_31 = arith.constant 0 : index
    tpu.barrier barrier_id(%barrier3A_31)
    %mul3A_32 = arith.constant 640 : i32
    %mul3A_33 = arith.muli %arg1, %mul3A_32 : i32
    %mul3A_34 = arith.constant 640 : i32
    %mul3A_35 = arith.muli %arg1, %mul3A_34 : i32
    "tpu.region"() ({
      %run_scoped3A = tpu.sem_alloc : memref<!tpu.dma_semaphore, #tpu.memory_space<semaphore_mem>>
      %dma_start3A = arith.constant 0 : i32
      %dma_start3A_36 = tpu.memref_slice %arg4[%arg0, %mul3A_35, %dma_start3A] : memref<2x10240x128xf32, #tpu.memory_space<hbm>> -> memref<1x640x128xf32, #tpu.memory_space<hbm>>
      %dma_start3A_37 = tpu.memref_squeeze %dma_start3A_36 : memref<1x640x128xf32, #tpu.memory_space<hbm>> -> memref<640x128xf32, #tpu.memory_space<hbm>>
      %dma_start3A_38 = arith.constant 0 : i32
      %dma_start3A_39 = tpu.memref_slice %arg8[%mul3A_33, %dma_start3A_38] : memref<10240x128xf32, #tpu.memory_space<vmem_shared>> -> memref<640x128xf32, #tpu.memory_space<vmem_shared>>
      tpu.enqueue_dma source(%dma_start3A_39 : memref<640x128xf32, #tpu.memory_space<vmem_shared>>) target(%dma_start3A_37 : memref<640x128xf32, #tpu.memory_space<hbm>>) target_semaphore(%run_scoped3A : memref<!tpu.dma_semaphore, #tpu.memory_space<semaphore_mem>>)
      %dma_wait3A = arith.constant 0 : i32
      %dma_wait3A_40 = tpu.memref_slice %arg4[%arg0, %mul3A_35, %dma_wait3A] : memref<2x10240x128xf32, #tpu.memory_space<hbm>> -> memref<1x640x128xf32, #tpu.memory_space<hbm>>
      %dma_wait3A_41 = tpu.memref_squeeze %dma_wait3A_40 : memref<1x640x128xf32, #tpu.memory_space<hbm>> -> memref<640x128xf32, #tpu.memory_space<hbm>>
      %dma_wait3A_42 = arith.constant 0 : i32
      %dma_wait3A_43 = tpu.memref_slice %arg8[%mul3A_33, %dma_wait3A_42] : memref<10240x128xf32, #tpu.memory_space<vmem_shared>> -> memref<640x128xf32, #tpu.memory_space<vmem_shared>>
      tpu.wait_dma2 semaphore(%run_scoped3A : memref<!tpu.dma_semaphore, #tpu.memory_space<semaphore_mem>>) src(%dma_wait3A_43 : memref<640x128xf32, #tpu.memory_space<vmem_shared>>) dst(%dma_wait3A_41 : memref<640x128xf32, #tpu.memory_space<hbm>>)
      tpu.yield
    }) : () -> ()
    return
  }
}

#map = affine_map<(d0, d1) -> (0, 0, 0)>
#map1 = affine_map<(d0, d1) -> (0, 0)>
module attributes {stable_mosaic.version = 14 : i64} {
  func.func @_scatter_body(%arg0: i32, %arg1: i32, %arg2: memref<4x163840x128xf32, #tpu.memory_space<hbm>>, %arg3: memref<4x163840xi32, #tpu.memory_space<hbm>>, %arg4: memref<2x10240x128xf32, #tpu.memory_space<hbm>>, %arg5: memref<128x128xf32, #tpu.memory_space<vmem>>, %arg6: memref<128x128xf32, #tpu.memory_space<vmem>>, %arg7: memref<128xi32, #tpu.memory_space<vmem>>, %arg8: memref<10240x128xf32, #tpu.memory_space<vmem_shared>>) attributes {dimension_semantics = [#tpu.dimension_semantics<core_parallel>, #tpu.dimension_semantics<subcore_parallel>], iteration_bounds = array<i64: 2, 16>, scalar_prefetch = 0 : i64, scratch_operands = 4 : i64, tpu.core_type = #tpu.core_type<sc_vector_subcore>, window_params = [{transform_indices = #map}, {transform_indices = #map1}, {transform_indices = #map}]} {
    %add3A = arith.constant 0 : i32
    %add3A_0 = arith.addi %add3A, %arg0 : i32
    %scan3A = arith.constant 0 : i32
    %scan3A_1 = arith.constant 0 : i32
    %scan3A_2 = arith.constant 1024 : i32
    %scan3A_3 = arith.addi %scan3A_1, %scan3A_2 : i32
    %scan3A_4 = arith.constant 1 : i32
    scf.for %scan3A_36 = %scan3A_1 to %scan3A_3 step %scan3A_4  : i32 {
      %broadcast_in_dim3A = arith.constant 0.000000e+00 : f32
      %broadcast_in_dim3A_37 = vector.broadcast %broadcast_in_dim3A : f32 to vector<16xf32>
      %jit3A = arith.constant 8 : i32
      %div3A = arith.divsi %scan3A_36, %jit3A : i32
      %sign3A = arith.constant 0 : i32
      %sign3A_38 = arith.cmpi sgt, %scan3A_36, %sign3A : i32
      %sign3A_39 = arith.extui %sign3A_38 : i1 to i32
      %sign3A_40 = arith.constant 0 : i32
      %sign3A_41 = arith.cmpi slt, %scan3A_36, %sign3A_40 : i32
      %sign3A_42 = arith.extui %sign3A_41 : i1 to i32
      %sign3A_43 = arith.subi %sign3A_39, %sign3A_42 : i32
      %sign3A_44 = arith.constant 0 : i32
      %sign3A_45 = arith.cmpi sgt, %jit3A, %sign3A_44 : i32
      %sign3A_46 = arith.extui %sign3A_45 : i1 to i32
      %sign3A_47 = arith.constant 0 : i32
      %sign3A_48 = arith.cmpi slt, %jit3A, %sign3A_47 : i32
      %sign3A_49 = arith.extui %sign3A_48 : i1 to i32
      %sign3A_50 = arith.subi %sign3A_46, %sign3A_49 : i32
      %ne3A = arith.cmpi ne, %sign3A_43, %sign3A_50 : i32
      %rem3A = arith.remsi %scan3A_36, %jit3A : i32
      %ne3A_51 = arith.constant 0 : i32
      %ne3A_52 = arith.cmpi ne, %rem3A, %ne3A_51 : i32
      %and3A = arith.andi %ne3A, %ne3A_52 : i1
      %sub3A = arith.constant 1 : i32
      %sub3A_53 = arith.subi %div3A, %sub3A : i32
      %select_n3A = arith.select %and3A, %sub3A_53, %div3A : i32
      %jit3A_54 = arith.constant 8 : i32
      %eq3A = arith.constant 0 : i32
      %eq3A_55 = arith.cmpi eq, %jit3A_54, %eq3A : i32
      %jit3A_56 = arith.constant 1 : i32
      %select_n3A_57 = arith.select %eq3A_55, %jit3A_56, %jit3A_54 : i32
      %rem3A_58 = arith.remsi %scan3A_36, %select_n3A_57 : i32
      %ne3A_59 = arith.constant 0 : i32
      %ne3A_60 = arith.cmpi ne, %rem3A_58, %ne3A_59 : i32
      %lt3A = arith.constant 0 : i32
      %lt3A_61 = arith.cmpi slt, %rem3A_58, %lt3A : i32
      %lt3A_62 = arith.constant 0 : i32
      %lt3A_63 = arith.cmpi slt, %select_n3A_57, %lt3A_62 : i32
      %ne3A_64 = arith.xori %lt3A_61, %lt3A_63 : i1
      %and3A_65 = arith.andi %ne3A_64, %ne3A_60 : i1
      %add3A_66 = arith.addi %rem3A_58, %select_n3A_57 : i32
      %select_n3A_67 = arith.select %and3A_65, %add3A_66, %rem3A_58 : i32
      %mul3A_68 = arith.constant 16 : i32
      %mul3A_69 = arith.muli %select_n3A_67, %mul3A_68 : i32
      %swap3A = arith.index_cast %select_n3A : i32 to index
      %swap3A_70 = arith.index_cast %mul3A_69 : i32 to index
      %swap3A_71 = tpu.vector_load %arg5[%swap3A, %swap3A_70] {strides = array<i32>} : memref<128x128xf32, #tpu.memory_space<vmem>>, vector<1x16xf32>,
      %swap3A_72 = vector.shape_cast %swap3A_71 : vector<1x16xf32> to vector<16xf32>
      %swap3A_73 = vector.shape_cast %broadcast_in_dim3A_37 : vector<16xf32> to vector<1x16xf32>
      tpu.vector_store %arg5[%swap3A, %swap3A_70], %swap3A_73 {strides = array<i32>} : memref<128x128xf32, #tpu.memory_space<vmem>>, vector<1x16xf32>,
    }
    %scan3A_5 = arith.constant 1024 : i32
    %mul3A = arith.constant 640 : i32
    %mul3A_6 = arith.muli %arg1, %mul3A : i32
    %add3A_7 = arith.constant 0 : i32
    %add3A_8 = arith.addi %mul3A_6, %add3A_7 : i32
    "tpu.region"() ({
      %run_scoped3A = tpu.sem_alloc : memref<!tpu.dma_semaphore, #tpu.memory_space<semaphore_mem>>
      %dma_start3A = arith.constant 0 : i32
      %dma_start3A_36 = tpu.memref_slice %arg8[%add3A_8, %dma_start3A] : memref<10240x128xf32, #tpu.memory_space<vmem_shared>> -> memref<128x128xf32, #tpu.memory_space<vmem_shared>>
      %dma_start3A_37 = arith.constant 0 : i32
      %dma_start3A_38 = tpu.memref_slice %arg8[%add3A_8, %dma_start3A_37] : memref<10240x128xf32, #tpu.memory_space<vmem_shared>> -> memref<128x128xf32, #tpu.memory_space<vmem_shared>>
      tpu.enqueue_dma source(%arg5 : memref<128x128xf32, #tpu.memory_space<vmem>>) target(%dma_start3A_38 : memref<128x128xf32, #tpu.memory_space<vmem_shared>>) target_semaphore(%run_scoped3A : memref<!tpu.dma_semaphore, #tpu.memory_space<semaphore_mem>>)
      %dma_wait3A = arith.constant 0 : i32
      %dma_wait3A_39 = tpu.memref_slice %arg8[%add3A_8, %dma_wait3A] : memref<10240x128xf32, #tpu.memory_space<vmem_shared>> -> memref<128x128xf32, #tpu.memory_space<vmem_shared>>
      %dma_wait3A_40 = arith.constant 0 : i32
      %dma_wait3A_41 = tpu.memref_slice %arg8[%add3A_8, %dma_wait3A_40] : memref<10240x128xf32, #tpu.memory_space<vmem_shared>> -> memref<128x128xf32, #tpu.memory_space<vmem_shared>>
      tpu.wait_dma2 semaphore(%run_scoped3A : memref<!tpu.dma_semaphore, #tpu.memory_space<semaphore_mem>>) src(%arg5 : memref<128x128xf32, #tpu.memory_space<vmem>>) dst(%dma_wait3A_41 : memref<128x128xf32, #tpu.memory_space<vmem_shared>>)
      tpu.yield
    }) : () -> ()
    %mul3A_9 = arith.constant 640 : i32
    %mul3A_10 = arith.muli %arg1, %mul3A_9 : i32
    %add3A_11 = arith.constant 128 : i32
    %add3A_12 = arith.addi %mul3A_10, %add3A_11 : i32
    "tpu.region"() ({
      %run_scoped3A = tpu.sem_alloc : memref<!tpu.dma_semaphore, #tpu.memory_space<semaphore_mem>>
      %dma_start3A = arith.constant 0 : i32
      %dma_start3A_36 = tpu.memref_slice %arg8[%add3A_12, %dma_start3A] : memref<10240x128xf32, #tpu.memory_space<vmem_shared>> -> memref<128x128xf32, #tpu.memory_space<vmem_shared>>
      %dma_start3A_37 = arith.constant 0 : i32
      %dma_start3A_38 = tpu.memref_slice %arg8[%add3A_12, %dma_start3A_37] : memref<10240x128xf32, #tpu.memory_space<vmem_shared>> -> memref<128x128xf32, #tpu.memory_space<vmem_shared>>
      tpu.enqueue_dma source(%arg5 : memref<128x128xf32, #tpu.memory_space<vmem>>) target(%dma_start3A_38 : memref<128x128xf32, #tpu.memory_space<vmem_shared>>) target_semaphore(%run_scoped3A : memref<!tpu.dma_semaphore, #tpu.memory_space<semaphore_mem>>)
      %dma_wait3A = arith.constant 0 : i32
      %dma_wait3A_39 = tpu.memref_slice %arg8[%add3A_12, %dma_wait3A] : memref<10240x128xf32, #tpu.memory_space<vmem_shared>> -> memref<128x128xf32, #tpu.memory_space<vmem_shared>>
      %dma_wait3A_40 = arith.constant 0 : i32
      %dma_wait3A_41 = tpu.memref_slice %arg8[%add3A_12, %dma_wait3A_40] : memref<10240x128xf32, #tpu.memory_space<vmem_shared>> -> memref<128x128xf32, #tpu.memory_space<vmem_shared>>
      tpu.wait_dma2 semaphore(%run_scoped3A : memref<!tpu.dma_semaphore, #tpu.memory_space<semaphore_mem>>) src(%arg5 : memref<128x128xf32, #tpu.memory_space<vmem>>) dst(%dma_wait3A_41 : memref<128x128xf32, #tpu.memory_space<vmem_shared>>)
      tpu.yield
    }) : () -> ()
    %mul3A_13 = arith.constant 640 : i32
    %mul3A_14 = arith.muli %arg1, %mul3A_13 : i32
    %add3A_15 = arith.constant 256 : i32
    %add3A_16 = arith.addi %mul3A_14, %add3A_15 : i32
    "tpu.region"() ({
      %run_scoped3A = tpu.sem_alloc : memref<!tpu.dma_semaphore, #tpu.memory_space<semaphore_mem>>
      %dma_start3A = arith.constant 0 : i32
      %dma_start3A_36 = tpu.memref_slice %arg8[%add3A_16, %dma_start3A] : memref<10240x128xf32, #tpu.memory_space<vmem_shared>> -> memref<128x128xf32, #tpu.memory_space<vmem_shared>>
      %dma_start3A_37 = arith.constant 0 : i32
      %dma_start3A_38 = tpu.memref_slice %arg8[%add3A_16, %dma_start3A_37] : memref<10240x128xf32, #tpu.memory_space<vmem_shared>> -> memref<128x128xf32, #tpu.memory_space<vmem_shared>>
      tpu.enqueue_dma source(%arg5 : memref<128x128xf32, #tpu.memory_space<vmem>>) target(%dma_start3A_38 : memref<128x128xf32, #tpu.memory_space<vmem_shared>>) target_semaphore(%run_scoped3A : memref<!tpu.dma_semaphore, #tpu.memory_space<semaphore_mem>>)
      %dma_wait3A = arith.constant 0 : i32
      %dma_wait3A_39 = tpu.memref_slice %arg8[%add3A_16, %dma_wait3A] : memref<10240x128xf32, #tpu.memory_space<vmem_shared>> -> memref<128x128xf32, #tpu.memory_space<vmem_shared>>
      %dma_wait3A_40 = arith.constant 0 : i32
      %dma_wait3A_41 = tpu.memref_slice %arg8[%add3A_16, %dma_wait3A_40] : memref<10240x128xf32, #tpu.memory_space<vmem_shared>> -> memref<128x128xf32, #tpu.memory_space<vmem_shared>>
      tpu.wait_dma2 semaphore(%run_scoped3A : memref<!tpu.dma_semaphore, #tpu.memory_space<semaphore_mem>>) src(%arg5 : memref<128x128xf32, #tpu.memory_space<vmem>>) dst(%dma_wait3A_41 : memref<128x128xf32, #tpu.memory_space<vmem_shared>>)
      tpu.yield
    }) : () -> ()
    %mul3A_17 = arith.constant 640 : i32
    %mul3A_18 = arith.muli %arg1, %mul3A_17 : i32
    %add3A_19 = arith.constant 384 : i32
    %add3A_20 = arith.addi %mul3A_18, %add3A_19 : i32
    "tpu.region"() ({
      %run_scoped3A = tpu.sem_alloc : memref<!tpu.dma_semaphore, #tpu.memory_space<semaphore_mem>>
      %dma_start3A = arith.constant 0 : i32
      %dma_start3A_36 = tpu.memref_slice %arg8[%add3A_20, %dma_start3A] : memref<10240x128xf32, #tpu.memory_space<vmem_shared>> -> memref<128x128xf32, #tpu.memory_space<vmem_shared>>
      %dma_start3A_37 = arith.constant 0 : i32
      %dma_start3A_38 = tpu.memref_slice %arg8[%add3A_20, %dma_start3A_37] : memref<10240x128xf32, #tpu.memory_space<vmem_shared>> -> memref<128x128xf32, #tpu.memory_space<vmem_shared>>
      tpu.enqueue_dma source(%arg5 : memref<128x128xf32, #tpu.memory_space<vmem>>) target(%dma_start3A_38 : memref<128x128xf32, #tpu.memory_space<vmem_shared>>) target_semaphore(%run_scoped3A : memref<!tpu.dma_semaphore, #tpu.memory_space<semaphore_mem>>)
      %dma_wait3A = arith.constant 0 : i32
      %dma_wait3A_39 = tpu.memref_slice %arg8[%add3A_20, %dma_wait3A] : memref<10240x128xf32, #tpu.memory_space<vmem_shared>> -> memref<128x128xf32, #tpu.memory_space<vmem_shared>>
      %dma_wait3A_40 = arith.constant 0 : i32
      %dma_wait3A_41 = tpu.memref_slice %arg8[%add3A_20, %dma_wait3A_40] : memref<10240x128xf32, #tpu.memory_space<vmem_shared>> -> memref<128x128xf32, #tpu.memory_space<vmem_shared>>
      tpu.wait_dma2 semaphore(%run_scoped3A : memref<!tpu.dma_semaphore, #tpu.memory_space<semaphore_mem>>) src(%arg5 : memref<128x128xf32, #tpu.memory_space<vmem>>) dst(%dma_wait3A_41 : memref<128x128xf32, #tpu.memory_space<vmem_shared>>)
      tpu.yield
    }) : () -> ()
    %mul3A_21 = arith.constant 640 : i32
    %mul3A_22 = arith.muli %arg1, %mul3A_21 : i32
    %add3A_23 = arith.constant 512 : i32
    %add3A_24 = arith.addi %mul3A_22, %add3A_23 : i32
    "tpu.region"() ({
      %run_scoped3A = tpu.sem_alloc : memref<!tpu.dma_semaphore, #tpu.memory_space<semaphore_mem>>
      %dma_start3A = arith.constant 0 : i32
      %dma_start3A_36 = tpu.memref_slice %arg8[%add3A_24, %dma_start3A] : memref<10240x128xf32, #tpu.memory_space<vmem_shared>> -> memref<128x128xf32, #tpu.memory_space<vmem_shared>>
      %dma_start3A_37 = arith.constant 0 : i32
      %dma_start3A_38 = tpu.memref_slice %arg8[%add3A_24, %dma_start3A_37] : memref<10240x128xf32, #tpu.memory_space<vmem_shared>> -> memref<128x128xf32, #tpu.memory_space<vmem_shared>>
      tpu.enqueue_dma source(%arg5 : memref<128x128xf32, #tpu.memory_space<vmem>>) target(%dma_start3A_38 : memref<128x128xf32, #tpu.memory_space<vmem_shared>>) target_semaphore(%run_scoped3A : memref<!tpu.dma_semaphore, #tpu.memory_space<semaphore_mem>>)
      %dma_wait3A = arith.constant 0 : i32
      %dma_wait3A_39 = tpu.memref_slice %arg8[%add3A_24, %dma_wait3A] : memref<10240x128xf32, #tpu.memory_space<vmem_shared>> -> memref<128x128xf32, #tpu.memory_space<vmem_shared>>
      %dma_wait3A_40 = arith.constant 0 : i32
      %dma_wait3A_41 = tpu.memref_slice %arg8[%add3A_24, %dma_wait3A_40] : memref<10240x128xf32, #tpu.memory_space<vmem_shared>> -> memref<128x128xf32, #tpu.memory_space<vmem_shared>>
      tpu.wait_dma2 semaphore(%run_scoped3A : memref<!tpu.dma_semaphore, #tpu.memory_space<semaphore_mem>>) src(%arg5 : memref<128x128xf32, #tpu.memory_space<vmem>>) dst(%dma_wait3A_41 : memref<128x128xf32, #tpu.memory_space<vmem_shared>>)
      tpu.yield
    }) : () -> ()
    %barrier3A = arith.constant 0 : index
    tpu.barrier barrier_id(%barrier3A)
    %scan3A_25 = arith.constant 0 : i32
    %scan3A_26 = arith.constant 0 : i32
    %scan3A_27 = arith.constant 80 : i32
    %scan3A_28 = arith.addi %scan3A_26, %scan3A_27 : i32
    %scan3A_29 = arith.constant 1 : i32
    scf.for %scan3A_36 = %scan3A_26 to %scan3A_28 step %scan3A_29  : i32 {
      %mul3A_37 = arith.constant 10240 : i32
      %mul3A_38 = arith.muli %arg1, %mul3A_37 : i32
      %mul3A_39 = arith.constant 128 : i32
      %mul3A_40 = arith.muli %scan3A_36, %mul3A_39 : i32
      %add3A_41 = arith.addi %mul3A_38, %mul3A_40 : i32
      "tpu.region"() ({
        %run_scoped3A = tpu.sem_alloc : memref<!tpu.dma_semaphore, #tpu.memory_space<semaphore_mem>>
        %dma_start3A = tpu.memref_slice %arg3[%add3A_0, %add3A_41] : memref<4x163840xi32, #tpu.memory_space<hbm>> -> memref<1x128xi32, #tpu.memory_space<hbm>>
        %dma_start3A_42 = tpu.memref_squeeze %dma_start3A : memref<1x128xi32, #tpu.memory_space<hbm>> -> memref<128xi32, #tpu.memory_space<hbm>>
        %dma_start3A_43 = tpu.memref_slice %arg3[%add3A_0, %add3A_41] : memref<4x163840xi32, #tpu.memory_space<hbm>> -> memref<1x128xi32, #tpu.memory_space<hbm>>
        %dma_start3A_44 = tpu.memref_squeeze %dma_start3A_43 : memref<1x128xi32, #tpu.memory_space<hbm>> -> memref<128xi32, #tpu.memory_space<hbm>>
        tpu.enqueue_dma source(%dma_start3A_44 : memref<128xi32, #tpu.memory_space<hbm>>) target(%arg7 : memref<128xi32, #tpu.memory_space<vmem>>) target_semaphore(%run_scoped3A : memref<!tpu.dma_semaphore, #tpu.memory_space<semaphore_mem>>)
        %dma_wait3A = tpu.memref_slice %arg3[%add3A_0, %add3A_41] : memref<4x163840xi32, #tpu.memory_space<hbm>> -> memref<1x128xi32, #tpu.memory_space<hbm>>
        %dma_wait3A_45 = tpu.memref_squeeze %dma_wait3A : memref<1x128xi32, #tpu.memory_space<hbm>> -> memref<128xi32, #tpu.memory_space<hbm>>
        %dma_wait3A_46 = tpu.memref_slice %arg3[%add3A_0, %add3A_41] : memref<4x163840xi32, #tpu.memory_space<hbm>> -> memref<1x128xi32, #tpu.memory_space<hbm>>
        %dma_wait3A_47 = tpu.memref_squeeze %dma_wait3A_46 : memref<1x128xi32, #tpu.memory_space<hbm>> -> memref<128xi32, #tpu.memory_space<hbm>>
        tpu.wait_dma2 semaphore(%run_scoped3A : memref<!tpu.dma_semaphore, #tpu.memory_space<semaphore_mem>>) src(%dma_wait3A_47 : memref<128xi32, #tpu.memory_space<hbm>>) dst(%arg7 : memref<128xi32, #tpu.memory_space<vmem>>)
        tpu.yield
      }) : () -> ()
      "tpu.region"() ({
        %run_scoped3A = tpu.sem_alloc : memref<!tpu.dma_semaphore, #tpu.memory_space<semaphore_mem>>
        %dma_start3A = arith.constant 0 : i32
        %dma_start3A_42 = tpu.memref_slice %arg2[%add3A_0, %add3A_41, %dma_start3A] : memref<4x163840x128xf32, #tpu.memory_space<hbm>> -> memref<1x128x128xf32, #tpu.memory_space<hbm>>
        %dma_start3A_43 = tpu.memref_squeeze %dma_start3A_42 : memref<1x128x128xf32, #tpu.memory_space<hbm>> -> memref<128x128xf32, #tpu.memory_space<hbm>>
        %dma_start3A_44 = arith.constant 0 : i32
        %dma_start3A_45 = tpu.memref_slice %arg2[%add3A_0, %add3A_41, %dma_start3A_44] : memref<4x163840x128xf32, #tpu.memory_space<hbm>> -> memref<1x128x128xf32, #tpu.memory_space<hbm>>
        %dma_start3A_46 = tpu.memref_squeeze %dma_start3A_45 : memref<1x128x128xf32, #tpu.memory_space<hbm>> -> memref<128x128xf32, #tpu.memory_space<hbm>>
        tpu.enqueue_dma source(%dma_start3A_46 : memref<128x128xf32, #tpu.memory_space<hbm>>) target(%arg6 : memref<128x128xf32, #tpu.memory_space<vmem>>) target_semaphore(%run_scoped3A : memref<!tpu.dma_semaphore, #tpu.memory_space<semaphore_mem>>)
        %dma_wait3A = arith.constant 0 : i32
        %dma_wait3A_47 = tpu.memref_slice %arg2[%add3A_0, %add3A_41, %dma_wait3A] : memref<4x163840x128xf32, #tpu.memory_space<hbm>> -> memref<1x128x128xf32, #tpu.memory_space<hbm>>
        %dma_wait3A_48 = tpu.memref_squeeze %dma_wait3A_47 : memref<1x128x128xf32, #tpu.memory_space<hbm>> -> memref<128x128xf32, #tpu.memory_space<hbm>>
        %dma_wait3A_49 = arith.constant 0 : i32
        %dma_wait3A_50 = tpu.memref_slice %arg2[%add3A_0, %add3A_41, %dma_wait3A_49] : memref<4x163840x128xf32, #tpu.memory_space<hbm>> -> memref<1x128x128xf32, #tpu.memory_space<hbm>>
        %dma_wait3A_51 = tpu.memref_squeeze %dma_wait3A_50 : memref<1x128x128xf32, #tpu.memory_space<hbm>> -> memref<128x128xf32, #tpu.memory_space<hbm>>
        tpu.wait_dma2 semaphore(%run_scoped3A : memref<!tpu.dma_semaphore, #tpu.memory_space<semaphore_mem>>) src(%dma_wait3A_51 : memref<128x128xf32, #tpu.memory_space<hbm>>) dst(%arg6 : memref<128x128xf32, #tpu.memory_space<vmem>>)
        tpu.yield
      }) : () -> ()
      "tpu.region"() ({
        %run_scoped3A = tpu.sem_alloc : memref<!tpu.dma_semaphore, #tpu.memory_space<semaphore_mem>>
        %dma_start3A = arith.constant 0 : i32
        %dma_start3A_42 = arith.constant 0 : i32
        %dma_start3A_43 = tpu.memref_slice %arg8[%dma_start3A, %dma_start3A_42] : memref<10240x128xf32, #tpu.memory_space<vmem_shared>> -> memref<10240x128xf32, #tpu.memory_space<vmem_shared>>
        tpu.enqueue_indirect_dma source(%arg6 : memref<128x128xf32, #tpu.memory_space<vmem>>) target(%dma_start3A_43 : memref<10240x128xf32, #tpu.memory_space<vmem_shared>>) offsets(%arg7 : memref<128xi32, #tpu.memory_space<vmem>>) semaphore(%run_scoped3A : memref<!tpu.dma_semaphore, #tpu.memory_space<semaphore_mem>>) {add = true}
        %dma_wait3A = arith.constant 0 : i32
        %dma_wait3A_44 = arith.constant 0 : i32
        %dma_wait3A_45 = tpu.memref_slice %arg8[%dma_wait3A, %dma_wait3A_44] : memref<10240x128xf32, #tpu.memory_space<vmem_shared>> -> memref<10240x128xf32, #tpu.memory_space<vmem_shared>>
        tpu.wait_indirect_dma semaphore(%run_scoped3A : memref<!tpu.dma_semaphore, #tpu.memory_space<semaphore_mem>>) src(%arg6 : memref<128x128xf32, #tpu.memory_space<vmem>>) dst(%dma_wait3A_45 : memref<10240x128xf32, #tpu.memory_space<vmem_shared>>)
        tpu.yield
      }) : () -> ()
    }
    %scan3A_30 = arith.constant 80 : i32
    %barrier3A_31 = arith.constant 0 : index
    tpu.barrier barrier_id(%barrier3A_31)
    %mul3A_32 = arith.constant 640 : i32
    %mul3A_33 = arith.muli %arg1, %mul3A_32 : i32
    %mul3A_34 = arith.constant 640 : i32
    %mul3A_35 = arith.muli %arg1, %mul3A_34 : i32
    "tpu.region"() ({
      %run_scoped3A = tpu.sem_alloc : memref<!tpu.dma_semaphore, #tpu.memory_space<semaphore_mem>>
      %dma_start3A = arith.constant 0 : i32
      %dma_start3A_36 = tpu.memref_slice %arg4[%arg0, %mul3A_35, %dma_start3A] : memref<2x10240x128xf32, #tpu.memory_space<hbm>> -> memref<1x640x128xf32, #tpu.memory_space<hbm>>
      %dma_start3A_37 = tpu.memref_squeeze %dma_start3A_36 : memref<1x640x128xf32, #tpu.memory_space<hbm>> -> memref<640x128xf32, #tpu.memory_space<hbm>>
      %dma_start3A_38 = arith.constant 0 : i32
      %dma_start3A_39 = tpu.memref_slice %arg8[%mul3A_33, %dma_start3A_38] : memref<10240x128xf32, #tpu.memory_space<vmem_shared>> -> memref<640x128xf32, #tpu.memory_space<vmem_shared>>
      tpu.enqueue_dma source(%dma_start3A_39 : memref<640x128xf32, #tpu.memory_space<vmem_shared>>) target(%dma_start3A_37 : memref<640x128xf32, #tpu.memory_space<hbm>>) target_semaphore(%run_scoped3A : memref<!tpu.dma_semaphore, #tpu.memory_space<semaphore_mem>>)
      %dma_wait3A = arith.constant 0 : i32
      %dma_wait3A_40 = tpu.memref_slice %arg4[%arg0, %mul3A_35, %dma_wait3A] : memref<2x10240x128xf32, #tpu.memory_space<hbm>> -> memref<1x640x128xf32, #tpu.memory_space<hbm>>
      %dma_wait3A_41 = tpu.memref_squeeze %dma_wait3A_40 : memref<1x640x128xf32, #tpu.memory_space<hbm>> -> memref<640x128xf32, #tpu.memory_space<hbm>>
      %dma_wait3A_42 = arith.constant 0 : i32
      %dma_wait3A_43 = tpu.memref_slice %arg8[%mul3A_33, %dma_wait3A_42] : memref<10240x128xf32, #tpu.memory_space<vmem_shared>> -> memref<640x128xf32, #tpu.memory_space<vmem_shared>>
      tpu.wait_dma2 semaphore(%run_scoped3A : memref<!tpu.dma_semaphore, #tpu.memory_space<semaphore_mem>>) src(%dma_wait3A_43 : memref<640x128xf32, #tpu.memory_space<vmem_shared>>) dst(%dma_wait3A_41 : memref<640x128xf32, #tpu.memory_space<hbm>>)
      tpu.yield
    }) : () -> ()
    return
  }
}

#map = affine_map<(d0, d1) -> (0, 0, 0)>
#map1 = affine_map<(d0, d1) -> (0, 0)>
module attributes {stable_mosaic.version = 14 : i64} {
  func.func @_scatter_body(%arg0: i32, %arg1: i32, %arg2: memref<4x163840x128xf32, #tpu.memory_space<hbm>>, %arg3: memref<4x163840xi32, #tpu.memory_space<hbm>>, %arg4: memref<2x10240x128xf32, #tpu.memory_space<hbm>>, %arg5: memref<128x128xf32, #tpu.memory_space<vmem>>, %arg6: memref<128x128xf32, #tpu.memory_space<vmem>>, %arg7: memref<128xi32, #tpu.memory_space<vmem>>, %arg8: memref<10240x128xf32, #tpu.memory_space<vmem_shared>>) attributes {dimension_semantics = [#tpu.dimension_semantics<core_parallel>, #tpu.dimension_semantics<subcore_parallel>], iteration_bounds = array<i64: 2, 16>, scalar_prefetch = 0 : i64, scratch_operands = 4 : i64, tpu.core_type = #tpu.core_type<sc_vector_subcore>, window_params = [{transform_indices = #map}, {transform_indices = #map1}, {transform_indices = #map}]} {
    %add3A = arith.constant 2 : i32
    %add3A_0 = arith.addi %add3A, %arg0 : i32
    %scan3A = arith.constant 0 : i32
    %scan3A_1 = arith.constant 0 : i32
    %scan3A_2 = arith.constant 1024 : i32
    %scan3A_3 = arith.addi %scan3A_1, %scan3A_2 : i32
    %scan3A_4 = arith.constant 1 : i32
    scf.for %scan3A_36 = %scan3A_1 to %scan3A_3 step %scan3A_4  : i32 {
      %broadcast_in_dim3A = arith.constant 0.000000e+00 : f32
      %broadcast_in_dim3A_37 = vector.broadcast %broadcast_in_dim3A : f32 to vector<16xf32>
      %jit3A = arith.constant 8 : i32
      %div3A = arith.divsi %scan3A_36, %jit3A : i32
      %sign3A = arith.constant 0 : i32
      %sign3A_38 = arith.cmpi sgt, %scan3A_36, %sign3A : i32
      %sign3A_39 = arith.extui %sign3A_38 : i1 to i32
      %sign3A_40 = arith.constant 0 : i32
      %sign3A_41 = arith.cmpi slt, %scan3A_36, %sign3A_40 : i32
      %sign3A_42 = arith.extui %sign3A_41 : i1 to i32
      %sign3A_43 = arith.subi %sign3A_39, %sign3A_42 : i32
      %sign3A_44 = arith.constant 0 : i32
      %sign3A_45 = arith.cmpi sgt, %jit3A, %sign3A_44 : i32
      %sign3A_46 = arith.extui %sign3A_45 : i1 to i32
      %sign3A_47 = arith.constant 0 : i32
      %sign3A_48 = arith.cmpi slt, %jit3A, %sign3A_47 : i32
      %sign3A_49 = arith.extui %sign3A_48 : i1 to i32
      %sign3A_50 = arith.subi %sign3A_46, %sign3A_49 : i32
      %ne3A = arith.cmpi ne, %sign3A_43, %sign3A_50 : i32
      %rem3A = arith.remsi %scan3A_36, %jit3A : i32
      %ne3A_51 = arith.constant 0 : i32
      %ne3A_52 = arith.cmpi ne, %rem3A, %ne3A_51 : i32
      %and3A = arith.andi %ne3A, %ne3A_52 : i1
      %sub3A = arith.constant 1 : i32
      %sub3A_53 = arith.subi %div3A, %sub3A : i32
      %select_n3A = arith.select %and3A, %sub3A_53, %div3A : i32
      %jit3A_54 = arith.constant 8 : i32
      %eq3A = arith.constant 0 : i32
      %eq3A_55 = arith.cmpi eq, %jit3A_54, %eq3A : i32
      %jit3A_56 = arith.constant 1 : i32
      %select_n3A_57 = arith.select %eq3A_55, %jit3A_56, %jit3A_54 : i32
      %rem3A_58 = arith.remsi %scan3A_36, %select_n3A_57 : i32
      %ne3A_59 = arith.constant 0 : i32
      %ne3A_60 = arith.cmpi ne, %rem3A_58, %ne3A_59 : i32
      %lt3A = arith.constant 0 : i32
      %lt3A_61 = arith.cmpi slt, %rem3A_58, %lt3A : i32
      %lt3A_62 = arith.constant 0 : i32
      %lt3A_63 = arith.cmpi slt, %select_n3A_57, %lt3A_62 : i32
      %ne3A_64 = arith.xori %lt3A_61, %lt3A_63 : i1
      %and3A_65 = arith.andi %ne3A_64, %ne3A_60 : i1
      %add3A_66 = arith.addi %rem3A_58, %select_n3A_57 : i32
      %select_n3A_67 = arith.select %and3A_65, %add3A_66, %rem3A_58 : i32
      %mul3A_68 = arith.constant 16 : i32
      %mul3A_69 = arith.muli %select_n3A_67, %mul3A_68 : i32
      %swap3A = arith.index_cast %select_n3A : i32 to index
      %swap3A_70 = arith.index_cast %mul3A_69 : i32 to index
      %swap3A_71 = tpu.vector_load %arg5[%swap3A, %swap3A_70] {strides = array<i32>} : memref<128x128xf32, #tpu.memory_space<vmem>>, vector<1x16xf32>,
      %swap3A_72 = vector.shape_cast %swap3A_71 : vector<1x16xf32> to vector<16xf32>
      %swap3A_73 = vector.shape_cast %broadcast_in_dim3A_37 : vector<16xf32> to vector<1x16xf32>
      tpu.vector_store %arg5[%swap3A, %swap3A_70], %swap3A_73 {strides = array<i32>} : memref<128x128xf32, #tpu.memory_space<vmem>>, vector<1x16xf32>,
    }
    %scan3A_5 = arith.constant 1024 : i32
    %mul3A = arith.constant 640 : i32
    %mul3A_6 = arith.muli %arg1, %mul3A : i32
    %add3A_7 = arith.constant 0 : i32
    %add3A_8 = arith.addi %mul3A_6, %add3A_7 : i32
    "tpu.region"() ({
      %run_scoped3A = tpu.sem_alloc : memref<!tpu.dma_semaphore, #tpu.memory_space<semaphore_mem>>
      %dma_start3A = arith.constant 0 : i32
      %dma_start3A_36 = tpu.memref_slice %arg8[%add3A_8, %dma_start3A] : memref<10240x128xf32, #tpu.memory_space<vmem_shared>> -> memref<128x128xf32, #tpu.memory_space<vmem_shared>>
      %dma_start3A_37 = arith.constant 0 : i32
      %dma_start3A_38 = tpu.memref_slice %arg8[%add3A_8, %dma_start3A_37] : memref<10240x128xf32, #tpu.memory_space<vmem_shared>> -> memref<128x128xf32, #tpu.memory_space<vmem_shared>>
      tpu.enqueue_dma source(%arg5 : memref<128x128xf32, #tpu.memory_space<vmem>>) target(%dma_start3A_38 : memref<128x128xf32, #tpu.memory_space<vmem_shared>>) target_semaphore(%run_scoped3A : memref<!tpu.dma_semaphore, #tpu.memory_space<semaphore_mem>>)
      %dma_wait3A = arith.constant 0 : i32
      %dma_wait3A_39 = tpu.memref_slice %arg8[%add3A_8, %dma_wait3A] : memref<10240x128xf32, #tpu.memory_space<vmem_shared>> -> memref<128x128xf32, #tpu.memory_space<vmem_shared>>
      %dma_wait3A_40 = arith.constant 0 : i32
      %dma_wait3A_41 = tpu.memref_slice %arg8[%add3A_8, %dma_wait3A_40] : memref<10240x128xf32, #tpu.memory_space<vmem_shared>> -> memref<128x128xf32, #tpu.memory_space<vmem_shared>>
      tpu.wait_dma2 semaphore(%run_scoped3A : memref<!tpu.dma_semaphore, #tpu.memory_space<semaphore_mem>>) src(%arg5 : memref<128x128xf32, #tpu.memory_space<vmem>>) dst(%dma_wait3A_41 : memref<128x128xf32, #tpu.memory_space<vmem_shared>>)
      tpu.yield
    }) : () -> ()
    %mul3A_9 = arith.constant 640 : i32
    %mul3A_10 = arith.muli %arg1, %mul3A_9 : i32
    %add3A_11 = arith.constant 128 : i32
    %add3A_12 = arith.addi %mul3A_10, %add3A_11 : i32
    "tpu.region"() ({
      %run_scoped3A = tpu.sem_alloc : memref<!tpu.dma_semaphore, #tpu.memory_space<semaphore_mem>>
      %dma_start3A = arith.constant 0 : i32
      %dma_start3A_36 = tpu.memref_slice %arg8[%add3A_12, %dma_start3A] : memref<10240x128xf32, #tpu.memory_space<vmem_shared>> -> memref<128x128xf32, #tpu.memory_space<vmem_shared>>
      %dma_start3A_37 = arith.constant 0 : i32
      %dma_start3A_38 = tpu.memref_slice %arg8[%add3A_12, %dma_start3A_37] : memref<10240x128xf32, #tpu.memory_space<vmem_shared>> -> memref<128x128xf32, #tpu.memory_space<vmem_shared>>
      tpu.enqueue_dma source(%arg5 : memref<128x128xf32, #tpu.memory_space<vmem>>) target(%dma_start3A_38 : memref<128x128xf32, #tpu.memory_space<vmem_shared>>) target_semaphore(%run_scoped3A : memref<!tpu.dma_semaphore, #tpu.memory_space<semaphore_mem>>)
      %dma_wait3A = arith.constant 0 : i32
      %dma_wait3A_39 = tpu.memref_slice %arg8[%add3A_12, %dma_wait3A] : memref<10240x128xf32, #tpu.memory_space<vmem_shared>> -> memref<128x128xf32, #tpu.memory_space<vmem_shared>>
      %dma_wait3A_40 = arith.constant 0 : i32
      %dma_wait3A_41 = tpu.memref_slice %arg8[%add3A_12, %dma_wait3A_40] : memref<10240x128xf32, #tpu.memory_space<vmem_shared>> -> memref<128x128xf32, #tpu.memory_space<vmem_shared>>
      tpu.wait_dma2 semaphore(%run_scoped3A : memref<!tpu.dma_semaphore, #tpu.memory_space<semaphore_mem>>) src(%arg5 : memref<128x128xf32, #tpu.memory_space<vmem>>) dst(%dma_wait3A_41 : memref<128x128xf32, #tpu.memory_space<vmem_shared>>)
      tpu.yield
    }) : () -> ()
    %mul3A_13 = arith.constant 640 : i32
    %mul3A_14 = arith.muli %arg1, %mul3A_13 : i32
    %add3A_15 = arith.constant 256 : i32
    %add3A_16 = arith.addi %mul3A_14, %add3A_15 : i32
    "tpu.region"() ({
      %run_scoped3A = tpu.sem_alloc : memref<!tpu.dma_semaphore, #tpu.memory_space<semaphore_mem>>
      %dma_start3A = arith.constant 0 : i32
      %dma_start3A_36 = tpu.memref_slice %arg8[%add3A_16, %dma_start3A] : memref<10240x128xf32, #tpu.memory_space<vmem_shared>> -> memref<128x128xf32, #tpu.memory_space<vmem_shared>>
      %dma_start3A_37 = arith.constant 0 : i32
      %dma_start3A_38 = tpu.memref_slice %arg8[%add3A_16, %dma_start3A_37] : memref<10240x128xf32, #tpu.memory_space<vmem_shared>> -> memref<128x128xf32, #tpu.memory_space<vmem_shared>>
      tpu.enqueue_dma source(%arg5 : memref<128x128xf32, #tpu.memory_space<vmem>>) target(%dma_start3A_38 : memref<128x128xf32, #tpu.memory_space<vmem_shared>>) target_semaphore(%run_scoped3A : memref<!tpu.dma_semaphore, #tpu.memory_space<semaphore_mem>>)
      %dma_wait3A = arith.constant 0 : i32
      %dma_wait3A_39 = tpu.memref_slice %arg8[%add3A_16, %dma_wait3A] : memref<10240x128xf32, #tpu.memory_space<vmem_shared>> -> memref<128x128xf32, #tpu.memory_space<vmem_shared>>
      %dma_wait3A_40 = arith.constant 0 : i32
      %dma_wait3A_41 = tpu.memref_slice %arg8[%add3A_16, %dma_wait3A_40] : memref<10240x128xf32, #tpu.memory_space<vmem_shared>> -> memref<128x128xf32, #tpu.memory_space<vmem_shared>>
      tpu.wait_dma2 semaphore(%run_scoped3A : memref<!tpu.dma_semaphore, #tpu.memory_space<semaphore_mem>>) src(%arg5 : memref<128x128xf32, #tpu.memory_space<vmem>>) dst(%dma_wait3A_41 : memref<128x128xf32, #tpu.memory_space<vmem_shared>>)
      tpu.yield
    }) : () -> ()
    %mul3A_17 = arith.constant 640 : i32
    %mul3A_18 = arith.muli %arg1, %mul3A_17 : i32
    %add3A_19 = arith.constant 384 : i32
    %add3A_20 = arith.addi %mul3A_18, %add3A_19 : i32
    "tpu.region"() ({
      %run_scoped3A = tpu.sem_alloc : memref<!tpu.dma_semaphore, #tpu.memory_space<semaphore_mem>>
      %dma_start3A = arith.constant 0 : i32
      %dma_start3A_36 = tpu.memref_slice %arg8[%add3A_20, %dma_start3A] : memref<10240x128xf32, #tpu.memory_space<vmem_shared>> -> memref<128x128xf32, #tpu.memory_space<vmem_shared>>
      %dma_start3A_37 = arith.constant 0 : i32
      %dma_start3A_38 = tpu.memref_slice %arg8[%add3A_20, %dma_start3A_37] : memref<10240x128xf32, #tpu.memory_space<vmem_shared>> -> memref<128x128xf32, #tpu.memory_space<vmem_shared>>
      tpu.enqueue_dma source(%arg5 : memref<128x128xf32, #tpu.memory_space<vmem>>) target(%dma_start3A_38 : memref<128x128xf32, #tpu.memory_space<vmem_shared>>) target_semaphore(%run_scoped3A : memref<!tpu.dma_semaphore, #tpu.memory_space<semaphore_mem>>)
      %dma_wait3A = arith.constant 0 : i32
      %dma_wait3A_39 = tpu.memref_slice %arg8[%add3A_20, %dma_wait3A] : memref<10240x128xf32, #tpu.memory_space<vmem_shared>> -> memref<128x128xf32, #tpu.memory_space<vmem_shared>>
      %dma_wait3A_40 = arith.constant 0 : i32
      %dma_wait3A_41 = tpu.memref_slice %arg8[%add3A_20, %dma_wait3A_40] : memref<10240x128xf32, #tpu.memory_space<vmem_shared>> -> memref<128x128xf32, #tpu.memory_space<vmem_shared>>
      tpu.wait_dma2 semaphore(%run_scoped3A : memref<!tpu.dma_semaphore, #tpu.memory_space<semaphore_mem>>) src(%arg5 : memref<128x128xf32, #tpu.memory_space<vmem>>) dst(%dma_wait3A_41 : memref<128x128xf32, #tpu.memory_space<vmem_shared>>)
      tpu.yield
    }) : () -> ()
    %mul3A_21 = arith.constant 640 : i32
    %mul3A_22 = arith.muli %arg1, %mul3A_21 : i32
    %add3A_23 = arith.constant 512 : i32
    %add3A_24 = arith.addi %mul3A_22, %add3A_23 : i32
    "tpu.region"() ({
      %run_scoped3A = tpu.sem_alloc : memref<!tpu.dma_semaphore, #tpu.memory_space<semaphore_mem>>
      %dma_start3A = arith.constant 0 : i32
      %dma_start3A_36 = tpu.memref_slice %arg8[%add3A_24, %dma_start3A] : memref<10240x128xf32, #tpu.memory_space<vmem_shared>> -> memref<128x128xf32, #tpu.memory_space<vmem_shared>>
      %dma_start3A_37 = arith.constant 0 : i32
      %dma_start3A_38 = tpu.memref_slice %arg8[%add3A_24, %dma_start3A_37] : memref<10240x128xf32, #tpu.memory_space<vmem_shared>> -> memref<128x128xf32, #tpu.memory_space<vmem_shared>>
      tpu.enqueue_dma source(%arg5 : memref<128x128xf32, #tpu.memory_space<vmem>>) target(%dma_start3A_38 : memref<128x128xf32, #tpu.memory_space<vmem_shared>>) target_semaphore(%run_scoped3A : memref<!tpu.dma_semaphore, #tpu.memory_space<semaphore_mem>>)
      %dma_wait3A = arith.constant 0 : i32
      %dma_wait3A_39 = tpu.memref_slice %arg8[%add3A_24, %dma_wait3A] : memref<10240x128xf32, #tpu.memory_space<vmem_shared>> -> memref<128x128xf32, #tpu.memory_space<vmem_shared>>
      %dma_wait3A_40 = arith.constant 0 : i32
      %dma_wait3A_41 = tpu.memref_slice %arg8[%add3A_24, %dma_wait3A_40] : memref<10240x128xf32, #tpu.memory_space<vmem_shared>> -> memref<128x128xf32, #tpu.memory_space<vmem_shared>>
      tpu.wait_dma2 semaphore(%run_scoped3A : memref<!tpu.dma_semaphore, #tpu.memory_space<semaphore_mem>>) src(%arg5 : memref<128x128xf32, #tpu.memory_space<vmem>>) dst(%dma_wait3A_41 : memref<128x128xf32, #tpu.memory_space<vmem_shared>>)
      tpu.yield
    }) : () -> ()
    %barrier3A = arith.constant 0 : index
    tpu.barrier barrier_id(%barrier3A)
    %scan3A_25 = arith.constant 0 : i32
    %scan3A_26 = arith.constant 0 : i32
    %scan3A_27 = arith.constant 80 : i32
    %scan3A_28 = arith.addi %scan3A_26, %scan3A_27 : i32
    %scan3A_29 = arith.constant 1 : i32
    scf.for %scan3A_36 = %scan3A_26 to %scan3A_28 step %scan3A_29  : i32 {
      %mul3A_37 = arith.constant 10240 : i32
      %mul3A_38 = arith.muli %arg1, %mul3A_37 : i32
      %mul3A_39 = arith.constant 128 : i32
      %mul3A_40 = arith.muli %scan3A_36, %mul3A_39 : i32
      %add3A_41 = arith.addi %mul3A_38, %mul3A_40 : i32
      "tpu.region"() ({
        %run_scoped3A = tpu.sem_alloc : memref<!tpu.dma_semaphore, #tpu.memory_space<semaphore_mem>>
        %dma_start3A = tpu.memref_slice %arg3[%add3A_0, %add3A_41] : memref<4x163840xi32, #tpu.memory_space<hbm>> -> memref<1x128xi32, #tpu.memory_space<hbm>>
        %dma_start3A_42 = tpu.memref_squeeze %dma_start3A : memref<1x128xi32, #tpu.memory_space<hbm>> -> memref<128xi32, #tpu.memory_space<hbm>>
        %dma_start3A_43 = tpu.memref_slice %arg3[%add3A_0, %add3A_41] : memref<4x163840xi32, #tpu.memory_space<hbm>> -> memref<1x128xi32, #tpu.memory_space<hbm>>
        %dma_start3A_44 = tpu.memref_squeeze %dma_start3A_43 : memref<1x128xi32, #tpu.memory_space<hbm>> -> memref<128xi32, #tpu.memory_space<hbm>>
        tpu.enqueue_dma source(%dma_start3A_44 : memref<128xi32, #tpu.memory_space<hbm>>) target(%arg7 : memref<128xi32, #tpu.memory_space<vmem>>) target_semaphore(%run_scoped3A : memref<!tpu.dma_semaphore, #tpu.memory_space<semaphore_mem>>)
        %dma_wait3A = tpu.memref_slice %arg3[%add3A_0, %add3A_41] : memref<4x163840xi32, #tpu.memory_space<hbm>> -> memref<1x128xi32, #tpu.memory_space<hbm>>
        %dma_wait3A_45 = tpu.memref_squeeze %dma_wait3A : memref<1x128xi32, #tpu.memory_space<hbm>> -> memref<128xi32, #tpu.memory_space<hbm>>
        %dma_wait3A_46 = tpu.memref_slice %arg3[%add3A_0, %add3A_41] : memref<4x163840xi32, #tpu.memory_space<hbm>> -> memref<1x128xi32, #tpu.memory_space<hbm>>
        %dma_wait3A_47 = tpu.memref_squeeze %dma_wait3A_46 : memref<1x128xi32, #tpu.memory_space<hbm>> -> memref<128xi32, #tpu.memory_space<hbm>>
        tpu.wait_dma2 semaphore(%run_scoped3A : memref<!tpu.dma_semaphore, #tpu.memory_space<semaphore_mem>>) src(%dma_wait3A_47 : memref<128xi32, #tpu.memory_space<hbm>>) dst(%arg7 : memref<128xi32, #tpu.memory_space<vmem>>)
        tpu.yield
      }) : () -> ()
      "tpu.region"() ({
        %run_scoped3A = tpu.sem_alloc : memref<!tpu.dma_semaphore, #tpu.memory_space<semaphore_mem>>
        %dma_start3A = arith.constant 0 : i32
        %dma_start3A_42 = tpu.memref_slice %arg2[%add3A_0, %add3A_41, %dma_start3A] : memref<4x163840x128xf32, #tpu.memory_space<hbm>> -> memref<1x128x128xf32, #tpu.memory_space<hbm>>
        %dma_start3A_43 = tpu.memref_squeeze %dma_start3A_42 : memref<1x128x128xf32, #tpu.memory_space<hbm>> -> memref<128x128xf32, #tpu.memory_space<hbm>>
        %dma_start3A_44 = arith.constant 0 : i32
        %dma_start3A_45 = tpu.memref_slice %arg2[%add3A_0, %add3A_41, %dma_start3A_44] : memref<4x163840x128xf32, #tpu.memory_space<hbm>> -> memref<1x128x128xf32, #tpu.memory_space<hbm>>
        %dma_start3A_46 = tpu.memref_squeeze %dma_start3A_45 : memref<1x128x128xf32, #tpu.memory_space<hbm>> -> memref<128x128xf32, #tpu.memory_space<hbm>>
        tpu.enqueue_dma source(%dma_start3A_46 : memref<128x128xf32, #tpu.memory_space<hbm>>) target(%arg6 : memref<128x128xf32, #tpu.memory_space<vmem>>) target_semaphore(%run_scoped3A : memref<!tpu.dma_semaphore, #tpu.memory_space<semaphore_mem>>)
        %dma_wait3A = arith.constant 0 : i32
        %dma_wait3A_47 = tpu.memref_slice %arg2[%add3A_0, %add3A_41, %dma_wait3A] : memref<4x163840x128xf32, #tpu.memory_space<hbm>> -> memref<1x128x128xf32, #tpu.memory_space<hbm>>
        %dma_wait3A_48 = tpu.memref_squeeze %dma_wait3A_47 : memref<1x128x128xf32, #tpu.memory_space<hbm>> -> memref<128x128xf32, #tpu.memory_space<hbm>>
        %dma_wait3A_49 = arith.constant 0 : i32
        %dma_wait3A_50 = tpu.memref_slice %arg2[%add3A_0, %add3A_41, %dma_wait3A_49] : memref<4x163840x128xf32, #tpu.memory_space<hbm>> -> memref<1x128x128xf32, #tpu.memory_space<hbm>>
        %dma_wait3A_51 = tpu.memref_squeeze %dma_wait3A_50 : memref<1x128x128xf32, #tpu.memory_space<hbm>> -> memref<128x128xf32, #tpu.memory_space<hbm>>
        tpu.wait_dma2 semaphore(%run_scoped3A : memref<!tpu.dma_semaphore, #tpu.memory_space<semaphore_mem>>) src(%dma_wait3A_51 : memref<128x128xf32, #tpu.memory_space<hbm>>) dst(%arg6 : memref<128x128xf32, #tpu.memory_space<vmem>>)
        tpu.yield
      }) : () -> ()
      "tpu.region"() ({
        %run_scoped3A = tpu.sem_alloc : memref<!tpu.dma_semaphore, #tpu.memory_space<semaphore_mem>>
        %dma_start3A = arith.constant 0 : i32
        %dma_start3A_42 = arith.constant 0 : i32
        %dma_start3A_43 = tpu.memref_slice %arg8[%dma_start3A, %dma_start3A_42] : memref<10240x128xf32, #tpu.memory_space<vmem_shared>> -> memref<10240x128xf32, #tpu.memory_space<vmem_shared>>
        tpu.enqueue_indirect_dma source(%arg6 : memref<128x128xf32, #tpu.memory_space<vmem>>) target(%dma_start3A_43 : memref<10240x128xf32, #tpu.memory_space<vmem_shared>>) offsets(%arg7 : memref<128xi32, #tpu.memory_space<vmem>>) semaphore(%run_scoped3A : memref<!tpu.dma_semaphore, #tpu.memory_space<semaphore_mem>>) {add = true}
        %dma_wait3A = arith.constant 0 : i32
        %dma_wait3A_44 = arith.constant 0 : i32
        %dma_wait3A_45 = tpu.memref_slice %arg8[%dma_wait3A, %dma_wait3A_44] : memref<10240x128xf32, #tpu.memory_space<vmem_shared>> -> memref<10240x128xf32, #tpu.memory_space<vmem_shared>>
        tpu.wait_indirect_dma semaphore(%run_scoped3A : memref<!tpu.dma_semaphore, #tpu.memory_space<semaphore_mem>>) src(%arg6 : memref<128x128xf32, #tpu.memory_space<vmem>>) dst(%dma_wait3A_45 : memref<10240x128xf32, #tpu.memory_space<vmem_shared>>)
        tpu.yield
      }) : () -> ()
    }
    %scan3A_30 = arith.constant 80 : i32
    %barrier3A_31 = arith.constant 0 : index
    tpu.barrier barrier_id(%barrier3A_31)
    %mul3A_32 = arith.constant 640 : i32
    %mul3A_33 = arith.muli %arg1, %mul3A_32 : i32
    %mul3A_34 = arith.constant 640 : i32
    %mul3A_35 = arith.muli %arg1, %mul3A_34 : i32
    "tpu.region"() ({
      %run_scoped3A = tpu.sem_alloc : memref<!tpu.dma_semaphore, #tpu.memory_space<semaphore_mem>>
      %dma_start3A = arith.constant 0 : i32
      %dma_start3A_36 = tpu.memref_slice %arg4[%arg0, %mul3A_35, %dma_start3A] : memref<2x10240x128xf32, #tpu.memory_space<hbm>> -> memref<1x640x128xf32, #tpu.memory_space<hbm>>
      %dma_start3A_37 = tpu.memref_squeeze %dma_start3A_36 : memref<1x640x128xf32, #tpu.memory_space<hbm>> -> memref<640x128xf32, #tpu.memory_space<hbm>>
      %dma_start3A_38 = arith.constant 0 : i32
      %dma_start3A_39 = tpu.memref_slice %arg8[%mul3A_33, %dma_start3A_38] : memref<10240x128xf32, #tpu.memory_space<vmem_shared>> -> memref<640x128xf32, #tpu.memory_space<vmem_shared>>
      tpu.enqueue_dma source(%dma_start3A_39 : memref<640x128xf32, #tpu.memory_space<vmem_shared>>) target(%dma_start3A_37 : memref<640x128xf32, #tpu.memory_space<hbm>>) target_semaphore(%run_scoped3A : memref<!tpu.dma_semaphore, #tpu.memory_space<semaphore_mem>>)
      %dma_wait3A = arith.constant 0 : i32
      %dma_wait3A_40 = tpu.memref_slice %arg4[%arg0, %mul3A_35, %dma_wait3A] : memref<2x10240x128xf32, #tpu.memory_space<hbm>> -> memref<1x640x128xf32, #tpu.memory_space<hbm>>
      %dma_wait3A_41 = tpu.memref_squeeze %dma_wait3A_40 : memref<1x640x128xf32, #tpu.memory_space<hbm>> -> memref<640x128xf32, #tpu.memory_space<hbm>>
      %dma_wait3A_42 = arith.constant 0 : i32
      %dma_wait3A_43 = tpu.memref_slice %arg8[%mul3A_33, %dma_wait3A_42] : memref<10240x128xf32, #tpu.memory_space<vmem_shared>> -> memref<640x128xf32, #tpu.memory_space<vmem_shared>>
      tpu.wait_dma2 semaphore(%run_scoped3A : memref<!tpu.dma_semaphore, #tpu.memory_space<semaphore_mem>>) src(%dma_wait3A_43 : memref<640x128xf32, #tpu.memory_space<vmem_shared>>) dst(%dma_wait3A_41 : memref<640x128xf32, #tpu.memory_space<hbm>>)
      tpu.yield
    }) : () -> ()
    return
  }
}

module attributes {stable_mosaic.version = 14 : i64} {
  func.func @_proj_body(%arg0: i32, %arg1: memref<1024x64xf32, #tpu.memory_space<vmem>>, %arg2: memref<64x64xf32, #tpu.memory_space<vmem>>, %arg3: memref<1x64xf32, #tpu.memory_space<vmem>>, %arg4: memref<1x1x1024xi32, #tpu.memory_space<vmem>>, %arg5: memref<256x64xf32, #tpu.memory_space<vmem>>, %arg6: memref<1024x64xf32, #tpu.memory_space<vmem>>) attributes {dimension_semantics = [#tpu.dimension_semantics<arbitrary>], iteration_bounds = array<i64: 10>, scalar_prefetch = 0 : i64, scratch_operands = 0 : i64, tpu.core_type = #tpu.core_type<tc>, window_params = [{transform_indices = @transform_0, window_bounds = array<i64: 1024, 64>}, {pipeline_mode = #tpu.pipeline_mode<synchronous>, transform_indices = @transform_1, window_bounds = array<i64: 64, 64>}, {pipeline_mode = #tpu.pipeline_mode<synchronous>, transform_indices = @transform_2, window_bounds = array<i64: 1, 64>}, {transform_indices = @transform_3, window_bounds = array<i64: 1, 1, 1024>}, {pipeline_mode = #tpu.pipeline_mode<synchronous>, transform_indices = @transform_4, window_bounds = array<i64: 256, 64>}, {transform_indices = @transform_5, window_bounds = array<i64: 1024, 64>}]} {
    %get3A = arith.constant 0 : index
    %get3A_0 = arith.constant 0 : index
    %get3A_1 = vector.load %arg1[%get3A, %get3A_0] : memref<1024x64xf32, #tpu.memory_space<vmem>>, vector<1024x64xf32>
    %get3A_2 = arith.constant 0 : index
    %get3A_3 = arith.constant 0 : index
    %get3A_4 = vector.load %arg2[%get3A_2, %get3A_3] : memref<64x64xf32, #tpu.memory_space<vmem>>, vector<64x64xf32>
    %dot_general3A = arith.constant dense<0.000000e+00> : vector<1024x64xf32>
    %dot_general3A_5 = tpu.matmul %get3A_1, %get3A_4, %dot_general3A {dimension_numbers = #tpu.dot_dimension_numbers<[1], [0], [0], [1], [0, 0, 1, 1], [], []>, transpose_lhs_hint = false} : vector<1024x64xf32>, vector<64x64xf32>, vector<1024x64xf32> -> vector<1024x64xf32>
    %get3A_6 = arith.constant 0 : index
    %get3A_7 = arith.constant 0 : index
    %get3A_8 = vector.load %arg3[%get3A_6, %get3A_7] : memref<1x64xf32, #tpu.memory_space<vmem>>, vector<1x64xf32>
    %get3A_9 = vector.shape_cast %get3A_8 : vector<1x64xf32> to vector<64xf32>
    %broadcast_in_dim3A = vector.shape_cast %get3A_9 : vector<64xf32> to vector<1x64xf32>
    %add3A = vector.broadcast %broadcast_in_dim3A : vector<1x64xf32> to vector<1024x64xf32>
    %add3A_10 = arith.addf %dot_general3A_5, %add3A : vector<1024x64xf32>
    %get3A_11 = arith.constant 0 : index
    %get3A_12 = arith.constant 0 : index
    %get3A_13 = arith.constant 0 : index
    %get3A_14 = vector.load %arg4[%get3A_11, %get3A_12, %get3A_13] : memref<1x1x1024xi32, #tpu.memory_space<vmem>>, vector<1x1x1024xi32>
    %get3A_15 = vector.shape_cast %get3A_14 : vector<1x1x1024xi32> to vector<1024xi32>
    %broadcast_in_dim3A_16 = vector.shape_cast %get3A_15 : vector<1024xi32> to vector<1024x1xi32>
    %iota3A = tpu.iota {dimensions = array<i32: 1>} : vector<1024x256xi32>
    %eq3A = vector.broadcast %broadcast_in_dim3A_16 : vector<1024x1xi32> to vector<1024x256xi32>
    %eq3A_17 = arith.cmpi eq, %eq3A, %iota3A : vector<1024x256xi32>
    %convert_element_type3A = arith.extui %eq3A_17 : vector<1024x256xi1> to vector<1024x256xi32>
    %convert_element_type3A_18 = arith.sitofp %convert_element_type3A : vector<1024x256xi32> to vector<1024x256xf32>
    %get3A_19 = arith.constant 0 : index
    %get3A_20 = arith.constant 0 : index
    %get3A_21 = vector.load %arg5[%get3A_19, %get3A_20] : memref<256x64xf32, #tpu.memory_space<vmem>>, vector<256x64xf32>
    %dot_general3A_22 = arith.constant dense<0.000000e+00> : vector<1024x64xf32>
    %dot_general3A_23 = tpu.matmul %convert_element_type3A_18, %get3A_21, %dot_general3A_22 {dimension_numbers = #tpu.dot_dimension_numbers<[1], [0], [0], [1], [0, 0, 1, 1], [], []>, transpose_lhs_hint = false} : vector<1024x256xf32>, vector<256x64xf32>, vector<1024x64xf32> -> vector<1024x64xf32>
    %add3A_24 = arith.addf %add3A_10, %dot_general3A_23 : vector<1024x64xf32>
    %swap3A = arith.constant 0 : index
    %swap3A_25 = arith.constant 0 : index
    %swap3A_26 = vector.load %arg6[%swap3A, %swap3A_25] : memref<1024x64xf32, #tpu.memory_space<vmem>>, vector<1024x64xf32>
    tpu.vector_store %arg6[%swap3A, %swap3A_25], %add3A_24 {strides = array<i32>} : memref<1024x64xf32, #tpu.memory_space<vmem>>, vector<1024x64xf32>,
    return
  }
  func.func @transform_0(%arg0: i32) -> (i32, i32) {
    %c0_i32 = arith.constant 0 : i32
    %c0_i32_0 = arith.constant 0 : i32
    return %arg0, %c0_i32 : i32, i32
  }
  func.func @transform_1(%arg0: i32) -> (i32, i32) {
    %c0_i32 = arith.constant 0 : i32
    %c0_i32_0 = arith.constant 0 : i32
    %c0_i32_1 = arith.constant 0 : i32
    return %c0_i32, %c0_i32_0 : i32, i32
  }
  func.func @transform_2(%arg0: i32) -> (i32, i32) {
    %c0_i32 = arith.constant 0 : i32
    %c0_i32_0 = arith.constant 0 : i32
    %c0_i32_1 = arith.constant 0 : i32
    return %c0_i32, %c0_i32_0 : i32, i32
  }
  func.func @transform_3(%arg0: i32) -> (i32, i32, i32) {
    %c0_i32 = arith.constant 0 : i32
    %c0_i32_0 = arith.constant 0 : i32
    %c0_i32_1 = arith.constant 0 : i32
    return %arg0, %c0_i32, %c0_i32_0 : i32, i32, i32
  }
  func.func @transform_4(%arg0: i32) -> (i32, i32) {
    %c0_i32 = arith.constant 0 : i32
    %c0_i32_0 = arith.constant 0 : i32
    %c0_i32_1 = arith.constant 0 : i32
    return %c0_i32, %c0_i32_0 : i32, i32
  }
  func.func @transform_5(%arg0: i32) -> (i32, i32) {
    %c0_i32 = arith.constant 0 : i32
    %c0_i32_0 = arith.constant 0 : i32
    return %arg0, %c0_i32 : i32, i32
  }
}

module attributes {stable_mosaic.version = 14 : i64} {
  func.func @_proj_body(%arg0: i32, %arg1: memref<1024x128xf32, #tpu.memory_space<vmem>>, %arg2: memref<128x64xf32, #tpu.memory_space<vmem>>, %arg3: memref<1x64xf32, #tpu.memory_space<vmem>>, %arg4: memref<1x1x1024xi32, #tpu.memory_space<vmem>>, %arg5: memref<256x64xf32, #tpu.memory_space<vmem>>, %arg6: memref<1024x64xf32, #tpu.memory_space<vmem>>) attributes {dimension_semantics = [#tpu.dimension_semantics<arbitrary>], iteration_bounds = array<i64: 10>, scalar_prefetch = 0 : i64, scratch_operands = 0 : i64, tpu.core_type = #tpu.core_type<tc>, window_params = [{transform_indices = @transform_0, window_bounds = array<i64: 1024, 128>}, {pipeline_mode = #tpu.pipeline_mode<synchronous>, transform_indices = @transform_1, window_bounds = array<i64: 128, 64>}, {pipeline_mode = #tpu.pipeline_mode<synchronous>, transform_indices = @transform_2, window_bounds = array<i64: 1, 64>}, {transform_indices = @transform_3, window_bounds = array<i64: 1, 1, 1024>}, {pipeline_mode = #tpu.pipeline_mode<synchronous>, transform_indices = @transform_4, window_bounds = array<i64: 256, 64>}, {transform_indices = @transform_5, window_bounds = array<i64: 1024, 64>}]} {
    %get3A = arith.constant 0 : index
    %get3A_0 = arith.constant 0 : index
    %get3A_1 = vector.load %arg1[%get3A, %get3A_0] : memref<1024x128xf32, #tpu.memory_space<vmem>>, vector<1024x128xf32>
    %get3A_2 = arith.constant 0 : index
    %get3A_3 = arith.constant 0 : index
    %get3A_4 = vector.load %arg2[%get3A_2, %get3A_3] : memref<128x64xf32, #tpu.memory_space<vmem>>, vector<128x64xf32>
    %dot_general3A = arith.constant dense<0.000000e+00> : vector<1024x64xf32>
    %dot_general3A_5 = tpu.matmul %get3A_1, %get3A_4, %dot_general3A {dimension_numbers = #tpu.dot_dimension_numbers<[1], [0], [0], [1], [0, 0, 1, 1], [], []>, transpose_lhs_hint = false} : vector<1024x128xf32>, vector<128x64xf32>, vector<1024x64xf32> -> vector<1024x64xf32>
    %get3A_6 = arith.constant 0 : index
    %get3A_7 = arith.constant 0 : index
    %get3A_8 = vector.load %arg3[%get3A_6, %get3A_7] : memref<1x64xf32, #tpu.memory_space<vmem>>, vector<1x64xf32>
    %get3A_9 = vector.shape_cast %get3A_8 : vector<1x64xf32> to vector<64xf32>
    %broadcast_in_dim3A = vector.shape_cast %get3A_9 : vector<64xf32> to vector<1x64xf32>
    %add3A = vector.broadcast %broadcast_in_dim3A : vector<1x64xf32> to vector<1024x64xf32>
    %add3A_10 = arith.addf %dot_general3A_5, %add3A : vector<1024x64xf32>
    %get3A_11 = arith.constant 0 : index
    %get3A_12 = arith.constant 0 : index
    %get3A_13 = arith.constant 0 : index
    %get3A_14 = vector.load %arg4[%get3A_11, %get3A_12, %get3A_13] : memref<1x1x1024xi32, #tpu.memory_space<vmem>>, vector<1x1x1024xi32>
    %get3A_15 = vector.shape_cast %get3A_14 : vector<1x1x1024xi32> to vector<1024xi32>
    %broadcast_in_dim3A_16 = vector.shape_cast %get3A_15 : vector<1024xi32> to vector<1024x1xi32>
    %iota3A = tpu.iota {dimensions = array<i32: 1>} : vector<1024x256xi32>
    %eq3A = vector.broadcast %broadcast_in_dim3A_16 : vector<1024x1xi32> to vector<1024x256xi32>
    %eq3A_17 = arith.cmpi eq, %eq3A, %iota3A : vector<1024x256xi32>
    %convert_element_type3A = arith.extui %eq3A_17 : vector<1024x256xi1> to vector<1024x256xi32>
    %convert_element_type3A_18 = arith.sitofp %convert_element_type3A : vector<1024x256xi32> to vector<1024x256xf32>
    %get3A_19 = arith.constant 0 : index
    %get3A_20 = arith.constant 0 : index
    %get3A_21 = vector.load %arg5[%get3A_19, %get3A_20] : memref<256x64xf32, #tpu.memory_space<vmem>>, vector<256x64xf32>
    %dot_general3A_22 = arith.constant dense<0.000000e+00> : vector<1024x64xf32>
    %dot_general3A_23 = tpu.matmul %convert_element_type3A_18, %get3A_21, %dot_general3A_22 {dimension_numbers = #tpu.dot_dimension_numbers<[1], [0], [0], [1], [0, 0, 1, 1], [], []>, transpose_lhs_hint = false} : vector<1024x256xf32>, vector<256x64xf32>, vector<1024x64xf32> -> vector<1024x64xf32>
    %add3A_24 = arith.addf %add3A_10, %dot_general3A_23 : vector<1024x64xf32>
    %swap3A = arith.constant 0 : index
    %swap3A_25 = arith.constant 0 : index
    %swap3A_26 = vector.load %arg6[%swap3A, %swap3A_25] : memref<1024x64xf32, #tpu.memory_space<vmem>>, vector<1024x64xf32>
    tpu.vector_store %arg6[%swap3A, %swap3A_25], %add3A_24 {strides = array<i32>} : memref<1024x64xf32, #tpu.memory_space<vmem>>, vector<1024x64xf32>,
    return
  }
  func.func @transform_0(%arg0: i32) -> (i32, i32) {
    %c0_i32 = arith.constant 0 : i32
    %c0_i32_0 = arith.constant 0 : i32
    return %arg0, %c0_i32 : i32, i32
  }
  func.func @transform_1(%arg0: i32) -> (i32, i32) {
    %c0_i32 = arith.constant 0 : i32
    %c0_i32_0 = arith.constant 0 : i32
    %c0_i32_1 = arith.constant 0 : i32
    return %c0_i32, %c0_i32_0 : i32, i32
  }
  func.func @transform_2(%arg0: i32) -> (i32, i32) {
    %c0_i32 = arith.constant 0 : i32
    %c0_i32_0 = arith.constant 0 : i32
    %c0_i32_1 = arith.constant 0 : i32
    return %c0_i32, %c0_i32_0 : i32, i32
  }
  func.func @transform_3(%arg0: i32) -> (i32, i32, i32) {
    %c0_i32 = arith.constant 0 : i32
    %c0_i32_0 = arith.constant 0 : i32
    %c0_i32_1 = arith.constant 0 : i32
    return %arg0, %c0_i32, %c0_i32_0 : i32, i32, i32
  }
  func.func @transform_4(%arg0: i32) -> (i32, i32) {
    %c0_i32 = arith.constant 0 : i32
    %c0_i32_0 = arith.constant 0 : i32
    %c0_i32_1 = arith.constant 0 : i32
    return %c0_i32, %c0_i32_0 : i32, i32
  }
  func.func @transform_5(%arg0: i32) -> (i32, i32) {
    %c0_i32 = arith.constant 0 : i32
    %c0_i32_0 = arith.constant 0 : i32
    return %arg0, %c0_i32 : i32, i32
  }
}

module attributes {stable_mosaic.version = 14 : i64} {
  func.func @_pre_body(%arg0: i32, %arg1: i32, %arg2: memref<1x1024x64xf32, #tpu.memory_space<vmem>>, %arg3: memref<1x64x128xf32, #tpu.memory_space<vmem>>, %arg4: memref<1x1x128xf32, #tpu.memory_space<vmem>>, %arg5: memref<1x1024x128xf32, #tpu.memory_space<vmem>>) attributes {dimension_semantics = [#tpu.dimension_semantics<arbitrary>, #tpu.dimension_semantics<arbitrary>], iteration_bounds = array<i64: 8, 10>, scalar_prefetch = 0 : i64, scratch_operands = 0 : i64, tpu.core_type = #tpu.core_type<tc>, window_params = [{transform_indices = @transform_0, window_bounds = array<i64: 1, 1024, 64>}, {transform_indices = @transform_1, window_bounds = array<i64: 1, 64, 128>}, {transform_indices = @transform_2, window_bounds = array<i64: 1, 1, 128>}, {transform_indices = @transform_3, window_bounds = array<i64: 1, 1024, 128>}]} {
    %get3A = arith.constant 0 : index
    %get3A_0 = arith.constant 0 : index
    %get3A_1 = arith.constant 0 : index
    %get3A_2 = vector.load %arg2[%get3A, %get3A_0, %get3A_1] : memref<1x1024x64xf32, #tpu.memory_space<vmem>>, vector<1x1024x64xf32>
    %get3A_3 = vector.shape_cast %get3A_2 : vector<1x1024x64xf32> to vector<1024x64xf32>
    %get3A_4 = arith.constant 0 : index
    %get3A_5 = arith.constant 0 : index
    %get3A_6 = arith.constant 0 : index
    %get3A_7 = vector.load %arg3[%get3A_4, %get3A_5, %get3A_6] : memref<1x64x128xf32, #tpu.memory_space<vmem>>, vector<1x64x128xf32>
    %get3A_8 = vector.shape_cast %get3A_7 : vector<1x64x128xf32> to vector<64x128xf32>
    %dot_general3A = arith.constant dense<0.000000e+00> : vector<1024x128xf32>
    %dot_general3A_9 = tpu.matmul %get3A_3, %get3A_8, %dot_general3A {dimension_numbers = #tpu.dot_dimension_numbers<[1], [0], [0], [1], [0, 0, 1, 1], [], []>, transpose_lhs_hint = false} : vector<1024x64xf32>, vector<64x128xf32>, vector<1024x128xf32> -> vector<1024x128xf32>
    %get3A_10 = arith.constant 0 : index
    %get3A_11 = arith.constant 0 : index
    %get3A_12 = arith.constant 0 : index
    %get3A_13 = vector.load %arg4[%get3A_10, %get3A_11, %get3A_12] : memref<1x1x128xf32, #tpu.memory_space<vmem>>, vector<1x1x128xf32>
    %get3A_14 = vector.shape_cast %get3A_13 : vector<1x1x128xf32> to vector<128xf32>
    %broadcast_in_dim3A = vector.shape_cast %get3A_14 : vector<128xf32> to vector<1x128xf32>
    %add3A = vector.broadcast %broadcast_in_dim3A : vector<1x128xf32> to vector<1024x128xf32>
    %add3A_15 = arith.addf %dot_general3A_9, %add3A : vector<1024x128xf32>
    %swap3A = arith.constant 0 : index
    %swap3A_16 = arith.constant 0 : index
    %swap3A_17 = arith.constant 0 : index
    %swap3A_18 = vector.load %arg5[%swap3A, %swap3A_16, %swap3A_17] : memref<1x1024x128xf32, #tpu.memory_space<vmem>>, vector<1x1024x128xf32>
    %swap3A_19 = vector.shape_cast %swap3A_18 : vector<1x1024x128xf32> to vector<1024x128xf32>
    %swap3A_20 = vector.shape_cast %add3A_15 : vector<1024x128xf32> to vector<1x1024x128xf32>
    tpu.vector_store %arg5[%swap3A, %swap3A_16, %swap3A_17], %swap3A_20 {strides = array<i32>} : memref<1x1024x128xf32, #tpu.memory_space<vmem>>, vector<1x1024x128xf32>,
    return
  }
  func.func @transform_0(%arg0: i32, %arg1: i32) -> (i32, i32, i32) {
    %jit3A = arith.constant 4 : i32
    %div3A = arith.divsi %arg0, %jit3A : i32
    %sign3A = arith.constant 0 : i32
    %sign3A_0 = arith.cmpi sgt, %arg0, %sign3A : i32
    %sign3A_1 = arith.extui %sign3A_0 : i1 to i32
    %sign3A_2 = arith.constant 0 : i32
    %sign3A_3 = arith.cmpi slt, %arg0, %sign3A_2 : i32
    %sign3A_4 = arith.extui %sign3A_3 : i1 to i32
    %sign3A_5 = arith.subi %sign3A_1, %sign3A_4 : i32
    %sign3A_6 = arith.constant 0 : i32
    %sign3A_7 = arith.cmpi sgt, %jit3A, %sign3A_6 : i32
    %sign3A_8 = arith.extui %sign3A_7 : i1 to i32
    %sign3A_9 = arith.constant 0 : i32
    %sign3A_10 = arith.cmpi slt, %jit3A, %sign3A_9 : i32
    %sign3A_11 = arith.extui %sign3A_10 : i1 to i32
    %sign3A_12 = arith.subi %sign3A_8, %sign3A_11 : i32
    %ne3A = arith.cmpi ne, %sign3A_5, %sign3A_12 : i32
    %rem3A = arith.remsi %arg0, %jit3A : i32
    %ne3A_13 = arith.constant 0 : i32
    %ne3A_14 = arith.cmpi ne, %rem3A, %ne3A_13 : i32
    %and3A = arith.andi %ne3A, %ne3A_14 : i1
    %sub3A = arith.constant 1 : i32
    %sub3A_15 = arith.subi %div3A, %sub3A : i32
    %select_n3A = arith.select %and3A, %sub3A_15, %div3A : i32
    %c0_i32 = arith.constant 0 : i32
    %c0_i32_16 = arith.constant 0 : i32
    return %select_n3A, %arg1, %c0_i32 : i32, i32, i32
  }
  func.func @transform_1(%arg0: i32, %arg1: i32) -> (i32, i32, i32) {
    %c0_i32 = arith.constant 0 : i32
    %c0_i32_0 = arith.constant 0 : i32
    %c0_i32_1 = arith.constant 0 : i32
    return %arg0, %c0_i32, %c0_i32_0 : i32, i32, i32
  }
  func.func @transform_2(%arg0: i32, %arg1: i32) -> (i32, i32, i32) {
    %c0_i32 = arith.constant 0 : i32
    %c0_i32_0 = arith.constant 0 : i32
    %c0_i32_1 = arith.constant 0 : i32
    return %arg0, %c0_i32, %c0_i32_0 : i32, i32, i32
  }
  func.func @transform_3(%arg0: i32, %arg1: i32) -> (i32, i32, i32) {
    %c0_i32 = arith.constant 0 : i32
    %c0_i32_0 = arith.constant 0 : i32
    return %arg0, %arg1, %c0_i32 : i32, i32, i32
  }
}

module attributes {stable_mosaic.version = 14 : i64} {
  func.func @_edge_body(%arg0: i32, %arg1: i32, %arg2: memref<2048x128xf32, #tpu.memory_space<vmem>>, %arg3: memref<2048x128xf32, #tpu.memory_space<vmem>>, %arg4: memref<1x8x2048xf32, #tpu.memory_space<vmem>>, %arg5: memref<1x8x64xf32, #tpu.memory_space<vmem>>, %arg6: memref<1x1x64xf32, #tpu.memory_space<vmem>>, %arg7: memref<1x2048x128xf32, #tpu.memory_space<vmem>>) attributes {dimension_semantics = [#tpu.dimension_semantics<arbitrary>, #tpu.dimension_semantics<arbitrary>], iteration_bounds = array<i64: 4, 80>, scalar_prefetch = 0 : i64, scratch_operands = 0 : i64, tpu.core_type = #tpu.core_type<tc>, window_params = [{transform_indices = @transform_0, window_bounds = array<i64: 2048, 128>}, {transform_indices = @transform_1, window_bounds = array<i64: 2048, 128>}, {transform_indices = @transform_2, window_bounds = array<i64: 1, 8, 2048>}, {transform_indices = @transform_3, window_bounds = array<i64: 1, 8, 64>}, {transform_indices = @transform_4, window_bounds = array<i64: 1, 1, 64>}, {transform_indices = @transform_5, window_bounds = array<i64: 1, 2048, 128>}]} {
    %get3A = arith.constant 0 : index
    %get3A_0 = arith.constant 0 : index
    %get3A_1 = vector.load %arg2[%get3A, %get3A_0] : memref<2048x128xf32, #tpu.memory_space<vmem>>, vector<2048x64xf32>
    %get3A_2 = arith.constant 0 : index
    %get3A_3 = arith.constant 0 : index
    %get3A_4 = arith.constant 0 : index
    %get3A_5 = vector.load %arg4[%get3A_2, %get3A_3, %get3A_4] : memref<1x8x2048xf32, #tpu.memory_space<vmem>>, vector<1x8x2048xf32>
    %get3A_6 = vector.shape_cast %get3A_5 : vector<1x8x2048xf32> to vector<8x2048xf32>
    %get3A_7 = arith.constant 0 : index
    %get3A_8 = arith.constant 0 : index
    %get3A_9 = arith.constant 0 : index
    %get3A_10 = vector.load %arg5[%get3A_7, %get3A_8, %get3A_9] : memref<1x8x64xf32, #tpu.memory_space<vmem>>, vector<1x8x64xf32>
    %get3A_11 = vector.shape_cast %get3A_10 : vector<1x8x64xf32> to vector<8x64xf32>
    %dot_general3A = arith.constant dense<0.000000e+00> : vector<2048x64xf32>
    %dot_general3A_12 = tpu.matmul %get3A_6, %get3A_11, %dot_general3A {dimension_numbers = #tpu.dot_dimension_numbers<[0], [0], [1], [1], [0, 1, 1, 1], [], []>, transpose_lhs_hint = false} : vector<8x2048xf32>, vector<8x64xf32>, vector<2048x64xf32> -> vector<2048x64xf32>
    %get3A_13 = arith.constant 0 : index
    %get3A_14 = arith.constant 0 : index
    %get3A_15 = vector.load %arg3[%get3A_13, %get3A_14] : memref<2048x128xf32, #tpu.memory_space<vmem>>, vector<2048x64xf32>
    %add3A = arith.addf %get3A_1, %get3A_15 : vector<2048x64xf32>
    %add3A_16 = arith.addf %add3A, %dot_general3A_12 : vector<2048x64xf32>
    %mul3A = arith.constant 2.000000e-01 : f32
    %mul3A_17 = vector.broadcast %mul3A : f32 to vector<2048x64xf32>
    %mul3A_18 = arith.mulf %mul3A_17, %add3A_16 : vector<2048x64xf32>
    %max3A = arith.maximumf %add3A_16, %mul3A_18 : vector<2048x64xf32>
    %get3A_19 = arith.constant 0 : index
    %get3A_20 = arith.constant 0 : index
    %get3A_21 = arith.constant 0 : index
    %get3A_22 = vector.load %arg6[%get3A_19, %get3A_20, %get3A_21] : memref<1x1x64xf32, #tpu.memory_space<vmem>>, vector<1x1x64xf32>
    %get3A_23 = vector.shape_cast %get3A_22 : vector<1x1x64xf32> to vector<1x64xf32>
    %mul3A_24 = vector.broadcast %get3A_23 : vector<1x64xf32> to vector<2048x64xf32>
    %mul3A_25 = arith.mulf %max3A, %mul3A_24 : vector<2048x64xf32>
    %iota3A = tpu.iota {dimensions = array<i32: 0>} : vector<64x16xi32>
    %jit3A = arith.constant 16 : i32
    %div3A = vector.broadcast %jit3A : i32 to vector<64x16xi32>
    %div3A_26 = arith.divsi %iota3A, %div3A : vector<64x16xi32>
    %sign3A = arith.constant 0 : i32
    %sign3A_27 = vector.broadcast %sign3A : i32 to vector<64x16xi32>
    %sign3A_28 = arith.cmpi sgt, %iota3A, %sign3A_27 : vector<64x16xi32>
    %sign3A_29 = arith.extui %sign3A_28 : vector<64x16xi1> to vector<64x16xi32>
    %sign3A_30 = arith.constant 0 : i32
    %sign3A_31 = vector.broadcast %sign3A_30 : i32 to vector<64x16xi32>
    %sign3A_32 = arith.cmpi slt, %iota3A, %sign3A_31 : vector<64x16xi32>
    %sign3A_33 = arith.extui %sign3A_32 : vector<64x16xi1> to vector<64x16xi32>
    %sign3A_34 = arith.subi %sign3A_29, %sign3A_33 : vector<64x16xi32>
    %sign3A_35 = arith.constant 0 : i32
    %sign3A_36 = arith.cmpi sgt, %jit3A, %sign3A_35 : i32
    %sign3A_37 = arith.extui %sign3A_36 : i1 to i32
    %sign3A_38 = arith.constant 0 : i32
    %sign3A_39 = arith.cmpi slt, %jit3A, %sign3A_38 : i32
    %sign3A_40 = arith.extui %sign3A_39 : i1 to i32
    %sign3A_41 = arith.subi %sign3A_37, %sign3A_40 : i32
    %ne3A = vector.broadcast %sign3A_41 : i32 to vector<64x16xi32>
    %ne3A_42 = arith.cmpi ne, %sign3A_34, %ne3A : vector<64x16xi32>
    %rem3A = vector.broadcast %jit3A : i32 to vector<64x16xi32>
    %rem3A_43 = arith.remsi %iota3A, %rem3A : vector<64x16xi32>
    %ne3A_44 = arith.constant 0 : i32
    %ne3A_45 = vector.broadcast %ne3A_44 : i32 to vector<64x16xi32>
    %ne3A_46 = arith.cmpi ne, %rem3A_43, %ne3A_45 : vector<64x16xi32>
    %and3A = arith.andi %ne3A_42, %ne3A_46 : vector<64x16xi1>
    %sub3A = arith.constant 1 : i32
    %sub3A_47 = vector.broadcast %sub3A : i32 to vector<64x16xi32>
    %sub3A_48 = arith.subi %div3A_26, %sub3A_47 : vector<64x16xi32>
    %select_n3A = arith.select %and3A, %sub3A_48, %div3A_26 : vector<64x16xi1>, vector<64x16xi32>
    %iota3A_49 = tpu.iota {dimensions = array<i32: 1>} : vector<64x16xi32>
    %eq3A = arith.cmpi eq, %select_n3A, %iota3A_49 : vector<64x16xi32>
    %convert_element_type3A = arith.extui %eq3A : vector<64x16xi1> to vector<64x16xi32>
    %convert_element_type3A_50 = arith.sitofp %convert_element_type3A : vector<64x16xi32> to vector<64x16xf32>
    %dot_general3A_51 = arith.constant dense<0.000000e+00> : vector<2048x16xf32>
    %dot_general3A_52 = tpu.matmul %mul3A_25, %convert_element_type3A_50, %dot_general3A_51 {dimension_numbers = #tpu.dot_dimension_numbers<[1], [0], [0], [1], [0, 0, 1, 1], [], []>, transpose_lhs_hint = false} : vector<2048x64xf32>, vector<64x16xf32>, vector<2048x16xf32> -> vector<2048x16xf32>
    %iota3A_53 = tpu.iota {dimensions = array<i32: 1>} : vector<2048x16xi32>
    %lt3A = arith.constant 4 : i32
    %lt3A_54 = vector.broadcast %lt3A : i32 to vector<2048x16xi32>
    %lt3A_55 = arith.cmpi slt, %iota3A_53, %lt3A_54 : vector<2048x16xi32>
    %exp3A = math.exp %dot_general3A_52 : vector<2048x16xf32>
    %jit3A_56 = arith.constant 0.000000e+00 : f32
    %broadcast_in_dim3A = vector.broadcast %jit3A_56 : f32 to vector<2048x16xf32>
    %select_n3A_57 = arith.select %lt3A_55, %exp3A, %broadcast_in_dim3A : vector<2048x16xi1>, vector<2048x16xf32>
    %iota3A_58 = tpu.iota {dimensions = array<i32: 0>} : vector<16x64xi32>
    %iota3A_59 = tpu.iota {dimensions = array<i32: 1>} : vector<16x64xi32>
    %jit3A_60 = arith.constant 16 : i32
    %div3A_61 = vector.broadcast %jit3A_60 : i32 to vector<16x64xi32>
    %div3A_62 = arith.divsi %iota3A_59, %div3A_61 : vector<16x64xi32>
    %sign3A_63 = arith.constant 0 : i32
    %sign3A_64 = vector.broadcast %sign3A_63 : i32 to vector<16x64xi32>
    %sign3A_65 = arith.cmpi sgt, %iota3A_59, %sign3A_64 : vector<16x64xi32>
    %sign3A_66 = arith.extui %sign3A_65 : vector<16x64xi1> to vector<16x64xi32>
    %sign3A_67 = arith.constant 0 : i32
    %sign3A_68 = vector.broadcast %sign3A_67 : i32 to vector<16x64xi32>
    %sign3A_69 = arith.cmpi slt, %iota3A_59, %sign3A_68 : vector<16x64xi32>
    %sign3A_70 = arith.extui %sign3A_69 : vector<16x64xi1> to vector<16x64xi32>
    %sign3A_71 = arith.subi %sign3A_66, %sign3A_70 : vector<16x64xi32>
    %sign3A_72 = arith.constant 0 : i32
    %sign3A_73 = arith.cmpi sgt, %jit3A_60, %sign3A_72 : i32
    %sign3A_74 = arith.extui %sign3A_73 : i1 to i32
    %sign3A_75 = arith.constant 0 : i32
    %sign3A_76 = arith.cmpi slt, %jit3A_60, %sign3A_75 : i32
    %sign3A_77 = arith.extui %sign3A_76 : i1 to i32
    %sign3A_78 = arith.subi %sign3A_74, %sign3A_77 : i32
    %ne3A_79 = vector.broadcast %sign3A_78 : i32 to vector<16x64xi32>
    %ne3A_80 = arith.cmpi ne, %sign3A_71, %ne3A_79 : vector<16x64xi32>
    %rem3A_81 = vector.broadcast %jit3A_60 : i32 to vector<16x64xi32>
    %rem3A_82 = arith.remsi %iota3A_59, %rem3A_81 : vector<16x64xi32>
    %ne3A_83 = arith.constant 0 : i32
    %ne3A_84 = vector.broadcast %ne3A_83 : i32 to vector<16x64xi32>
    %ne3A_85 = arith.cmpi ne, %rem3A_82, %ne3A_84 : vector<16x64xi32>
    %and3A_86 = arith.andi %ne3A_80, %ne3A_85 : vector<16x64xi1>
    %sub3A_87 = arith.constant 1 : i32
    %sub3A_88 = vector.broadcast %sub3A_87 : i32 to vector<16x64xi32>
    %sub3A_89 = arith.subi %div3A_62, %sub3A_88 : vector<16x64xi32>
    %select_n3A_90 = arith.select %and3A_86, %sub3A_89, %div3A_62 : vector<16x64xi1>, vector<16x64xi32>
    %eq3A_91 = arith.cmpi eq, %iota3A_58, %select_n3A_90 : vector<16x64xi32>
    %convert_element_type3A_92 = arith.extui %eq3A_91 : vector<16x64xi1> to vector<16x64xi32>
    %convert_element_type3A_93 = arith.sitofp %convert_element_type3A_92 : vector<16x64xi32> to vector<16x64xf32>
    %dot_general3A_94 = arith.constant dense<0.000000e+00> : vector<2048x64xf32>
    %dot_general3A_95 = tpu.matmul %select_n3A_57, %convert_element_type3A_93, %dot_general3A_94 {dimension_numbers = #tpu.dot_dimension_numbers<[1], [0], [0], [1], [0, 0, 1, 1], [], []>, transpose_lhs_hint = false} : vector<2048x16xf32>, vector<16x64xf32>, vector<2048x64xf32> -> vector<2048x64xf32>
    %mul3A_96 = arith.mulf %get3A_1, %dot_general3A_95 : vector<2048x64xf32>
    %iota3A_97 = tpu.iota {dimensions = array<i32: 0>} : vector<64x128xi32>
    %iota3A_98 = tpu.iota {dimensions = array<i32: 1>} : vector<64x128xi32>
    %eq3A_99 = arith.cmpi eq, %iota3A_97, %iota3A_98 : vector<64x128xi32>
    %iota3A_100 = tpu.iota {dimensions = array<i32: 0>} : vector<16x128xi32>
    %add3A_101 = arith.constant 64 : i32
    %add3A_102 = vector.broadcast %add3A_101 : i32 to vector<16x128xi32>
    %add3A_103 = arith.addi %iota3A_100, %add3A_102 : vector<16x128xi32>
    %iota3A_104 = tpu.iota {dimensions = array<i32: 1>} : vector<16x128xi32>
    %eq3A_105 = arith.cmpi eq, %add3A_103, %iota3A_104 : vector<16x128xi32>
    %convert_element_type3A_106 = arith.extui %eq3A_99 : vector<64x128xi1> to vector<64x128xi32>
    %convert_element_type3A_107 = arith.sitofp %convert_element_type3A_106 : vector<64x128xi32> to vector<64x128xf32>
    %dot_general3A_108 = arith.constant dense<0.000000e+00> : vector<2048x128xf32>
    %dot_general3A_109 = tpu.matmul %mul3A_96, %convert_element_type3A_107, %dot_general3A_108 {dimension_numbers = #tpu.dot_dimension_numbers<[1], [0], [0], [1], [0, 0, 1, 1], [], []>, transpose_lhs_hint = false} : vector<2048x64xf32>, vector<64x128xf32>, vector<2048x128xf32> -> vector<2048x128xf32>
    %convert_element_type3A_110 = arith.extui %eq3A_105 : vector<16x128xi1> to vector<16x128xi32>
    %convert_element_type3A_111 = arith.sitofp %convert_element_type3A_110 : vector<16x128xi32> to vector<16x128xf32>
    %dot_general3A_112 = arith.constant dense<0.000000e+00> : vector<2048x128xf32>
    %dot_general3A_113 = tpu.matmul %select_n3A_57, %convert_element_type3A_111, %dot_general3A_112 {dimension_numbers = #tpu.dot_dimension_numbers<[1], [0], [0], [1], [0, 0, 1, 1], [], []>, transpose_lhs_hint = false} : vector<2048x16xf32>, vector<16x128xf32>, vector<2048x128xf32> -> vector<2048x128xf32>
    %add3A_114 = arith.addf %dot_general3A_109, %dot_general3A_113 : vector<2048x128xf32>
    %swap3A = arith.constant 0 : index
    %swap3A_115 = arith.constant 0 : index
    %swap3A_116 = arith.constant 0 : index
    %swap3A_117 = vector.load %arg7[%swap3A, %swap3A_115, %swap3A_116] : memref<1x2048x128xf32, #tpu.memory_space<vmem>>, vector<1x2048x128xf32>
    %swap3A_118 = vector.shape_cast %swap3A_117 : vector<1x2048x128xf32> to vector<2048x128xf32>
    %swap3A_119 = vector.shape_cast %add3A_114 : vector<2048x128xf32> to vector<1x2048x128xf32>
    tpu.vector_store %arg7[%swap3A, %swap3A_115, %swap3A_116], %swap3A_119 {strides = array<i32>} : memref<1x2048x128xf32, #tpu.memory_space<vmem>>, vector<1x2048x128xf32>,
    return
  }
  func.func @transform_0(%arg0: i32, %arg1: i32) -> (i32, i32) {
    %mul3A = arith.constant 80 : i32
    %mul3A_0 = arith.muli %arg0, %mul3A : i32
    %add3A = arith.addi %mul3A_0, %arg1 : i32
    %c0_i32 = arith.constant 0 : i32
    %c0_i32_1 = arith.constant 0 : i32
    return %add3A, %c0_i32 : i32, i32
  }
  func.func @transform_1(%arg0: i32, %arg1: i32) -> (i32, i32) {
    %mul3A = arith.constant 80 : i32
    %mul3A_0 = arith.muli %arg0, %mul3A : i32
    %add3A = arith.constant 320 : i32
    %add3A_1 = arith.addi %add3A, %mul3A_0 : i32
    %add3A_2 = arith.addi %add3A_1, %arg1 : i32
    %c0_i32 = arith.constant 0 : i32
    %c0_i32_3 = arith.constant 0 : i32
    return %add3A_2, %c0_i32 : i32, i32
  }
  func.func @transform_2(%arg0: i32, %arg1: i32) -> (i32, i32, i32) {
    %c0_i32 = arith.constant 0 : i32
    %c0_i32_0 = arith.constant 0 : i32
    return %arg0, %c0_i32, %arg1 : i32, i32, i32
  }
  func.func @transform_3(%arg0: i32, %arg1: i32) -> (i32, i32, i32) {
    %c0_i32 = arith.constant 0 : i32
    %c0_i32_0 = arith.constant 0 : i32
    %c0_i32_1 = arith.constant 0 : i32
    return %arg0, %c0_i32, %c0_i32_0 : i32, i32, i32
  }
  func.func @transform_4(%arg0: i32, %arg1: i32) -> (i32, i32, i32) {
    %c0_i32 = arith.constant 0 : i32
    %c0_i32_0 = arith.constant 0 : i32
    %c0_i32_1 = arith.constant 0 : i32
    return %arg0, %c0_i32, %c0_i32_0 : i32, i32, i32
  }
  func.func @transform_5(%arg0: i32, %arg1: i32) -> (i32, i32, i32) {
    %c0_i32 = arith.constant 0 : i32
    %c0_i32_0 = arith.constant 0 : i32
    return %arg0, %arg1, %c0_i32 : i32, i32, i32
  }
}

module attributes {stable_mosaic.version = 14 : i64} {
  func.func @_post_body(%arg0: i32, %arg1: memref<1x1024x128xf32, #tpu.memory_space<vmem>>, %arg2: memref<1x1024x128xf32, #tpu.memory_space<vmem>>, %arg3: memref<1024x64xf32, #tpu.memory_space<vmem>>, %arg4: memref<1x64xf32, #tpu.memory_space<vmem>>, %arg5: memref<1x64xf32, #tpu.memory_space<vmem>>, %arg6: memref<1x64xf32, #tpu.memory_space<vmem>>, %arg7: memref<1x64xf32, #tpu.memory_space<vmem>>, %arg8: memref<1024x64xf32, #tpu.memory_space<vmem>>) attributes {dimension_semantics = [#tpu.dimension_semantics<arbitrary>], iteration_bounds = array<i64: 10>, scalar_prefetch = 0 : i64, scratch_operands = 0 : i64, tpu.core_type = #tpu.core_type<tc>, window_params = [{transform_indices = @transform_0, window_bounds = array<i64: 1, 1024, 128>}, {transform_indices = @transform_1, window_bounds = array<i64: 1, 1024, 128>}, {transform_indices = @transform_2, window_bounds = array<i64: 1024, 64>}, {pipeline_mode = #tpu.pipeline_mode<synchronous>, transform_indices = @transform_3, window_bounds = array<i64: 1, 64>}, {pipeline_mode = #tpu.pipeline_mode<synchronous>, transform_indices = @transform_4, window_bounds = array<i64: 1, 64>}, {pipeline_mode = #tpu.pipeline_mode<synchronous>, transform_indices = @transform_5, window_bounds = array<i64: 1, 64>}, {pipeline_mode = #tpu.pipeline_mode<synchronous>, transform_indices = @transform_6, window_bounds = array<i64: 1, 64>}, {transform_indices = @transform_7, window_bounds = array<i64: 1024, 64>}]} {
    %iota3A = tpu.iota {dimensions = array<i32: 0>} : vector<128x64xi32>
    %iota3A_0 = tpu.iota {dimensions = array<i32: 1>} : vector<128x64xi32>
    %eq3A = arith.cmpi eq, %iota3A, %iota3A_0 : vector<128x64xi32>
    %convert_element_type3A = arith.extui %eq3A : vector<128x64xi1> to vector<128x64xi32>
    %convert_element_type3A_1 = arith.sitofp %convert_element_type3A : vector<128x64xi32> to vector<128x64xf32>
    %iota3A_2 = tpu.iota {dimensions = array<i32: 0>} : vector<128x64xi32>
    %sub3A = arith.constant 64 : i32
    %sub3A_3 = vector.broadcast %sub3A : i32 to vector<128x64xi32>
    %sub3A_4 = arith.subi %iota3A_2, %sub3A_3 : vector<128x64xi32>
    %iota3A_5 = tpu.iota {dimensions = array<i32: 1>} : vector<128x64xi32>
    %jit3A = arith.constant 16 : i32
    %div3A = vector.broadcast %jit3A : i32 to vector<128x64xi32>
    %div3A_6 = arith.divsi %iota3A_5, %div3A : vector<128x64xi32>
    %sign3A = arith.constant 0 : i32
    %sign3A_7 = vector.broadcast %sign3A : i32 to vector<128x64xi32>
    %sign3A_8 = arith.cmpi sgt, %iota3A_5, %sign3A_7 : vector<128x64xi32>
    %sign3A_9 = arith.extui %sign3A_8 : vector<128x64xi1> to vector<128x64xi32>
    %sign3A_10 = arith.constant 0 : i32
    %sign3A_11 = vector.broadcast %sign3A_10 : i32 to vector<128x64xi32>
    %sign3A_12 = arith.cmpi slt, %iota3A_5, %sign3A_11 : vector<128x64xi32>
    %sign3A_13 = arith.extui %sign3A_12 : vector<128x64xi1> to vector<128x64xi32>
    %sign3A_14 = arith.subi %sign3A_9, %sign3A_13 : vector<128x64xi32>
    %sign3A_15 = arith.constant 0 : i32
    %sign3A_16 = arith.cmpi sgt, %jit3A, %sign3A_15 : i32
    %sign3A_17 = arith.extui %sign3A_16 : i1 to i32
    %sign3A_18 = arith.constant 0 : i32
    %sign3A_19 = arith.cmpi slt, %jit3A, %sign3A_18 : i32
    %sign3A_20 = arith.extui %sign3A_19 : i1 to i32
    %sign3A_21 = arith.subi %sign3A_17, %sign3A_20 : i32
    %ne3A = vector.broadcast %sign3A_21 : i32 to vector<128x64xi32>
    %ne3A_22 = arith.cmpi ne, %sign3A_14, %ne3A : vector<128x64xi32>
    %rem3A = vector.broadcast %jit3A : i32 to vector<128x64xi32>
    %rem3A_23 = arith.remsi %iota3A_5, %rem3A : vector<128x64xi32>
    %ne3A_24 = arith.constant 0 : i32
    %ne3A_25 = vector.broadcast %ne3A_24 : i32 to vector<128x64xi32>
    %ne3A_26 = arith.cmpi ne, %rem3A_23, %ne3A_25 : vector<128x64xi32>
    %and3A = arith.andi %ne3A_22, %ne3A_26 : vector<128x64xi1>
    %sub3A_27 = arith.constant 1 : i32
    %sub3A_28 = vector.broadcast %sub3A_27 : i32 to vector<128x64xi32>
    %sub3A_29 = arith.subi %div3A_6, %sub3A_28 : vector<128x64xi32>
    %select_n3A = arith.select %and3A, %sub3A_29, %div3A_6 : vector<128x64xi1>, vector<128x64xi32>
    %eq3A_30 = arith.cmpi eq, %sub3A_4, %select_n3A : vector<128x64xi32>
    %convert_element_type3A_31 = arith.extui %eq3A_30 : vector<128x64xi1> to vector<128x64xi32>
    %convert_element_type3A_32 = arith.sitofp %convert_element_type3A_31 : vector<128x64xi32> to vector<128x64xf32>
    %get3A = arith.constant 0 : index
    %get3A_33 = arith.constant 0 : index
    %get3A_34 = arith.constant 0 : index
    %get3A_35 = vector.load %arg1[%get3A, %get3A_33, %get3A_34] : memref<1x1024x128xf32, #tpu.memory_space<vmem>>, vector<1x1024x128xf32>
    %get3A_36 = vector.shape_cast %get3A_35 : vector<1x1024x128xf32> to vector<1024x128xf32>
    %get3A_37 = arith.constant 0 : index
    %get3A_38 = arith.constant 0 : index
    %get3A_39 = arith.constant 0 : index
    %get3A_40 = vector.load %arg2[%get3A_37, %get3A_38, %get3A_39] : memref<1x1024x128xf32, #tpu.memory_space<vmem>>, vector<1x1024x128xf32>
    %get3A_41 = vector.shape_cast %get3A_40 : vector<1x1024x128xf32> to vector<1024x128xf32>
    %dot_general3A = arith.constant dense<0.000000e+00> : vector<1024x64xf32>
    %dot_general3A_42 = tpu.matmul %get3A_36, %convert_element_type3A_1, %dot_general3A {dimension_numbers = #tpu.dot_dimension_numbers<[1], [0], [0], [1], [0, 0, 1, 1], [], []>, transpose_lhs_hint = false} : vector<1024x128xf32>, vector<128x64xf32>, vector<1024x64xf32> -> vector<1024x64xf32>
    %dot_general3A_43 = arith.constant dense<0.000000e+00> : vector<1024x64xf32>
    %dot_general3A_44 = tpu.matmul %get3A_41, %convert_element_type3A_1, %dot_general3A_43 {dimension_numbers = #tpu.dot_dimension_numbers<[1], [0], [0], [1], [0, 0, 1, 1], [], []>, transpose_lhs_hint = false} : vector<1024x128xf32>, vector<128x64xf32>, vector<1024x64xf32> -> vector<1024x64xf32>
    %dot_general3A_45 = arith.constant dense<0.000000e+00> : vector<1024x64xf32>
    %dot_general3A_46 = tpu.matmul %get3A_36, %convert_element_type3A_32, %dot_general3A_45 {dimension_numbers = #tpu.dot_dimension_numbers<[1], [0], [0], [1], [0, 0, 1, 1], [], []>, transpose_lhs_hint = false} : vector<1024x128xf32>, vector<128x64xf32>, vector<1024x64xf32> -> vector<1024x64xf32>
    %dot_general3A_47 = arith.constant dense<0.000000e+00> : vector<1024x64xf32>
    %dot_general3A_48 = tpu.matmul %get3A_41, %convert_element_type3A_32, %dot_general3A_47 {dimension_numbers = #tpu.dot_dimension_numbers<[1], [0], [0], [1], [0, 0, 1, 1], [], []>, transpose_lhs_hint = false} : vector<1024x128xf32>, vector<128x64xf32>, vector<1024x64xf32> -> vector<1024x64xf32>
    %add3A = arith.constant 1.000000e-16 : f32
    %add3A_49 = vector.broadcast %add3A : f32 to vector<1024x64xf32>
    %add3A_50 = arith.addf %dot_general3A_46, %add3A_49 : vector<1024x64xf32>
    %div3A_51 = arith.divf %dot_general3A_42, %add3A_50 : vector<1024x64xf32>
    %get3A_52 = arith.constant 0 : index
    %get3A_53 = arith.constant 0 : index
    %get3A_54 = vector.load %arg4[%get3A_52, %get3A_53] : memref<1x64xf32, #tpu.memory_space<vmem>>, vector<1x64xf32>
    %get3A_55 = vector.shape_cast %get3A_54 : vector<1x64xf32> to vector<64xf32>
    %broadcast_in_dim3A = vector.shape_cast %get3A_55 : vector<64xf32> to vector<1x64xf32>
    %add3A_56 = vector.broadcast %broadcast_in_dim3A : vector<1x64xf32> to vector<1024x64xf32>
    %add3A_57 = arith.addf %div3A_51, %add3A_56 : vector<1024x64xf32>
    %add3A_58 = arith.constant 1.000000e-16 : f32
    %add3A_59 = vector.broadcast %add3A_58 : f32 to vector<1024x64xf32>
    %add3A_60 = arith.addf %dot_general3A_48, %add3A_59 : vector<1024x64xf32>
    %div3A_61 = arith.divf %dot_general3A_44, %add3A_60 : vector<1024x64xf32>
    %add3A_62 = arith.addf %add3A_57, %div3A_61 : vector<1024x64xf32>
    %get3A_63 = arith.constant 0 : index
    %get3A_64 = arith.constant 0 : index
    %get3A_65 = vector.load %arg5[%get3A_63, %get3A_64] : memref<1x64xf32, #tpu.memory_space<vmem>>, vector<1x64xf32>
    %get3A_66 = vector.shape_cast %get3A_65 : vector<1x64xf32> to vector<64xf32>
    %broadcast_in_dim3A_67 = vector.shape_cast %get3A_66 : vector<64xf32> to vector<1x64xf32>
    %add3A_68 = vector.broadcast %broadcast_in_dim3A_67 : vector<1x64xf32> to vector<1024x64xf32>
    %add3A_69 = arith.addf %add3A_62, %add3A_68 : vector<1024x64xf32>
    %mul3A = arith.constant 5.000000e-01 : f32
    %mul3A_70 = vector.broadcast %mul3A : f32 to vector<1024x64xf32>
    %mul3A_71 = arith.mulf %mul3A_70, %add3A_69 : vector<1024x64xf32>
    %mul3A_72 = arith.constant 0.707106769 : f32
    %mul3A_73 = vector.broadcast %mul3A_72 : f32 to vector<1024x64xf32>
    %mul3A_74 = arith.mulf %add3A_69, %mul3A_73 : vector<1024x64xf32>
    %erf3A = math.erf %mul3A_74 : vector<1024x64xf32>
    %add3A_75 = arith.constant 1.000000e+00 : f32
    %add3A_76 = vector.broadcast %add3A_75 : f32 to vector<1024x64xf32>
    %add3A_77 = arith.addf %add3A_76, %erf3A : vector<1024x64xf32>
    %mul3A_78 = arith.mulf %mul3A_71, %add3A_77 : vector<1024x64xf32>
    %get3A_79 = arith.constant 0 : index
    %get3A_80 = arith.constant 0 : index
    %get3A_81 = vector.load %arg3[%get3A_79, %get3A_80] : memref<1024x64xf32, #tpu.memory_space<vmem>>, vector<1024x64xf32>
    %add3A_82 = arith.addf %mul3A_78, %get3A_81 : vector<1024x64xf32>
    %reduce_sum3A = arith.constant dense<0.000000e+00> : vector<1024xf32>
    %reduce_sum3A_83 = vector.multi_reduction <add>, %add3A_82, %reduce_sum3A [1] : vector<1024x64xf32> to vector<1024xf32>
    %broadcast_in_dim3A_84 = vector.shape_cast %reduce_sum3A_83 : vector<1024xf32> to vector<1024x1xf32>
    %div3A_85 = arith.constant 6.400000e+01 : f32
    %div3A_86 = vector.broadcast %div3A_85 : f32 to vector<1024x1xf32>
    %div3A_87 = arith.divf %broadcast_in_dim3A_84, %div3A_86 : vector<1024x1xf32>
    %sub3A_88 = vector.broadcast %div3A_87 : vector<1024x1xf32> to vector<1024x64xf32>
    %sub3A_89 = arith.subf %add3A_82, %sub3A_88 : vector<1024x64xf32>
    %integer_pow3A = arith.mulf %sub3A_89, %sub3A_89 : vector<1024x64xf32>
    %reduce_sum3A_90 = arith.constant dense<0.000000e+00> : vector<1024xf32>
    %reduce_sum3A_91 = vector.multi_reduction <add>, %integer_pow3A, %reduce_sum3A_90 [1] : vector<1024x64xf32> to vector<1024xf32>
    %broadcast_in_dim3A_92 = vector.shape_cast %reduce_sum3A_91 : vector<1024xf32> to vector<1024x1xf32>
    %div3A_93 = arith.constant 6.400000e+01 : f32
    %div3A_94 = vector.broadcast %div3A_93 : f32 to vector<1024x1xf32>
    %div3A_95 = arith.divf %broadcast_in_dim3A_92, %div3A_94 : vector<1024x1xf32>
    %sub3A_96 = vector.broadcast %div3A_87 : vector<1024x1xf32> to vector<1024x64xf32>
    %sub3A_97 = arith.subf %add3A_82, %sub3A_96 : vector<1024x64xf32>
    %add3A_98 = arith.constant 9.99999974E-6 : f32
    %add3A_99 = vector.broadcast %add3A_98 : f32 to vector<1024x1xf32>
    %add3A_100 = arith.addf %div3A_95, %add3A_99 : vector<1024x1xf32>
    %sqrt3A = math.sqrt %add3A_100 : vector<1024x1xf32>
    %div3A_101 = vector.broadcast %sqrt3A : vector<1024x1xf32> to vector<1024x64xf32>
    %div3A_102 = arith.divf %sub3A_97, %div3A_101 : vector<1024x64xf32>
    %get3A_103 = arith.constant 0 : index
    %get3A_104 = arith.constant 0 : index
    %get3A_105 = vector.load %arg6[%get3A_103, %get3A_104] : memref<1x64xf32, #tpu.memory_space<vmem>>, vector<1x64xf32>
    %get3A_106 = vector.shape_cast %get3A_105 : vector<1x64xf32> to vector<64xf32>
    %broadcast_in_dim3A_107 = vector.shape_cast %get3A_106 : vector<64xf32> to vector<1x64xf32>
    %mul3A_108 = vector.broadcast %broadcast_in_dim3A_107 : vector<1x64xf32> to vector<1024x64xf32>
    %mul3A_109 = arith.mulf %div3A_102, %mul3A_108 : vector<1024x64xf32>
    %get3A_110 = arith.constant 0 : index
    %get3A_111 = arith.constant 0 : index
    %get3A_112 = vector.load %arg7[%get3A_110, %get3A_111] : memref<1x64xf32, #tpu.memory_space<vmem>>, vector<1x64xf32>
    %get3A_113 = vector.shape_cast %get3A_112 : vector<1x64xf32> to vector<64xf32>
    %broadcast_in_dim3A_114 = vector.shape_cast %get3A_113 : vector<64xf32> to vector<1x64xf32>
    %add3A_115 = vector.broadcast %broadcast_in_dim3A_114 : vector<1x64xf32> to vector<1024x64xf32>
    %add3A_116 = arith.addf %mul3A_109, %add3A_115 : vector<1024x64xf32>
    %swap3A = arith.constant 0 : index
    %swap3A_117 = arith.constant 0 : index
    %swap3A_118 = vector.load %arg8[%swap3A, %swap3A_117] : memref<1024x64xf32, #tpu.memory_space<vmem>>, vector<1024x64xf32>
    tpu.vector_store %arg8[%swap3A, %swap3A_117], %add3A_116 {strides = array<i32>} : memref<1024x64xf32, #tpu.memory_space<vmem>>, vector<1024x64xf32>,
    return
  }
  func.func @transform_0(%arg0: i32) -> (i32, i32, i32) {
    %c0_i32 = arith.constant 0 : i32
    %c0_i32_0 = arith.constant 0 : i32
    %c0_i32_1 = arith.constant 0 : i32
    return %c0_i32, %arg0, %c0_i32_0 : i32, i32, i32
  }
  func.func @transform_1(%arg0: i32) -> (i32, i32, i32) {
    %c2_i32 = arith.constant 2 : i32
    %c0_i32 = arith.constant 0 : i32
    %c0_i32_0 = arith.constant 0 : i32
    return %c2_i32, %arg0, %c0_i32 : i32, i32, i32
  }
  func.func @transform_2(%arg0: i32) -> (i32, i32) {
    %c0_i32 = arith.constant 0 : i32
    %c0_i32_0 = arith.constant 0 : i32
    return %arg0, %c0_i32 : i32, i32
  }
  func.func @transform_3(%arg0: i32) -> (i32, i32) {
    %c0_i32 = arith.constant 0 : i32
    %c0_i32_0 = arith.constant 0 : i32
    %c0_i32_1 = arith.constant 0 : i32
    return %c0_i32, %c0_i32_0 : i32, i32
  }
  func.func @transform_4(%arg0: i32) -> (i32, i32) {
    %c0_i32 = arith.constant 0 : i32
    %c0_i32_0 = arith.constant 0 : i32
    %c0_i32_1 = arith.constant 0 : i32
    return %c0_i32, %c0_i32_0 : i32, i32
  }
  func.func @transform_5(%arg0: i32) -> (i32, i32) {
    %c0_i32 = arith.constant 0 : i32
    %c0_i32_0 = arith.constant 0 : i32
    %c0_i32_1 = arith.constant 0 : i32
    return %c0_i32, %c0_i32_0 : i32, i32
  }
  func.func @transform_6(%arg0: i32) -> (i32, i32) {
    %c0_i32 = arith.constant 0 : i32
    %c0_i32_0 = arith.constant 0 : i32
    %c0_i32_1 = arith.constant 0 : i32
    return %c0_i32, %c0_i32_0 : i32, i32
  }
  func.func @transform_7(%arg0: i32) -> (i32, i32) {
    %c0_i32 = arith.constant 0 : i32
    %c0_i32_0 = arith.constant 0 : i32
    return %arg0, %c0_i32 : i32, i32
  }
}

module attributes {stable_mosaic.version = 14 : i64} {
  func.func @_post_body(%arg0: i32, %arg1: memref<1x1024x128xf32, #tpu.memory_space<vmem>>, %arg2: memref<1x1024x128xf32, #tpu.memory_space<vmem>>, %arg3: memref<1024x64xf32, #tpu.memory_space<vmem>>, %arg4: memref<1x64xf32, #tpu.memory_space<vmem>>, %arg5: memref<1x64xf32, #tpu.memory_space<vmem>>, %arg6: memref<1x64xf32, #tpu.memory_space<vmem>>, %arg7: memref<1x64xf32, #tpu.memory_space<vmem>>, %arg8: memref<1024x64xf32, #tpu.memory_space<vmem>>) attributes {dimension_semantics = [#tpu.dimension_semantics<arbitrary>], iteration_bounds = array<i64: 10>, scalar_prefetch = 0 : i64, scratch_operands = 0 : i64, tpu.core_type = #tpu.core_type<tc>, window_params = [{transform_indices = @transform_0, window_bounds = array<i64: 1, 1024, 128>}, {transform_indices = @transform_1, window_bounds = array<i64: 1, 1024, 128>}, {transform_indices = @transform_2, window_bounds = array<i64: 1024, 64>}, {pipeline_mode = #tpu.pipeline_mode<synchronous>, transform_indices = @transform_3, window_bounds = array<i64: 1, 64>}, {pipeline_mode = #tpu.pipeline_mode<synchronous>, transform_indices = @transform_4, window_bounds = array<i64: 1, 64>}, {pipeline_mode = #tpu.pipeline_mode<synchronous>, transform_indices = @transform_5, window_bounds = array<i64: 1, 64>}, {pipeline_mode = #tpu.pipeline_mode<synchronous>, transform_indices = @transform_6, window_bounds = array<i64: 1, 64>}, {transform_indices = @transform_7, window_bounds = array<i64: 1024, 64>}]} {
    %iota3A = tpu.iota {dimensions = array<i32: 0>} : vector<128x64xi32>
    %iota3A_0 = tpu.iota {dimensions = array<i32: 1>} : vector<128x64xi32>
    %eq3A = arith.cmpi eq, %iota3A, %iota3A_0 : vector<128x64xi32>
    %convert_element_type3A = arith.extui %eq3A : vector<128x64xi1> to vector<128x64xi32>
    %convert_element_type3A_1 = arith.sitofp %convert_element_type3A : vector<128x64xi32> to vector<128x64xf32>
    %iota3A_2 = tpu.iota {dimensions = array<i32: 0>} : vector<128x64xi32>
    %sub3A = arith.constant 64 : i32
    %sub3A_3 = vector.broadcast %sub3A : i32 to vector<128x64xi32>
    %sub3A_4 = arith.subi %iota3A_2, %sub3A_3 : vector<128x64xi32>
    %iota3A_5 = tpu.iota {dimensions = array<i32: 1>} : vector<128x64xi32>
    %jit3A = arith.constant 16 : i32
    %div3A = vector.broadcast %jit3A : i32 to vector<128x64xi32>
    %div3A_6 = arith.divsi %iota3A_5, %div3A : vector<128x64xi32>
    %sign3A = arith.constant 0 : i32
    %sign3A_7 = vector.broadcast %sign3A : i32 to vector<128x64xi32>
    %sign3A_8 = arith.cmpi sgt, %iota3A_5, %sign3A_7 : vector<128x64xi32>
    %sign3A_9 = arith.extui %sign3A_8 : vector<128x64xi1> to vector<128x64xi32>
    %sign3A_10 = arith.constant 0 : i32
    %sign3A_11 = vector.broadcast %sign3A_10 : i32 to vector<128x64xi32>
    %sign3A_12 = arith.cmpi slt, %iota3A_5, %sign3A_11 : vector<128x64xi32>
    %sign3A_13 = arith.extui %sign3A_12 : vector<128x64xi1> to vector<128x64xi32>
    %sign3A_14 = arith.subi %sign3A_9, %sign3A_13 : vector<128x64xi32>
    %sign3A_15 = arith.constant 0 : i32
    %sign3A_16 = arith.cmpi sgt, %jit3A, %sign3A_15 : i32
    %sign3A_17 = arith.extui %sign3A_16 : i1 to i32
    %sign3A_18 = arith.constant 0 : i32
    %sign3A_19 = arith.cmpi slt, %jit3A, %sign3A_18 : i32
    %sign3A_20 = arith.extui %sign3A_19 : i1 to i32
    %sign3A_21 = arith.subi %sign3A_17, %sign3A_20 : i32
    %ne3A = vector.broadcast %sign3A_21 : i32 to vector<128x64xi32>
    %ne3A_22 = arith.cmpi ne, %sign3A_14, %ne3A : vector<128x64xi32>
    %rem3A = vector.broadcast %jit3A : i32 to vector<128x64xi32>
    %rem3A_23 = arith.remsi %iota3A_5, %rem3A : vector<128x64xi32>
    %ne3A_24 = arith.constant 0 : i32
    %ne3A_25 = vector.broadcast %ne3A_24 : i32 to vector<128x64xi32>
    %ne3A_26 = arith.cmpi ne, %rem3A_23, %ne3A_25 : vector<128x64xi32>
    %and3A = arith.andi %ne3A_22, %ne3A_26 : vector<128x64xi1>
    %sub3A_27 = arith.constant 1 : i32
    %sub3A_28 = vector.broadcast %sub3A_27 : i32 to vector<128x64xi32>
    %sub3A_29 = arith.subi %div3A_6, %sub3A_28 : vector<128x64xi32>
    %select_n3A = arith.select %and3A, %sub3A_29, %div3A_6 : vector<128x64xi1>, vector<128x64xi32>
    %eq3A_30 = arith.cmpi eq, %sub3A_4, %select_n3A : vector<128x64xi32>
    %convert_element_type3A_31 = arith.extui %eq3A_30 : vector<128x64xi1> to vector<128x64xi32>
    %convert_element_type3A_32 = arith.sitofp %convert_element_type3A_31 : vector<128x64xi32> to vector<128x64xf32>
    %get3A = arith.constant 0 : index
    %get3A_33 = arith.constant 0 : index
    %get3A_34 = arith.constant 0 : index
    %get3A_35 = vector.load %arg1[%get3A, %get3A_33, %get3A_34] : memref<1x1024x128xf32, #tpu.memory_space<vmem>>, vector<1x1024x128xf32>
    %get3A_36 = vector.shape_cast %get3A_35 : vector<1x1024x128xf32> to vector<1024x128xf32>
    %get3A_37 = arith.constant 0 : index
    %get3A_38 = arith.constant 0 : index
    %get3A_39 = arith.constant 0 : index
    %get3A_40 = vector.load %arg2[%get3A_37, %get3A_38, %get3A_39] : memref<1x1024x128xf32, #tpu.memory_space<vmem>>, vector<1x1024x128xf32>
    %get3A_41 = vector.shape_cast %get3A_40 : vector<1x1024x128xf32> to vector<1024x128xf32>
    %dot_general3A = arith.constant dense<0.000000e+00> : vector<1024x64xf32>
    %dot_general3A_42 = tpu.matmul %get3A_36, %convert_element_type3A_1, %dot_general3A {dimension_numbers = #tpu.dot_dimension_numbers<[1], [0], [0], [1], [0, 0, 1, 1], [], []>, transpose_lhs_hint = false} : vector<1024x128xf32>, vector<128x64xf32>, vector<1024x64xf32> -> vector<1024x64xf32>
    %dot_general3A_43 = arith.constant dense<0.000000e+00> : vector<1024x64xf32>
    %dot_general3A_44 = tpu.matmul %get3A_41, %convert_element_type3A_1, %dot_general3A_43 {dimension_numbers = #tpu.dot_dimension_numbers<[1], [0], [0], [1], [0, 0, 1, 1], [], []>, transpose_lhs_hint = false} : vector<1024x128xf32>, vector<128x64xf32>, vector<1024x64xf32> -> vector<1024x64xf32>
    %dot_general3A_45 = arith.constant dense<0.000000e+00> : vector<1024x64xf32>
    %dot_general3A_46 = tpu.matmul %get3A_36, %convert_element_type3A_32, %dot_general3A_45 {dimension_numbers = #tpu.dot_dimension_numbers<[1], [0], [0], [1], [0, 0, 1, 1], [], []>, transpose_lhs_hint = false} : vector<1024x128xf32>, vector<128x64xf32>, vector<1024x64xf32> -> vector<1024x64xf32>
    %dot_general3A_47 = arith.constant dense<0.000000e+00> : vector<1024x64xf32>
    %dot_general3A_48 = tpu.matmul %get3A_41, %convert_element_type3A_32, %dot_general3A_47 {dimension_numbers = #tpu.dot_dimension_numbers<[1], [0], [0], [1], [0, 0, 1, 1], [], []>, transpose_lhs_hint = false} : vector<1024x128xf32>, vector<128x64xf32>, vector<1024x64xf32> -> vector<1024x64xf32>
    %add3A = arith.constant 1.000000e-16 : f32
    %add3A_49 = vector.broadcast %add3A : f32 to vector<1024x64xf32>
    %add3A_50 = arith.addf %dot_general3A_46, %add3A_49 : vector<1024x64xf32>
    %div3A_51 = arith.divf %dot_general3A_42, %add3A_50 : vector<1024x64xf32>
    %get3A_52 = arith.constant 0 : index
    %get3A_53 = arith.constant 0 : index
    %get3A_54 = vector.load %arg4[%get3A_52, %get3A_53] : memref<1x64xf32, #tpu.memory_space<vmem>>, vector<1x64xf32>
    %get3A_55 = vector.shape_cast %get3A_54 : vector<1x64xf32> to vector<64xf32>
    %broadcast_in_dim3A = vector.shape_cast %get3A_55 : vector<64xf32> to vector<1x64xf32>
    %add3A_56 = vector.broadcast %broadcast_in_dim3A : vector<1x64xf32> to vector<1024x64xf32>
    %add3A_57 = arith.addf %div3A_51, %add3A_56 : vector<1024x64xf32>
    %add3A_58 = arith.constant 1.000000e-16 : f32
    %add3A_59 = vector.broadcast %add3A_58 : f32 to vector<1024x64xf32>
    %add3A_60 = arith.addf %dot_general3A_48, %add3A_59 : vector<1024x64xf32>
    %div3A_61 = arith.divf %dot_general3A_44, %add3A_60 : vector<1024x64xf32>
    %add3A_62 = arith.addf %add3A_57, %div3A_61 : vector<1024x64xf32>
    %get3A_63 = arith.constant 0 : index
    %get3A_64 = arith.constant 0 : index
    %get3A_65 = vector.load %arg5[%get3A_63, %get3A_64] : memref<1x64xf32, #tpu.memory_space<vmem>>, vector<1x64xf32>
    %get3A_66 = vector.shape_cast %get3A_65 : vector<1x64xf32> to vector<64xf32>
    %broadcast_in_dim3A_67 = vector.shape_cast %get3A_66 : vector<64xf32> to vector<1x64xf32>
    %add3A_68 = vector.broadcast %broadcast_in_dim3A_67 : vector<1x64xf32> to vector<1024x64xf32>
    %add3A_69 = arith.addf %add3A_62, %add3A_68 : vector<1024x64xf32>
    %mul3A = arith.constant 5.000000e-01 : f32
    %mul3A_70 = vector.broadcast %mul3A : f32 to vector<1024x64xf32>
    %mul3A_71 = arith.mulf %mul3A_70, %add3A_69 : vector<1024x64xf32>
    %mul3A_72 = arith.constant 0.707106769 : f32
    %mul3A_73 = vector.broadcast %mul3A_72 : f32 to vector<1024x64xf32>
    %mul3A_74 = arith.mulf %add3A_69, %mul3A_73 : vector<1024x64xf32>
    %erf3A = math.erf %mul3A_74 : vector<1024x64xf32>
    %add3A_75 = arith.constant 1.000000e+00 : f32
    %add3A_76 = vector.broadcast %add3A_75 : f32 to vector<1024x64xf32>
    %add3A_77 = arith.addf %add3A_76, %erf3A : vector<1024x64xf32>
    %mul3A_78 = arith.mulf %mul3A_71, %add3A_77 : vector<1024x64xf32>
    %get3A_79 = arith.constant 0 : index
    %get3A_80 = arith.constant 0 : index
    %get3A_81 = vector.load %arg3[%get3A_79, %get3A_80] : memref<1024x64xf32, #tpu.memory_space<vmem>>, vector<1024x64xf32>
    %add3A_82 = arith.addf %mul3A_78, %get3A_81 : vector<1024x64xf32>
    %reduce_sum3A = arith.constant dense<0.000000e+00> : vector<1024xf32>
    %reduce_sum3A_83 = vector.multi_reduction <add>, %add3A_82, %reduce_sum3A [1] : vector<1024x64xf32> to vector<1024xf32>
    %broadcast_in_dim3A_84 = vector.shape_cast %reduce_sum3A_83 : vector<1024xf32> to vector<1024x1xf32>
    %div3A_85 = arith.constant 6.400000e+01 : f32
    %div3A_86 = vector.broadcast %div3A_85 : f32 to vector<1024x1xf32>
    %div3A_87 = arith.divf %broadcast_in_dim3A_84, %div3A_86 : vector<1024x1xf32>
    %sub3A_88 = vector.broadcast %div3A_87 : vector<1024x1xf32> to vector<1024x64xf32>
    %sub3A_89 = arith.subf %add3A_82, %sub3A_88 : vector<1024x64xf32>
    %integer_pow3A = arith.mulf %sub3A_89, %sub3A_89 : vector<1024x64xf32>
    %reduce_sum3A_90 = arith.constant dense<0.000000e+00> : vector<1024xf32>
    %reduce_sum3A_91 = vector.multi_reduction <add>, %integer_pow3A, %reduce_sum3A_90 [1] : vector<1024x64xf32> to vector<1024xf32>
    %broadcast_in_dim3A_92 = vector.shape_cast %reduce_sum3A_91 : vector<1024xf32> to vector<1024x1xf32>
    %div3A_93 = arith.constant 6.400000e+01 : f32
    %div3A_94 = vector.broadcast %div3A_93 : f32 to vector<1024x1xf32>
    %div3A_95 = arith.divf %broadcast_in_dim3A_92, %div3A_94 : vector<1024x1xf32>
    %sub3A_96 = vector.broadcast %div3A_87 : vector<1024x1xf32> to vector<1024x64xf32>
    %sub3A_97 = arith.subf %add3A_82, %sub3A_96 : vector<1024x64xf32>
    %add3A_98 = arith.constant 9.99999974E-6 : f32
    %add3A_99 = vector.broadcast %add3A_98 : f32 to vector<1024x1xf32>
    %add3A_100 = arith.addf %div3A_95, %add3A_99 : vector<1024x1xf32>
    %sqrt3A = math.sqrt %add3A_100 : vector<1024x1xf32>
    %div3A_101 = vector.broadcast %sqrt3A : vector<1024x1xf32> to vector<1024x64xf32>
    %div3A_102 = arith.divf %sub3A_97, %div3A_101 : vector<1024x64xf32>
    %get3A_103 = arith.constant 0 : index
    %get3A_104 = arith.constant 0 : index
    %get3A_105 = vector.load %arg6[%get3A_103, %get3A_104] : memref<1x64xf32, #tpu.memory_space<vmem>>, vector<1x64xf32>
    %get3A_106 = vector.shape_cast %get3A_105 : vector<1x64xf32> to vector<64xf32>
    %broadcast_in_dim3A_107 = vector.shape_cast %get3A_106 : vector<64xf32> to vector<1x64xf32>
    %mul3A_108 = vector.broadcast %broadcast_in_dim3A_107 : vector<1x64xf32> to vector<1024x64xf32>
    %mul3A_109 = arith.mulf %div3A_102, %mul3A_108 : vector<1024x64xf32>
    %get3A_110 = arith.constant 0 : index
    %get3A_111 = arith.constant 0 : index
    %get3A_112 = vector.load %arg7[%get3A_110, %get3A_111] : memref<1x64xf32, #tpu.memory_space<vmem>>, vector<1x64xf32>
    %get3A_113 = vector.shape_cast %get3A_112 : vector<1x64xf32> to vector<64xf32>
    %broadcast_in_dim3A_114 = vector.shape_cast %get3A_113 : vector<64xf32> to vector<1x64xf32>
    %add3A_115 = vector.broadcast %broadcast_in_dim3A_114 : vector<1x64xf32> to vector<1024x64xf32>
    %add3A_116 = arith.addf %mul3A_109, %add3A_115 : vector<1024x64xf32>
    %swap3A = arith.constant 0 : index
    %swap3A_117 = arith.constant 0 : index
    %swap3A_118 = vector.load %arg8[%swap3A, %swap3A_117] : memref<1024x64xf32, #tpu.memory_space<vmem>>, vector<1024x64xf32>
    tpu.vector_store %arg8[%swap3A, %swap3A_117], %add3A_116 {strides = array<i32>} : memref<1024x64xf32, #tpu.memory_space<vmem>>, vector<1024x64xf32>,
    return
  }
  func.func @transform_0(%arg0: i32) -> (i32, i32, i32) {
    %c1_i32 = arith.constant 1 : i32
    %c0_i32 = arith.constant 0 : i32
    %c0_i32_0 = arith.constant 0 : i32
    return %c1_i32, %arg0, %c0_i32 : i32, i32, i32
  }
  func.func @transform_1(%arg0: i32) -> (i32, i32, i32) {
    %c3_i32 = arith.constant 3 : i32
    %c0_i32 = arith.constant 0 : i32
    %c0_i32_0 = arith.constant 0 : i32
    return %c3_i32, %arg0, %c0_i32 : i32, i32, i32
  }
  func.func @transform_2(%arg0: i32) -> (i32, i32) {
    %c0_i32 = arith.constant 0 : i32
    %c0_i32_0 = arith.constant 0 : i32
    return %arg0, %c0_i32 : i32, i32
  }
  func.func @transform_3(%arg0: i32) -> (i32, i32) {
    %c0_i32 = arith.constant 0 : i32
    %c0_i32_0 = arith.constant 0 : i32
    %c0_i32_1 = arith.constant 0 : i32
    return %c0_i32, %c0_i32_0 : i32, i32
  }
  func.func @transform_4(%arg0: i32) -> (i32, i32) {
    %c0_i32 = arith.constant 0 : i32
    %c0_i32_0 = arith.constant 0 : i32
    %c0_i32_1 = arith.constant 0 : i32
    return %c0_i32, %c0_i32_0 : i32, i32
  }
  func.func @transform_5(%arg0: i32) -> (i32, i32) {
    %c0_i32 = arith.constant 0 : i32
    %c0_i32_0 = arith.constant 0 : i32
    %c0_i32_1 = arith.constant 0 : i32
    return %c0_i32, %c0_i32_0 : i32, i32
  }
  func.func @transform_6(%arg0: i32) -> (i32, i32) {
    %c0_i32 = arith.constant 0 : i32
    %c0_i32_0 = arith.constant 0 : i32
    %c0_i32_1 = arith.constant 0 : i32
    return %c0_i32, %c0_i32_0 : i32, i32
  }
  func.func @transform_7(%arg0: i32) -> (i32, i32) {
    %c0_i32 = arith.constant 0 : i32
    %c0_i32_0 = arith.constant 0 : i32
    return %arg0, %c0_i32 : i32, i32
  }
}

</mosaic_0001>

<sc_bundles>
// kernel: kernel.18.cloned.1.call-start
scs
__scs_entry_jumppad:
0x0: {  	(pc) =	sbr.rel $0x88, $3  }
0x1: {  	(tag) =	ssettag $0x0;
	lr =	simm.s32 $0x1  }
0x2: {  	[smem:$0x3F50] =	sst lr;
	_ =	strace $0xD0000000  }
0x3: {  	_ = 	snop  }
0x4: {  	_ = 	snop  }
0x5: {  	_ = 	snop  }
0x6: {  	_ = 	snop  }
0x7: {  	_ = 	snop  }
__scs_overlays_trampoline_lowered:
0x8: {  	[smem:$0x3F5F] =	sst s0  }
0x9: {  	[smem:$0x3F60] =	sst s1  }
0xa: {  	[smem:$0x3F61] =	sst s2  }
0xb: {  	[smem:$0x3F62] =	sst s3  }
0xc: {  	[smem:$0x3F63] =	sst s4  }
0xd: {  	[smem:$0x3F64] =	sst s5  }
0xe: {  	[smem:$0x3F65] =	sst s6  }
0xf: {  	[smem:$0x3F66] =	sst s7  }
0x10: {  	[smem:$0x3F67] =	sst s8  }
0x11: {  	[smem:$0x3F68] =	sst s9;
	s0 =	simm.s32 @!p0 $0x0  }
0x12: {  	s1 =	sld [smem:$0x3F4E];
	s0 =	simm.s32 @p0 $0x1  }
0x13: {  	[smem:$0x3F69] =	sst s0;
	s0 =	simm.s32 @!p1 $0x0  }
0x14: {  	s2 =	sld [smem:$0x3F4D];
	s0 =	simm.s32 @p1 $0x1  }
0x15: {  	[smem:$0x3F6A] =	sst s0;
	s0 =	simm.s32 @!p2 $0x0  }
0x16: {  	s3 =	sld [smem:$0x3FDB];
	s0 =	simm.s32 @p2 $0x1  }
0x17: {  	s4 =	simm.s32 $0x1BF5;
	[smem:$0x3F6C] =	sst s0  }
0x18: {  	s0 =	sld [smem:$0x3F4F];
	_ =	swait.ge [sflag:s4], $0x0  }
0x19: {  	s7 =	sld [smem:$0x3F50]  }
0x1a: {  	s8 =	sadd.s32 $0xFFFFE003, lr  }
0x1b: {  	s9 =	sadd.s32 $0xFFFFFEF7, lr;
	s5 =	simm.s32 $0xFFFFFFFF;
	p2 =	slt.u32 s8, $0xFFFFF086  }
0x1c: {  	p1 =	slt.u32 s9, $0xF7A;
	s5 =	simm.s32 @!p2 $0x0  }
0x1d: {  	s5 =	simm.s32 @p1 $0x1;
	p0 =	seq.s32 s7, s2  }
0x1e: {  	s7 =	smul.u32 @!p0 $0xF7A, s2;
	p2 =	seq.s32 @!p0 s5, $0x0  }
0x1f: {  	s9 =	smul.u32 $0xF7A, s1;
	s8 =	simm.s32 @!p0 $0x1BF5;
	p2 =	por !p2, p0  }
0x20: {  	[sflag:s8] =	ssyncset.s32 @!p0 $0xFFFFF086;
	s6 =	sadd.s32 @!p0 s3, s7;
	s7 =	simm.s32 @!p0 $0x108  }
0x21: {  	s3 =	sadd.s32 s3, s9;
	s6 =	sadd.s32 @!p0 $0x88, s6;
	s7 =	simm.s32 @p2 $0x1082  }
0x22: {  	[simem:s7], [sflag:s8] =	dma.local @!p0 [hbm:s6], $0xF7A  }
0x23: {  	s9 =	sor.u32 $0xD0000000, s2;
	s6 =	simm.s32 $0x108;
	_ =	swait.ge @!p0 [sflag:s8], $0x0  }
0x24: {  	s3 =	sadd.s32 $0x88, s3;
	s6 =	simm.s32 @!p1 $0x1082;
	[sflag:s4] =	ssyncset.s32 $0xFFFFF086  }
0x25: {  	[simem:s6], [sflag:s4] =	dma.local [hbm:s3], $0xF7A  }
0x26: {  	[smem:$0x3F50] =	sst s1;
	(tag) =	ssettag s2;
	_ =	strace s9  }
0x27: {  	s1 =	sld [smem:$0x3F60]  }
0x28: {  	s2 =	sld [smem:$0x3F61]  }
0x29: {  	s4 =	sld [smem:$0x3F63]  }
0x2a: {  	p0 =	seq.s32 s5, $0x0;
	s5 =	sld [smem:$0x3F64]  }
0x2b: {  	s6 =	sld [smem:$0x3F65]  }
0x2c: {  	s7 =	sld [smem:$0x3F66]  }
0x2d: {  	s3 =	simm.s32 $0x108;
	s8 =	sld [smem:$0x3F67]  }
0x2e: {  	s3 =	simm.s32 @!p0 $0x1082;
	s9 =	sld [smem:$0x3F68]  }
0x2f: {  	lr =	sadd.s32 s0, s3;
	s0 =	sld [smem:$0x3F5F]  }
0x30: {  	s3 =	sld [smem:$0x3F62]  }
0x31: {  	[smem:$0x3F6B] =	sst s10  }
0x32: {  	s10 =	sld [smem:$0x3F69];
	_ =	sdelay $0x3  }
0x33: {  	p0 =	seq.s32 s10, $0x1;
	s10 =	sld [smem:$0x3F6B];
	_ =	sdelay $0x3  }
0x34: {  	[smem:$0x3F6B] =	sst s10  }
0x35: {  	s10 =	sld [smem:$0x3F6A];
	_ =	sdelay $0x3  }
0x36: {  	p1 =	seq.s32 s10, $0x1;
	s10 =	sld [smem:$0x3F6B];
	_ =	sdelay $0x3  }
0x37: {  	[smem:$0x3F6B] =	sst s10  }
0x38: {  	s10 =	sld [smem:$0x3F6C]  }
0x39: {  	_ = 	snop;
	(pc) =	sbr.ind lr, $3  }
0x3a: {  	_ = 	snop  }
0x3b: {  	_ = 	snop  }
0x3c: {  	p2 =	seq.s32 s10, $0x1;
	s10 =	sld [smem:$0x3F6B]  }
0x3d: {  	_ =	shalt  }
0x3e: {  	_ =	shalt  }
0x3f: {  	_ =	shalt  }
0x40: {  	_ =	shalt  }
0x41: {  	_ =	shalt  }
0x42: {  	_ =	shalt  }
0x43: {  	_ =	shalt  }
0x44: {  	_ =	shalt  }
0x45: {  	_ =	shalt  }
0x46: {  	_ =	shalt  }
0x47: {  	_ =	shalt  }
0x48: {  	_ =	shalt  }
0x49: {  	_ =	shalt  }
0x4a: {  	_ =	shalt  }
0x4b: {  	_ =	shalt  }
0x4c: {  	_ =	shalt  }
0x4d: {  	_ =	shalt  }
0x4e: {  	_ =	shalt  }
0x4f: {  	_ =	shalt  }
0x50: {  	_ =	shalt  }
0x51: {  	_ =	shalt  }
0x52: {  	_ =	shalt  }
0x53: {  	_ =	shalt  }
0x54: {  	_ =	shalt  }
0x55: {  	_ =	shalt  }
0x56: {  	_ =	shalt  }
0x57: {  	_ =	shalt  }
0x58: {  	_ =	shalt  }
0x59: {  	_ =	shalt  }
0x5a: {  	_ =	shalt  }
0x5b: {  	_ =	shalt  }
0x5c: {  	_ =	shalt  }
0x5d: {  	_ =	shalt  }
0x5e: {  	_ =	shalt  }
0x5f: {  	_ =	shalt  }
0x60: {  	_ =	shalt  }
0x61: {  	_ =	shalt  }
0x62: {  	_ =	shalt  }
0x63: {  	_ =	shalt  }
0x64: {  	_ =	shalt  }
0x65: {  	_ =	shalt  }
0x66: {  	_ =	shalt  }
0x67: {  	_ =	shalt  }
0x68: {  	_ =	shalt  }
0x69: {  	_ =	shalt  }
0x6a: {  	_ =	shalt  }
0x6b: {  	_ =	shalt  }
0x6c: {  	_ =	shalt  }
0x6d: {  	_ =	shalt  }
0x6e: {  	_ =	shalt  }
0x6f: {  	_ =	shalt  }
0x70: {  	_ =	shalt  }
0x71: {  	_ =	shalt  }
0x72: {  	_ =	shalt  }
0x73: {  	_ =	shalt  }
0x74: {  	_ =	shalt  }
0x75: {  	_ =	shalt  }
0x76: {  	_ =	shalt  }
0x77: {  	_ =	shalt  }
0x78: {  	_ =	shalt  }
0x79: {  	_ =	shalt  }
0x7a: {  	_ =	shalt  }
0x7b: {  	_ =	shalt  }
0x7c: {  	_ =	shalt  }
0x7d: {  	_ =	shalt  }
0x7e: {  	_ =	shalt  }
0x7f: {  	_ =	shalt  }
0x80: {  	_ =	shalt  }
0x81: {  	_ =	shalt  }
0x82: {  	_ =	shalt  }
0x83: {  	_ =	shalt  }
0x84: {  	_ =	shalt  }
0x85: {  	_ =	shalt  }
0x86: {  	_ =	shalt  }
0x87: {  	_ =	shalt  }
.Lfunc_end0:
.L_simem_size_0:
called_computation_lowered:
.L_overlay_start_0:
0x88: {  	s2 =	sld [smem:$0x3FD9]  }
0x89: {  	s3 =	sld [smem:$0x3FFE];
	_ =	sdelay $0x1  }
0x8a: {  	s1 =	srdreg.scid  }
0x8b: {  	s0 =	sand.u32 $0x1, s1  }
0x8c: {  	s16 =	sshll.u32 s0, $0xA;
	s2 =	sadd.s32 s3, s2  }
0x8d: {  	s2 =	sadd.s32 s2, s16  }
0x8e: {  	[smem:$0x3F77] =	sst s2  }
0x8f: {  	_ = 	snop  }
0x90: {  	(tm) =	ssettm $0x1  }
0x91: {  	s17 =	sld [smem:$0x3FFB];
	_ =	sdelay $0x3  }
0x92: {  	_ =	strace s17  }
0x93: {  	s2 =	sld [smem:$0x3FFC];
	_ =	sdelay $0x3  }
0x94: {  	_ =	strace s2  }
0x95: {  	s2 =	sld [smem:$0x3FFD];
	_ =	sdelay $0x3  }
0x96: {  	_ =	strace s2  }
0x97: {  	_ =	strace $0x8FFFFFFF  }
0x98: {  	s18 =	sld [smem:$0x3FDB];
	_ =	sdelay $0x1  }
0x99: {  	s19 =	simm.s32 $_scs_section_size  }
0x9a: {  	s4 =	simm.s32 $_size__tile_overlayer_lowered;
	s5 =	simm.s32 $_tile_overlayer_lowered  }
0x9b: {  	s22 =	simm.s32 $0x1BFF;
	s21 =	sshll.u32 s5, $0x1;
	s2 =	sadd.s32 s19, s18  }
0x9c: {  	s6 =	simm.s32 $0x0;
	s20 =	sshll.u32 s4, $0x1;
	s4 =	sadd.s32 s21, s2  }
0x9d: {  	[timem:s6], [sflag:s22] =	dma.local [hbm:s4], s20  }
0x9e: {  	_ =	swait.ge [sflag:s22], s20  }
0x9f: {  	s3 =	ssub.s32 $0x0, s20;
	[sflag:s22] =	ssyncset.done $0x0  }
0xa0: {  	[sflag:s22] =	ssyncadd.s32 s3;
	_ =	sdelay $0x1  }
0xa1: {  	s23 =	simm.s32 $0x1B8B  }
0xa2: {  	_ =	swait.ge [sflag:s23], $0x1  }
0xa3: {  	[sflag:s23] =	ssyncset.done $0x0  }
0xa4: {  	s25 =	simm.s32 $0x1B8E;
	s24 =	sld [smem:$0x3FFE];
	[sflag:s23] =	ssyncadd.s32 $0xFFFFFFFF  }
0xa5: {  	s26 =	simm.s32 $execute0_lowered;
	[smem:$0x3FD2] =	sst s25  }
0xa6: {  	s4 =	sshll.u32 s26, $0x1;
	_ =	strace $0x80000046;
	[dreg:$0x1] =	wrdreg $0xFFFFFFFF  }
0xa7: {  	s28 =	simm.s32 $_size_execute0_lowered;
	s2 =	sadd.s32 s2, s4;
	[dreg:$0x0] =	wrdreg $0x0  }
0xa8: {  	s4 =	sshll.u32 s28, $0x1;
	[dreg:$0x2] =	wrdreg s2  }
0xa9: {  	[dreg:$0x3] =	wrdreg s4  }
0xaa: {  	[dreg:$0x4] =	wrdreg $0xC0  }
0xab: {  	_ =	task [dreg:s6], $0x5FFFF  }
0xac: {  	[dreg:$0x1] =	wrdreg $0xFFFFFFFF  }
0xad: {  	[dreg:$0x0] =	wrdreg $0x60  }
0xae: {  	[dreg:$0x2] =	wrdreg s24  }
0xaf: {  	[dreg:$0x3] =	wrdreg $0x9  }
0xb0: {  	_ =	task.clear_ibuf [dreg:s6], $0x4FFFF;
	_ =	strace $0x90000046  }
0xb1: {  	s29 =	simm.s32 $0x9;
	_ =	strace $0x80000048  }
0xb2: {  	_ =	swait.ge [sflag:s29], $0x1  }
0xb3: {  	[sflag:s29] =	ssyncadd.s32 $0xFFFFFFFF  }
0xb4: {  	_ =	strace $0x90000048  }
0xb5: {  	_ =	sfence  }
0xb6: {  	s30 =	sld [smem:$0x0];
	_ =	sdelay $0x2  }
0xb7: {  	s31 =	sshll.u32 s1, $0xD;
	s1 =	sshrl.u32 s1, $0x2  }
0xb8: {  	s3 =	sand.u32 $0x4000, s31;
	s1 =	sadd.s32 s1, s30  }
0xb9: {  	s0 =	sor.u32 s3, s0;
	s1 =	sshll.u32 s1, $0x11  }
0xba: {  	s0 =	sor.u32 s1, s0  }
0xbb: {  	s0 =	sadd.s32 $0x8F2B, s0  }
0xbc: {  	[sflag:s0] =	ssyncadd.remote.s32 $0x1  }
0xbd: {  	_ =	sfence.sel $0xFFFF  }
0xbe: {  	[dreg:$0x0] =	wrdreg $0xFFFFFFFF;
	(pc) =	sbr.abs _section_cstart, $3  }
0xbf: {  	[dreg:$0x1] =	wrdreg $0xFFFFFFFF  }
0xc0: {  	_ =	task.clear_ibuf [dreg:s6], $0x2FFFF;
	_ =	strace $0x9FFFFFFF  }
0xc1: {  	(tm) =	ssettm $0x7FFFFFFF  }
tec
execute0_lowered:
.L_overlay_start_1:
0x0: {  	(tag) =	ssettag $0x1  }
0x1: {  	s4 =	rddreg [dreg:$0x0]  }
0x2: {  	s0 =	rddreg [dreg:$0x1];
	s2 =	simm.s32 $0x0;
	s1 =	stileid.u32  }
0x3: {  	s3 =	srdreg.scid;
	s10 =	simm.s32 $0x0;
	s6 =	smul.u32 $0x14000, s1  }
0x4: {  	[smem:$0x7FF] =	sst s2;
	s5 =	sand.u32 $0x1, s3;
	s8 =	smul.u32 $0x140000, s1  }
0x5: {  	s3 =	sadd.s32 $0x8FA00, s4;
	s7 =	smul.u32 $0xA000, s5;
	s9 =	ssub.s32 $0x2, s5  }
0x6: {  	_ =	strace $0x80000047;
	s5 =	smul.u32 $0xA0000, s5;
	s31 =	sshrl.u32 s9, $0x1  }
0x7: {  	s8 =	sadd.s32 s8, s4;
	s6 =	sadd.s32 s7, s6;
	s7 =	ssub.s32 s9, s31  }
0x8: {  	s5 =	sadd.s32 s5, s8;
	s8 =	simm.s32 $0x80;
	s6 =	sshrl.u32 s6, $0x3  }
0x9: {  	s9 =	simm.s32 $0x1;
	s5 =	sadd.s32 $0x1CFA00, s5;
	s6 =	sadd.s32 s6, s4  }
0xa: {  	s4 =	smax.u32 s7, $0x1;
	s7 =	simm.s32 $0x2;
	s6 =	sadd.s32 $0x17A00, s6  }
.LBB2_1:
0xb: {  	s11 =	sadd.s32 $0x0, s6  }
0xc: {  	[tilespmem:s2], [sflag:$0x2] =	stream.linear.gather [hbm4b:s11+s2], $0x80, $0x38;
	[tilespmem:$0x4080] =	vst v63  }
0xd: {  	_ =	swait.ge [sflag:s7], $0x80  }
0xe: {  	[sflag:s7] =	ssyncset.done $0x0  }
0xf: {  	[sflag:s7] =	ssyncadd.s32 $0xFFFFFF80  }
0x10: {  	[tilespmem:s8], [sflag:$0x1] =	stream.indirect.gather [hbm4b:s3+s8], $0x80, s2, s8, $0xb8;
	[tilespmem:$0x4080] =	vst v63  }
0x11: {  	_ =	swait.ge [sflag:s9], $0x4000  }
0x12: {  	[sflag:s9] =	ssyncset.done $0x0  }
0x13: {  	[sflag:s9] =	ssyncadd.s32 $0xFFFFC000  }
0x14: {  	[hbm4b:s5+s2] =	stream.linear.scatter [tilespmem:s8], [sflag:$0x2], $0x4000, $0x38;
	[tilespmem:$0x4080] =	vst v63  }
0x15: {  	s12 =	simm.s32 $0x10;
	_ =	swait.ge [sflag:s7], $0x4000  }
0x16: {  	s13 =	simm.s32 $0x20;
	s11 =	sadd.s32 $0x800, s5;
	[sflag:s7] =	ssyncset.done $0x0  }
.LBB2_2:
0x17: {  	s14 =	sadd.s32 s12, s6  }
0x18: {  	[sflag:s7] =	ssyncadd.s32 $0xFFFFC000;
	s12 =	smov.u32 s13;
	s15 =	sadd.s32 $0x10, s13  }
0x19: {  	[tilespmem:s2], [sflag:$0x2] =	stream.linear.gather [hbm4b:s14+s2], $0x80, $0x38;
	[tilespmem:$0x4080] =	vst v63  }
0x1a: {  	p0 =	sne.s32 s13, $0x13F0;
	_ =	swait.ge [sflag:s7], $0x80  }
0x1b: {  	[sflag:s7] =	ssyncset.done $0x0  }
0x1c: {  	[sflag:s7] =	ssyncadd.s32 $0xFFFFFF80  }
0x1d: {  	[tilespmem:s8], [sflag:$0x1] =	stream.indirect.gather [hbm4b:s3+s8], $0x80, s2, s8, $0xb8;
	[tilespmem:$0x4080] =	vst v63  }
0x1e: {  	_ =	swait.ge [sflag:s9], $0x4000  }
.Ltmp0:
0x1f: {  	[sflag:s9] =	ssyncset.done $0x0;
	(pc) =	sbr.rel @p0 .LBB2_2-.Ltmp0, $4  }
0x20: {  	[sflag:s9] =	ssyncadd.s32 $0xFFFFC000  }
0x21: {  	[hbm4b:s11+s2] =	stream.linear.scatter [tilespmem:s8], [sflag:$0x2], $0x4000, $0x38;
	[tilespmem:$0x4080] =	vst v63  }
0x22: {  	_ =	swait.ge [sflag:s7], $0x4000  }
0x23: {  	s13 =	smov.u32 s15;
	s11 =	sadd.s32 $0x800, s11;
	[sflag:s7] =	ssyncset.done $0x0  }
0x24: {  	s12 =	sadd.s32 s12, s6;
	[sflag:s7] =	ssyncadd.s32 $0xFFFFC000  }
0x25: {  	[tilespmem:s2], [sflag:$0x2] =	stream.linear.gather [hbm4b:s12+s2], $0x80, $0x38;
	[tilespmem:$0x4080] =	vst v63  }
0x26: {  	_ =	swait.ge [sflag:s7], $0x80  }
0x27: {  	[sflag:s7] =	ssyncset.done $0x0  }
0x28: {  	[sflag:s7] =	ssyncadd.s32 $0xFFFFFF80  }
0x29: {  	[tilespmem:s8], [sflag:$0x1] =	stream.indirect.gather [hbm4b:s3+s8], $0x80, s2, s8, $0xb8;
	[tilespmem:$0x4080] =	vst v63  }
0x2a: {  	s10 =	sadd.s32 $0x1, s10;
	_ =	swait.ge [sflag:s9], $0x4000  }
0x2b: {  	p0 =	sne.s32 s10, s4;
	[sflag:s9] =	ssyncset.done $0x0  }
.Ltmp1:
0x2c: {  	[sflag:s9] =	ssyncadd.s32 $0xFFFFC000;
	(pc) =	sbr.rel @p0 .LBB2_1-.Ltmp1, $4  }
0x2d: {  	[hbm4b:s11+s2] =	stream.linear.scatter [tilespmem:s8], [sflag:$0x2], $0x4000, $0x38;
	[tilespmem:$0x4080] =	vst v63  }
0x2e: {  	_ =	swait.ge [sflag:s7], $0x4000  }
0x2f: {  	[sflag:s7] =	ssyncset.done $0x0  }
0x30: {  	[sflag:s7] =	ssyncadd.s32 $0xFFFFC000  }
0x31: {  	_ =	sfence.sel $0x180000  }
0x32: {  	[bflag:$0x0] =	sbarrier.arrive $0xFFFF  }
0x33: {  	p0 =	sne.s32 s1, $0x0;
	_ =	strace $0x90000047  }
0x34: {  	s0 =	sadd.s32 @!p0 $0x100000, s0;
	[bflag:$0x2] =	sbarrier.arrive $0xFFFF  }
0x35: {  	[sflag:s0] =	ssyncadd.tile.s32 @!p0 $0x1;
	_ =	shalt  }
.Lfunc_end2:
_tile_overlayer_lowered:
.L_overlay_start_2:
0x36: {  	(tag) =	ssettag $0x2  }
0x37: {  	s0 =	rddreg [dreg:$0x0];
	s2 =	stileid.u32  }
0x38: {  	s1 =	rddreg [dreg:$0x1];
	p0 =	sne.s32 s2, $0x0  }
0x39: {  	s3 =	rddreg [dreg:$0x2];
	[bflag:$0x3] =	sbarrier.arrive $0xFFFF;
	s2 =	simm.s32 @!p0 $0x1C02  }
0x3a: {  	[timem:s3], [sflag:s2] =	dma.local @!p0 [hbm:s0], s1  }
0x3b: {  	s0 =	simm.s32 @!p0 $0x2  }
0x3c: {  	_ =	swait.ge @!p0 [sflag:s0], s1  }
0x3d: {  	s1 =	ssub.s32 @!p0 $0x0, s1;
	[sflag:s0] =	ssyncset.done @!p0 $0x0  }
0x3e: {  	[sflag:s0] =	ssyncadd.s32 @!p0 s1  }
0x3f: {  	[bflag:$0x3] =	sbarrier.arrive $0xFFFF  }
0x40: {  	_ =	shalt  }

// kernel: kernel.21.cloned.1.call-start
scs
__scs_entry_jumppad:
0x0: {  	(pc) =	sbr.rel $0x88, $3  }
0x1: {  	(tag) =	ssettag $0x0;
	lr =	simm.s32 $0x1  }
0x2: {  	[smem:$0x3F50] =	sst lr;
	_ =	strace $0xD0000000  }
0x3: {  	_ = 	snop  }
0x4: {  	_ = 	snop  }
0x5: {  	_ = 	snop  }
0x6: {  	_ = 	snop  }
0x7: {  	_ = 	snop  }
__scs_overlays_trampoline_lowered:
0x8: {  	[smem:$0x3F5F] =	sst s0  }
0x9: {  	[smem:$0x3F60] =	sst s1  }
0xa: {  	[smem:$0x3F61] =	sst s2  }
0xb: {  	[smem:$0x3F62] =	sst s3  }
0xc: {  	[smem:$0x3F63] =	sst s4  }
0xd: {  	[smem:$0x3F64] =	sst s5  }
0xe: {  	[smem:$0x3F65] =	sst s6  }
0xf: {  	[smem:$0x3F66] =	sst s7  }
0x10: {  	[smem:$0x3F67] =	sst s8  }
0x11: {  	[smem:$0x3F68] =	sst s9;
	s0 =	simm.s32 @!p0 $0x0  }
0x12: {  	s1 =	sld [smem:$0x3F4E];
	s0 =	simm.s32 @p0 $0x1  }
0x13: {  	[smem:$0x3F69] =	sst s0;
	s0 =	simm.s32 @!p1 $0x0  }
0x14: {  	s2 =	sld [smem:$0x3F4D];
	s0 =	simm.s32 @p1 $0x1  }
0x15: {  	[smem:$0x3F6A] =	sst s0;
	s0 =	simm.s32 @!p2 $0x0  }
0x16: {  	s3 =	sld [smem:$0x3FDB];
	s0 =	simm.s32 @p2 $0x1  }
0x17: {  	s4 =	simm.s32 $0x1BF5;
	[smem:$0x3F6C] =	sst s0  }
0x18: {  	s0 =	sld [smem:$0x3F4F];
	_ =	swait.ge [sflag:s4], $0x0  }
0x19: {  	s7 =	sld [smem:$0x3F50]  }
0x1a: {  	s8 =	sadd.s32 $0xFFFFE003, lr  }
0x1b: {  	s9 =	sadd.s32 $0xFFFFFEF7, lr;
	s5 =	simm.s32 $0xFFFFFFFF;
	p2 =	slt.u32 s8, $0xFFFFF086  }
0x1c: {  	p1 =	slt.u32 s9, $0xF7A;
	s5 =	simm.s32 @!p2 $0x0  }
0x1d: {  	s5 =	simm.s32 @p1 $0x1;
	p0 =	seq.s32 s7, s2  }
0x1e: {  	s7 =	smul.u32 @!p0 $0xF7A, s2;
	p2 =	seq.s32 @!p0 s5, $0x0  }
0x1f: {  	s9 =	smul.u32 $0xF7A, s1;
	s8 =	simm.s32 @!p0 $0x1BF5;
	p2 =	por !p2, p0  }
0x20: {  	[sflag:s8] =	ssyncset.s32 @!p0 $0xFFFFF086;
	s6 =	sadd.s32 @!p0 s3, s7;
	s7 =	simm.s32 @!p0 $0x108  }
0x21: {  	s3 =	sadd.s32 s3, s9;
	s6 =	sadd.s32 @!p0 $0x88, s6;
	s7 =	simm.s32 @p2 $0x1082  }
0x22: {  	[simem:s7], [sflag:s8] =	dma.local @!p0 [hbm:s6], $0xF7A  }
0x23: {  	s9 =	sor.u32 $0xD0000000, s2;
	s6 =	simm.s32 $0x108;
	_ =	swait.ge @!p0 [sflag:s8], $0x0  }
0x24: {  	s3 =	sadd.s32 $0x88, s3;
	s6 =	simm.s32 @!p1 $0x1082;
	[sflag:s4] =	ssyncset.s32 $0xFFFFF086  }
0x25: {  	[simem:s6], [sflag:s4] =	dma.local [hbm:s3], $0xF7A  }
0x26: {  	[smem:$0x3F50] =	sst s1;
	(tag) =	ssettag s2;
	_ =	strace s9  }
0x27: {  	s1 =	sld [smem:$0x3F60]  }
0x28: {  	s2 =	sld [smem:$0x3F61]  }
0x29: {  	s4 =	sld [smem:$0x3F63]  }
0x2a: {  	p0 =	seq.s32 s5, $0x0;
	s5 =	sld [smem:$0x3F64]  }
0x2b: {  	s6 =	sld [smem:$0x3F65]  }
0x2c: {  	s7 =	sld [smem:$0x3F66]  }
0x2d: {  	s3 =	simm.s32 $0x108;
	s8 =	sld [smem:$0x3F67]  }
0x2e: {  	s3 =	simm.s32 @!p0 $0x1082;
	s9 =	sld [smem:$0x3F68]  }
0x2f: {  	lr =	sadd.s32 s0, s3;
	s0 =	sld [smem:$0x3F5F]  }
0x30: {  	s3 =	sld [smem:$0x3F62]  }
0x31: {  	[smem:$0x3F6B] =	sst s10  }
0x32: {  	s10 =	sld [smem:$0x3F69];
	_ =	sdelay $0x3  }
0x33: {  	p0 =	seq.s32 s10, $0x1;
	s10 =	sld [smem:$0x3F6B];
	_ =	sdelay $0x3  }
0x34: {  	[smem:$0x3F6B] =	sst s10  }
0x35: {  	s10 =	sld [smem:$0x3F6A];
	_ =	sdelay $0x3  }
0x36: {  	p1 =	seq.s32 s10, $0x1;
	s10 =	sld [smem:$0x3F6B];
	_ =	sdelay $0x3  }
0x37: {  	[smem:$0x3F6B] =	sst s10  }
0x38: {  	s10 =	sld [smem:$0x3F6C]  }
0x39: {  	_ = 	snop;
	(pc) =	sbr.ind lr, $3  }
0x3a: {  	_ = 	snop  }
0x3b: {  	_ = 	snop  }
0x3c: {  	p2 =	seq.s32 s10, $0x1;
	s10 =	sld [smem:$0x3F6B]  }
0x3d: {  	_ =	shalt  }
0x3e: {  	_ =	shalt  }
0x3f: {  	_ =	shalt  }
0x40: {  	_ =	shalt  }
0x41: {  	_ =	shalt  }
0x42: {  	_ =	shalt  }
0x43: {  	_ =	shalt  }
0x44: {  	_ =	shalt  }
0x45: {  	_ =	shalt  }
0x46: {  	_ =	shalt  }
0x47: {  	_ =	shalt  }
0x48: {  	_ =	shalt  }
0x49: {  	_ =	shalt  }
0x4a: {  	_ =	shalt  }
0x4b: {  	_ =	shalt  }
0x4c: {  	_ =	shalt  }
0x4d: {  	_ =	shalt  }
0x4e: {  	_ =	shalt  }
0x4f: {  	_ =	shalt  }
0x50: {  	_ =	shalt  }
0x51: {  	_ =	shalt  }
0x52: {  	_ =	shalt  }
0x53: {  	_ =	shalt  }
0x54: {  	_ =	shalt  }
0x55: {  	_ =	shalt  }
0x56: {  	_ =	shalt  }
0x57: {  	_ =	shalt  }
0x58: {  	_ =	shalt  }
0x59: {  	_ =	shalt  }
0x5a: {  	_ =	shalt  }
0x5b: {  	_ =	shalt  }
0x5c: {  	_ =	shalt  }
0x5d: {  	_ =	shalt  }
0x5e: {  	_ =	shalt  }
0x5f: {  	_ =	shalt  }
0x60: {  	_ =	shalt  }
0x61: {  	_ =	shalt  }
0x62: {  	_ =	shalt  }
0x63: {  	_ =	shalt  }
0x64: {  	_ =	shalt  }
0x65: {  	_ =	shalt  }
0x66: {  	_ =	shalt  }
0x67: {  	_ =	shalt  }
0x68: {  	_ =	shalt  }
0x69: {  	_ =	shalt  }
0x6a: {  	_ =	shalt  }
0x6b: {  	_ =	shalt  }
0x6c: {  	_ =	shalt  }
0x6d: {  	_ =	shalt  }
0x6e: {  	_ =	shalt  }
0x6f: {  	_ =	shalt  }
0x70: {  	_ =	shalt  }
0x71: {  	_ =	shalt  }
0x72: {  	_ =	shalt  }
0x73: {  	_ =	shalt  }
0x74: {  	_ =	shalt  }
0x75: {  	_ =	shalt  }
0x76: {  	_ =	shalt  }
0x77: {  	_ =	shalt  }
0x78: {  	_ =	shalt  }
0x79: {  	_ =	shalt  }
0x7a: {  	_ =	shalt  }
0x7b: {  	_ =	shalt  }
0x7c: {  	_ =	shalt  }
0x7d: {  	_ =	shalt  }
0x7e: {  	_ =	shalt  }
0x7f: {  	_ =	shalt  }
0x80: {  	_ =	shalt  }
0x81: {  	_ =	shalt  }
0x82: {  	_ =	shalt  }
0x83: {  	_ =	shalt  }
0x84: {  	_ =	shalt  }
0x85: {  	_ =	shalt  }
0x86: {  	_ =	shalt  }
0x87: {  	_ =	shalt  }
.Lfunc_end0:
.L_simem_size_0:
called_computation.1_lowered:
.L_overlay_start_0:
0x88: {  	s2 =	sld [smem:$0x3FD9]  }
0x89: {  	s3 =	sld [smem:$0x3FFE];
	_ =	sdelay $0x1  }
0x8a: {  	s1 =	srdreg.scid  }
0x8b: {  	s0 =	sand.u32 $0x1, s1  }
0x8c: {  	s16 =	sshll.u32 s0, $0xA;
	s2 =	sadd.s32 s3, s2  }
0x8d: {  	s2 =	sadd.s32 s2, s16  }
0x8e: {  	[smem:$0x3F77] =	sst s2  }
0x8f: {  	_ = 	snop  }
0x90: {  	(tm) =	ssettm $0x1  }
0x91: {  	s17 =	sld [smem:$0x3FFB];
	_ =	sdelay $0x3  }
0x92: {  	_ =	strace s17  }
0x93: {  	s2 =	sld [smem:$0x3FFC];
	_ =	sdelay $0x3  }
0x94: {  	_ =	strace s2  }
0x95: {  	s2 =	sld [smem:$0x3FFD];
	_ =	sdelay $0x3  }
0x96: {  	_ =	strace s2  }
0x97: {  	_ =	strace $0x8FFFFFFF  }
0x98: {  	s18 =	sld [smem:$0x3FDB];
	_ =	sdelay $0x1  }
0x99: {  	s19 =	simm.s32 $_scs_section_size  }
0x9a: {  	s4 =	simm.s32 $_size__tile_overlayer_lowered;
	s5 =	simm.s32 $_tile_overlayer_lowered  }
0x9b: {  	s22 =	simm.s32 $0x1BFF;
	s21 =	sshll.u32 s5, $0x1;
	s2 =	sadd.s32 s19, s18  }
0x9c: {  	s6 =	simm.s32 $0x0;
	s20 =	sshll.u32 s4, $0x1;
	s4 =	sadd.s32 s21, s2  }
0x9d: {  	[timem:s6], [sflag:s22] =	dma.local [hbm:s4], s20  }
0x9e: {  	_ =	swait.ge [sflag:s22], s20  }
0x9f: {  	s3 =	ssub.s32 $0x0, s20;
	[sflag:s22] =	ssyncset.done $0x0  }
0xa0: {  	[sflag:s22] =	ssyncadd.s32 s3;
	_ =	sdelay $0x1  }
0xa1: {  	s23 =	simm.s32 $0x1B8B  }
0xa2: {  	_ =	swait.ge [sflag:s23], $0x1  }
0xa3: {  	[sflag:s23] =	ssyncset.done $0x0  }
0xa4: {  	s25 =	simm.s32 $0x1B8E;
	s24 =	sld [smem:$0x3FFE];
	[sflag:s23] =	ssyncadd.s32 $0xFFFFFFFF  }
0xa5: {  	s26 =	simm.s32 $execute0_lowered;
	[smem:$0x3FD2] =	sst s25  }
0xa6: {  	s4 =	sshll.u32 s26, $0x1;
	_ =	strace $0x80000049;
	[dreg:$0x1] =	wrdreg $0xFFFFFFFF  }
0xa7: {  	s28 =	simm.s32 $_size_execute0_lowered;
	s2 =	sadd.s32 s2, s4;
	[dreg:$0x0] =	wrdreg $0x0  }
0xa8: {  	s4 =	sshll.u32 s28, $0x1;
	[dreg:$0x2] =	wrdreg s2  }
0xa9: {  	[dreg:$0x3] =	wrdreg s4  }
0xaa: {  	[dreg:$0x4] =	wrdreg $0xC0  }
0xab: {  	_ =	task [dreg:s6], $0x5FFFF  }
0xac: {  	[dreg:$0x1] =	wrdreg $0xFFFFFFFF  }
0xad: {  	[dreg:$0x0] =	wrdreg $0x60  }
0xae: {  	[dreg:$0x2] =	wrdreg s24  }
0xaf: {  	[dreg:$0x3] =	wrdreg $0x80800  }
0xb0: {  	[dreg:$0x4] =	wrdreg $0x9  }
0xb1: {  	_ =	task.clear_ibuf [dreg:s6], $0x5FFFF;
	_ =	strace $0x90000049  }
0xb2: {  	s29 =	simm.s32 $0x9;
	_ =	strace $0x8000004B  }
0xb3: {  	_ =	swait.ge [sflag:s29], $0x1  }
0xb4: {  	[sflag:s29] =	ssyncadd.s32 $0xFFFFFFFF  }
0xb5: {  	_ =	strace $0x9000004B  }
0xb6: {  	_ =	sfence  }
0xb7: {  	s30 =	sld [smem:$0x0];
	_ =	sdelay $0x2  }
0xb8: {  	s31 =	sshll.u32 s1, $0xD;
	s1 =	sshrl.u32 s1, $0x2  }
0xb9: {  	s3 =	sand.u32 $0x4000, s31;
	s1 =	sadd.s32 s1, s30  }
0xba: {  	s0 =	sor.u32 s3, s0;
	s1 =	sshll.u32 s1, $0x11  }
0xbb: {  	s0 =	sor.u32 s1, s0  }
0xbc: {  	s0 =	sadd.s32 $0x8F2B, s0  }
0xbd: {  	[sflag:s0] =	ssyncadd.remote.s32 $0x1  }
0xbe: {  	_ =	sfence.sel $0xFFFF  }
0xbf: {  	[dreg:$0x0] =	wrdreg $0xFFFFFFFF;
	(pc) =	sbr.abs _section_cstart, $3  }
0xc0: {  	[dreg:$0x1] =	wrdreg $0xFFFFFFFF  }
0xc1: {  	_ =	task.clear_ibuf [dreg:s6], $0x2FFFF;
	_ =	strace $0x9FFFFFFF  }
0xc2: {  	(tm) =	ssettm $0x7FFFFFFF  }
0xc3: {  	_ =	shalt  }
tec
execute0_lowered:
.L_overlay_start_1:
0x0: {  	(tag) =	ssettag $0x1  }
0x1: {  	s5 =	rddreg [dreg:$0x0]  }
0x2: {  	s0 =	srdreg.scid;
	s2 =	rddreg [dreg:$0x1]  }
0x3: {  	s1 =	rddreg [dreg:$0x2];
	s4 =	sand.u32 $0x1, s0  }
0x4: {  	s0 =	stileid.u32;
	s6 =	smul.u32 $0x1400000, s4  }
0x5: {  	s3 =	simm.s32 $0x0;
	s13 =	simm.s32 $0x1;
	s7 =	smul.u32 $0x140000, s0  }
0x6: {  	s14 =	simm.s32 $0x8000;
	s15 =	simm.s32 $0x4000;
	s8 =	smul.u32 $0xA000, s0  }
0x7: {  	s16 =	simm.s32 $0x80;
	s19 =	simm.s32 $0x0;
	s10 =	smul.u32 $0x140000, s4  }
0x8: {  	[smem:$0x7FF] =	sst s3;
	s9 =	sshll.u32 s4, $0x7;
	s23 =	smul.u32 $0x14000, s0  }
0x9: {  	s24 =	smul.u32 $0x50000, s0;
	s26 =	ssub.s32 $0x2, s4;
	s17 =	sshll.u32 s0, $0x6  }
0xa: {  	_ =	strace $0x8000004A;
	s29 =	sshrl.u32 s26, $0x1;
	s17 =	sor.u32 $0x1C01, s17  }
0xb: {  	s6 =	sadd.s32 s7, s6;
	s22 =	sor.u32 s9, s8;
	s25 =	sadd.s32 s23, s10  }
0xc: {  	s28 =	sshrl.u32 s24, $0x2;
	s31 =	ssub.s32 s26, s29;
	s6 =	sshrl.u32 s6, $0x3  }
0xd: {  	s7 =	sshrl.u32 s22, $0x3;
	s4 =	sadd.s32 s28, s2;
	s10 =	smax.u32 s31, $0x1  }
0xe: {  	s11 =	sadd.s32 s6, s5;
	s12 =	sadd.s32 s7, s5;
	s6 =	sshrl.u32 s25, $0x3  }
0xf: {  	s7 =	sadd.s32 $0xC000, s4;
	s8 =	sadd.s32 $0x10000, s4;
	s18 =	sshrl.u32 s4, $0x3  }
0x10: {  	s30 =	sadd.s32 s6, s5;
	s5 =	sadd.s32 $0x4000, s4;
	s11 =	sadd.s32 $0x1683A00, s11  }
0x11: {  	v0 =	vimm.f32 $0.0e+00;
	s6 =	sadd.s32 $0x8000, s4;
	s12 =	sadd.s32 $0x15CFA00, s12;
	s9 =	sadd.s32 $0x8FA00, s30  }
.LBB2_1:
0x12: {  	s20 =	sand.u32 $0xFE00, s3  }
0x13: {  	s21 =	sand.u32 $0x70, s3;
	s22 =	sshrl.u32 s20, $0x2  }
0x14: {  	s20 =	simm.s32 $0x40;
	s22 =	sor.u32 s21, s22;
	s21 =	simm.s32 $0x0  }
.LBB2_2:
0x15: {  	p0 =	sne.s32 s20, $0xFFC0  }
0x16: {  	[tilespmem:s22+$0x0] =	vst v0;
	s21 =	sadd.s32 $0x10, s21;
	s22 =	smov.u32 s20;
	s20 =	sadd.s32 $0x40, s20  }
.Ltmp0:
0x17: {  	(pc) =	sbr.rel @p0 .LBB2_2-.Ltmp0, $4  }
0x18: {  	_ = 	snop  }
0x19: {  	s22 =	sand.u32 $0xFE00, s22  }
0x1a: {  	s23 =	sand.u32 $0x70, s21;
	s22 =	sshrl.u32 s22, $0x2  }
0x1b: {  	s22 =	sor.u32 s23, s22  }
0x1c: {  	[tilespmem:s22+$0x0] =	vst v0;
	s20 =	simm.s32 $0x0  }
0x1d: {  	[spmem:s4] =	stream.linear.scatter [tilespmem:s20], [sflag:$0x1], $0x4000, $0x38;
	[tilespmem:$0x1C080] =	vst v63  }
0x1e: {  	_ =	swait.ge [sflag:s13], $0x4000  }
0x1f: {  	[sflag:s13] =	ssyncset.done $0x0  }
0x20: {  	[sflag:s13] =	ssyncadd.s32 $0xFFFFC000  }
0x21: {  	[spmem:s5] =	stream.linear.scatter [tilespmem:s20], [sflag:$0x1], $0x4000, $0x38;
	[tilespmem:$0x1C080] =	vst v63  }
0x22: {  	_ =	swait.ge [sflag:s13], $0x4000  }
0x23: {  	[sflag:s13] =	ssyncset.done $0x0  }
0x24: {  	[sflag:s13] =	ssyncadd.s32 $0xFFFFC000  }
0x25: {  	[spmem:s6] =	stream.linear.scatter [tilespmem:s20], [sflag:$0x1], $0x4000, $0x38;
	[tilespmem:$0x1C080] =	vst v63  }
0x26: {  	_ =	swait.ge [sflag:s13], $0x4000  }
0x27: {  	[sflag:s13] =	ssyncset.done $0x0  }
0x28: {  	[sflag:s13] =	ssyncadd.s32 $0xFFFFC000  }
0x29: {  	[spmem:s7] =	stream.linear.scatter [tilespmem:s20], [sflag:$0x1], $0x4000, $0x38;
	[tilespmem:$0x1C080] =	vst v63  }
0x2a: {  	_ =	swait.ge [sflag:s13], $0x4000  }
0x2b: {  	[sflag:s13] =	ssyncset.done $0x0  }
0x2c: {  	[sflag:s13] =	ssyncadd.s32 $0xFFFFC000  }
0x2d: {  	[spmem:s8] =	stream.linear.scatter [tilespmem:s20], [sflag:$0x1], $0x4000, $0x38;
	[tilespmem:$0x1C080] =	vst v63  }
0x2e: {  	_ =	swait.ge [sflag:s13], $0x4000  }
0x2f: {  	[sflag:s13] =	ssyncset.done $0x0  }
0x30: {  	[sflag:s13] =	ssyncadd.s32 $0xFFFFC000  }
0x31: {  	s31 =	sadd.s32 $0x0, s12;
	[bflag:$0x0] =	sbarrier.arrive $0xFFFF  }
0x32: {  	[tilespmem:s14], [sflag:$0x1] =	stream.linear.gather [hbm4b:s31+s3], $0x80, $0x38;
	[tilespmem:$0x1C080] =	vst v63  }
0x33: {  	_ =	swait.ge [sflag:s13], $0x80  }
0x34: {  	[sflag:s13] =	ssyncset.done $0x0  }
0x35: {  	[sflag:s13] =	ssyncadd.s32 $0xFFFFFF80  }
0x36: {  	[tilespmem:s15], [sflag:$0x1] =	stream.linear.gather [hbm4b:s11+s3], $0x4000, $0x38;
	[tilespmem:$0x1C080] =	vst v63  }
0x37: {  	_ =	swait.ge [sflag:s13], $0x4000  }
0x38: {  	[sflag:s13] =	ssyncset.done $0x0  }
0x39: {  	[sflag:s13] =	ssyncadd.s32 $0xFFFFC000  }
0x3a: {  	[spmem:s2] =	stream.indirect.scatter.add.f32 [tilespmem:s15], [sflag:$0x1], $0x80, s14, s16, $0xb8;
	[tilespmem:$0x1C080] =	vst v63  }
0x3b: {  	s21 =	simm.s32 $0x40;
	_ =	swait.ge [sflag:s13], $0x4000  }
0x3c: {  	s22 =	simm.s32 $0x80;
	s20 =	sadd.s32 $0x800, s11;
	[sflag:s13] =	ssyncset.done $0x0  }
.LBB2_4:
0x3d: {  	s23 =	sadd.s32 s21, s12  }
0x3e: {  	[sflag:s13] =	ssyncadd.s32 $0xFFFFC000;
	s21 =	smov.u32 s22;
	s24 =	sadd.s32 $0x40, s22  }
0x3f: {  	[tilespmem:s14], [sflag:$0x1] =	stream.linear.gather [hbm4b:s23+s3], $0x80, $0x38;
	[tilespmem:$0x1C080] =	vst v63  }
0x40: {  	p0 =	sne.s32 s22, $0x13C0;
	_ =	swait.ge [sflag:s13], $0x80  }
0x41: {  	[sflag:s13] =	ssyncset.done $0x0  }
0x42: {  	[sflag:s13] =	ssyncadd.s32 $0xFFFFFF80  }
0x43: {  	[tilespmem:s15], [sflag:$0x1] =	stream.linear.gather [hbm4b:s20+s3], $0x4000, $0x38;
	[tilespmem:$0x1C080] =	vst v63  }
0x44: {  	_ =	swait.ge [sflag:s13], $0x4000  }
.Ltmp1:
0x45: {  	[sflag:s13] =	ssyncset.done $0x0;
	(pc) =	sbr.rel @p0 .LBB2_4-.Ltmp1, $4  }
0x46: {  	[sflag:s13] =	ssyncadd.s32 $0xFFFFC000  }
0x47: {  	[spmem:s2] =	stream.indirect.scatter.add.f32 [tilespmem:s15], [sflag:$0x1], $0x80, s14, s16, $0xb8;
	[tilespmem:$0x1C080] =	vst v63  }
0x48: {  	_ =	swait.ge [sflag:s13], $0x4000  }
0x49: {  	s22 =	smov.u32 s24;
	s20 =	sadd.s32 $0x800, s20;
	[sflag:s13] =	ssyncset.done $0x0  }
0x4a: {  	s21 =	sadd.s32 s21, s12;
	[sflag:s13] =	ssyncadd.s32 $0xFFFFC000  }
0x4b: {  	[tilespmem:s14], [sflag:$0x1] =	stream.linear.gather [hbm4b:s21+s3], $0x80, $0x38;
	[tilespmem:$0x1C080] =	vst v63  }
0x4c: {  	_ =	swait.ge [sflag:s13], $0x80  }
0x4d: {  	[sflag:s13] =	ssyncset.done $0x0  }
0x4e: {  	[sflag:s13] =	ssyncadd.s32 $0xFFFFFF80  }
0x4f: {  	[tilespmem:s15], [sflag:$0x1] =	stream.linear.gather [hbm4b:s20+s3], $0x4000, $0x38;
	[tilespmem:$0x1C080] =	vst v63  }
0x50: {  	_ =	swait.ge [sflag:s13], $0x4000  }
0x51: {  	[sflag:s13] =	ssyncset.done $0x0  }
0x52: {  	[sflag:s13] =	ssyncadd.s32 $0xFFFFC000  }
0x53: {  	[spmem:s2] =	stream.indirect.scatter.add.f32 [tilespmem:s15], [sflag:$0x1], $0x80, s14, s16, $0xb8;
	[tilespmem:$0x1C080] =	vst v63  }
0x54: {  	_ =	swait.ge [sflag:s13], $0x4000  }
0x55: {  	s19 =	sadd.s32 $0x1, s19;
	[sflag:s13] =	ssyncset.done $0x0  }
0x56: {  	p0 =	sne.s32 s19, s10;
	[sflag:s13] =	ssyncadd.s32 $0xFFFFC000  }
.Ltmp2:
0x57: {  	[bflag:$0x0] =	sbarrier.arrive $0xFFFF;
	(pc) =	sbr.rel @p0 .LBB2_1-.Ltmp2, $4  }
0x58: {  	[hbm:s9], [sflag:s17] =	dma.local [spmem:s18], $0x2800  }
0x59: {  	_ =	swait.ge [sflag:s13], $0x2800  }
0x5a: {  	[sflag:s13] =	ssyncset.done $0x0  }
0x5b: {  	[sflag:s13] =	ssyncadd.s32 $0xFFFFD800  }
0x5c: {  	_ =	sfence.sel $0x180000  }
0x5d: {  	[bflag:$0x0] =	sbarrier.arrive $0xFFFF  }
0x5e: {  	p0 =	sne.s32 s0, $0x0;
	_ =	strace $0x9000004A  }
0x5f: {  	s0 =	sadd.s32 @!p0 $0x100000, s1;
	[bflag:$0x2] =	sbarrier.arrive $0xFFFF  }
0x60: {  	[sflag:s0] =	ssyncadd.tile.s32 @!p0 $0x1;
	_ =	shalt  }
.Lfunc_end2:
_tile_overlayer_lowered:
.L_overlay_start_2:
0x61: {  	(tag) =	ssettag $0x2  }
0x62: {  	s0 =	rddreg [dreg:$0x0];
	s2 =	stileid.u32  }
0x63: {  	s1 =	rddreg [dreg:$0x1];
	p0 =	sne.s32 s2, $0x0  }
0x64: {  	s3 =	rddreg [dreg:$0x2];
	[bflag:$0x3] =	sbarrier.arrive $0xFFFF;
	s2 =	simm.s32 @!p0 $0x1C01  }
0x65: {  	[timem:s3], [sflag:s2] =	dma.local @!p0 [hbm:s0], s1  }
0x66: {  	s0 =	simm.s32 @!p0 $0x1  }
0x67: {  	_ =	swait.ge @!p0 [sflag:s0], s1  }
0x68: {  	s1 =	ssub.s32 @!p0 $0x0, s1;
	[sflag:s0] =	ssyncset.done @!p0 $0x0  }
0x69: {  	[sflag:s0] =	ssyncadd.s32 @!p0 s1  }
0x6a: {  	[bflag:$0x3] =	sbarrier.arrive $0xFFFF  }
0x6b: {  	_ =	shalt  }

// kernel: kernel.24.cloned.1.call-start
scs
__scs_entry_jumppad:
0x0: {  	(pc) =	sbr.rel $0x88, $3  }
0x1: {  	(tag) =	ssettag $0x0;
	lr =	simm.s32 $0x1  }
0x2: {  	[smem:$0x3F50] =	sst lr;
	_ =	strace $0xD0000000  }
0x3: {  	_ = 	snop  }
0x4: {  	_ = 	snop  }
0x5: {  	_ = 	snop  }
0x6: {  	_ = 	snop  }
0x7: {  	_ = 	snop  }
__scs_overlays_trampoline_lowered:
0x8: {  	[smem:$0x3F5F] =	sst s0  }
0x9: {  	[smem:$0x3F60] =	sst s1  }
0xa: {  	[smem:$0x3F61] =	sst s2  }
0xb: {  	[smem:$0x3F62] =	sst s3  }
0xc: {  	[smem:$0x3F63] =	sst s4  }
0xd: {  	[smem:$0x3F64] =	sst s5  }
0xe: {  	[smem:$0x3F65] =	sst s6  }
0xf: {  	[smem:$0x3F66] =	sst s7  }
0x10: {  	[smem:$0x3F67] =	sst s8  }
0x11: {  	[smem:$0x3F68] =	sst s9;
	s0 =	simm.s32 @!p0 $0x0  }
0x12: {  	s1 =	sld [smem:$0x3F4E];
	s0 =	simm.s32 @p0 $0x1  }
0x13: {  	[smem:$0x3F69] =	sst s0;
	s0 =	simm.s32 @!p1 $0x0  }
0x14: {  	s2 =	sld [smem:$0x3F4D];
	s0 =	simm.s32 @p1 $0x1  }
0x15: {  	[smem:$0x3F6A] =	sst s0;
	s0 =	simm.s32 @!p2 $0x0  }
0x16: {  	s3 =	sld [smem:$0x3FDB];
	s0 =	simm.s32 @p2 $0x1  }
0x17: {  	s4 =	simm.s32 $0x1BF5;
	[smem:$0x3F6C] =	sst s0  }
0x18: {  	s0 =	sld [smem:$0x3F4F];
	_ =	swait.ge [sflag:s4], $0x0  }
0x19: {  	s7 =	sld [smem:$0x3F50]  }
0x1a: {  	s8 =	sadd.s32 $0xFFFFE003, lr  }
0x1b: {  	s9 =	sadd.s32 $0xFFFFFEF7, lr;
	s5 =	simm.s32 $0xFFFFFFFF;
	p2 =	slt.u32 s8, $0xFFFFF086  }
0x1c: {  	p1 =	slt.u32 s9, $0xF7A;
	s5 =	simm.s32 @!p2 $0x0  }
0x1d: {  	s5 =	simm.s32 @p1 $0x1;
	p0 =	seq.s32 s7, s2  }
0x1e: {  	s7 =	smul.u32 @!p0 $0xF7A, s2;
	p2 =	seq.s32 @!p0 s5, $0x0  }
0x1f: {  	s9 =	smul.u32 $0xF7A, s1;
	s8 =	simm.s32 @!p0 $0x1BF5;
	p2 =	por !p2, p0  }
0x20: {  	[sflag:s8] =	ssyncset.s32 @!p0 $0xFFFFF086;
	s6 =	sadd.s32 @!p0 s3, s7;
	s7 =	simm.s32 @!p0 $0x108  }
0x21: {  	s3 =	sadd.s32 s3, s9;
	s6 =	sadd.s32 @!p0 $0x88, s6;
	s7 =	simm.s32 @p2 $0x1082  }
0x22: {  	[simem:s7], [sflag:s8] =	dma.local @!p0 [hbm:s6], $0xF7A  }
0x23: {  	s9 =	sor.u32 $0xD0000000, s2;
	s6 =	simm.s32 $0x108;
	_ =	swait.ge @!p0 [sflag:s8], $0x0  }
0x24: {  	s3 =	sadd.s32 $0x88, s3;
	s6 =	simm.s32 @!p1 $0x1082;
	[sflag:s4] =	ssyncset.s32 $0xFFFFF086  }
0x25: {  	[simem:s6], [sflag:s4] =	dma.local [hbm:s3], $0xF7A  }
0x26: {  	[smem:$0x3F50] =	sst s1;
	(tag) =	ssettag s2;
	_ =	strace s9  }
0x27: {  	s1 =	sld [smem:$0x3F60]  }
0x28: {  	s2 =	sld [smem:$0x3F61]  }
0x29: {  	s4 =	sld [smem:$0x3F63]  }
0x2a: {  	p0 =	seq.s32 s5, $0x0;
	s5 =	sld [smem:$0x3F64]  }
0x2b: {  	s6 =	sld [smem:$0x3F65]  }
0x2c: {  	s7 =	sld [smem:$0x3F66]  }
0x2d: {  	s3 =	simm.s32 $0x108;
	s8 =	sld [smem:$0x3F67]  }
0x2e: {  	s3 =	simm.s32 @!p0 $0x1082;
	s9 =	sld [smem:$0x3F68]  }
0x2f: {  	lr =	sadd.s32 s0, s3;
	s0 =	sld [smem:$0x3F5F]  }
0x30: {  	s3 =	sld [smem:$0x3F62]  }
0x31: {  	[smem:$0x3F6B] =	sst s10  }
0x32: {  	s10 =	sld [smem:$0x3F69];
	_ =	sdelay $0x3  }
0x33: {  	p0 =	seq.s32 s10, $0x1;
	s10 =	sld [smem:$0x3F6B];
	_ =	sdelay $0x3  }
0x34: {  	[smem:$0x3F6B] =	sst s10  }
0x35: {  	s10 =	sld [smem:$0x3F6A];
	_ =	sdelay $0x3  }
0x36: {  	p1 =	seq.s32 s10, $0x1;
	s10 =	sld [smem:$0x3F6B];
	_ =	sdelay $0x3  }
0x37: {  	[smem:$0x3F6B] =	sst s10  }
0x38: {  	s10 =	sld [smem:$0x3F6C]  }
0x39: {  	_ = 	snop;
	(pc) =	sbr.ind lr, $3  }
0x3a: {  	_ = 	snop  }
0x3b: {  	_ = 	snop  }
0x3c: {  	p2 =	seq.s32 s10, $0x1;
	s10 =	sld [smem:$0x3F6B]  }
0x3d: {  	_ =	shalt  }
0x3e: {  	_ =	shalt  }
0x3f: {  	_ =	shalt  }
0x40: {  	_ =	shalt  }
0x41: {  	_ =	shalt  }
0x42: {  	_ =	shalt  }
0x43: {  	_ =	shalt  }
0x44: {  	_ =	shalt  }
0x45: {  	_ =	shalt  }
0x46: {  	_ =	shalt  }
0x47: {  	_ =	shalt  }
0x48: {  	_ =	shalt  }
0x49: {  	_ =	shalt  }
0x4a: {  	_ =	shalt  }
0x4b: {  	_ =	shalt  }
0x4c: {  	_ =	shalt  }
0x4d: {  	_ =	shalt  }
0x4e: {  	_ =	shalt  }
0x4f: {  	_ =	shalt  }
0x50: {  	_ =	shalt  }
0x51: {  	_ =	shalt  }
0x52: {  	_ =	shalt  }
0x53: {  	_ =	shalt  }
0x54: {  	_ =	shalt  }
0x55: {  	_ =	shalt  }
0x56: {  	_ =	shalt  }
0x57: {  	_ =	shalt  }
0x58: {  	_ =	shalt  }
0x59: {  	_ =	shalt  }
0x5a: {  	_ =	shalt  }
0x5b: {  	_ =	shalt  }
0x5c: {  	_ =	shalt  }
0x5d: {  	_ =	shalt  }
0x5e: {  	_ =	shalt  }
0x5f: {  	_ =	shalt  }
0x60: {  	_ =	shalt  }
0x61: {  	_ =	shalt  }
0x62: {  	_ =	shalt  }
0x63: {  	_ =	shalt  }
0x64: {  	_ =	shalt  }
0x65: {  	_ =	shalt  }
0x66: {  	_ =	shalt  }
0x67: {  	_ =	shalt  }
0x68: {  	_ =	shalt  }
0x69: {  	_ =	shalt  }
0x6a: {  	_ =	shalt  }
0x6b: {  	_ =	shalt  }
0x6c: {  	_ =	shalt  }
0x6d: {  	_ =	shalt  }
0x6e: {  	_ =	shalt  }
0x6f: {  	_ =	shalt  }
0x70: {  	_ =	shalt  }
0x71: {  	_ =	shalt  }
0x72: {  	_ =	shalt  }
0x73: {  	_ =	shalt  }
0x74: {  	_ =	shalt  }
0x75: {  	_ =	shalt  }
0x76: {  	_ =	shalt  }
0x77: {  	_ =	shalt  }
0x78: {  	_ =	shalt  }
0x79: {  	_ =	shalt  }
0x7a: {  	_ =	shalt  }
0x7b: {  	_ =	shalt  }
0x7c: {  	_ =	shalt  }
0x7d: {  	_ =	shalt  }
0x7e: {  	_ =	shalt  }
0x7f: {  	_ =	shalt  }
0x80: {  	_ =	shalt  }
0x81: {  	_ =	shalt  }
0x82: {  	_ =	shalt  }
0x83: {  	_ =	shalt  }
0x84: {  	_ =	shalt  }
0x85: {  	_ =	shalt  }
0x86: {  	_ =	shalt  }
0x87: {  	_ =	shalt  }
.Lfunc_end0:
.L_simem_size_0:
called_computation.2_lowered:
.L_overlay_start_0:
0x88: {  	s2 =	sld [smem:$0x3FD9]  }
0x89: {  	s3 =	sld [smem:$0x3FFE];
	_ =	sdelay $0x1  }
0x8a: {  	s1 =	srdreg.scid  }
0x8b: {  	s0 =	sand.u32 $0x1, s1  }
0x8c: {  	s17 =	sshll.u32 s0, $0xA;
	s2 =	sadd.s32 s3, s2  }
0x8d: {  	s2 =	sadd.s32 s2, s17  }
0x8e: {  	[smem:$0x3F77] =	sst s2  }
0x8f: {  	_ = 	snop  }
0x90: {  	(tm) =	ssettm $0x1  }
0x91: {  	s18 =	sld [smem:$0x3FFB];
	_ =	sdelay $0x3  }
0x92: {  	_ =	strace s18  }
0x93: {  	s2 =	sld [smem:$0x3FFC];
	_ =	sdelay $0x3  }
0x94: {  	_ =	strace s2  }
0x95: {  	s2 =	sld [smem:$0x3FFD];
	_ =	sdelay $0x3  }
0x96: {  	_ =	strace s2  }
0x97: {  	_ =	strace $0x8FFFFFFF  }
0x98: {  	s19 =	sld [smem:$0x3FDB];
	_ =	sdelay $0x1  }
0x99: {  	s20 =	simm.s32 $_scs_section_size  }
0x9a: {  	s4 =	simm.s32 $_size__tile_overlayer_lowered;
	s5 =	simm.s32 $_tile_overlayer_lowered  }
0x9b: {  	s6 =	simm.s32 $0x1BFF;
	s21 =	sshll.u32 s5, $0x1;
	s3 =	sadd.s32 s20, s19  }
0x9c: {  	s22 =	simm.s32 $0x0;
	s4 =	sshll.u32 s4, $0x1;
	s5 =	sadd.s32 s21, s3  }
0x9d: {  	[timem:s22], [sflag:s6] =	dma.local [hbm:s5], s4  }
0x9e: {  	_ =	swait.ge [sflag:s6], s4  }
0x9f: {  	s4 =	ssub.s32 $0x0, s4;
	[sflag:s6] =	ssyncset.done $0x0  }
0xa0: {  	[sflag:s6] =	ssyncadd.s32 s4;
	_ =	sdelay $0x1  }
0xa1: {  	s23 =	simm.s32 $0x1B8B  }
0xa2: {  	_ =	swait.ge [sflag:s23], $0x1  }
0xa3: {  	[sflag:s23] =	ssyncset.done $0x0  }
0xa4: {  	[sflag:s23] =	ssyncadd.s32 $0xFFFFFFFF  }
0xa5: {  	s4 =	sld [smem:$0x0]  }
0xa6: {  	s5 =	sand.u32 $0xFFFFFFFE, s1  }
0xa7: {  	p0 =	sne.s32 s1, s5  }
0xa8: {  	s5 =	sshll.u32 @p0 s5, $0xE  }
0xa9: {  	s5 =	sadd.s32 @p0 $0x11B8D, s5;
	s6 =	sshll.u32 @p0 s4, $0x11  }
0xaa: {  	s5 =	sor.u32 @p0 s6, s5  }
0xab: {  	[sflag:s5] =	ssyncadd.remote.s32 @p0 $0x1;
	_ =	sdelay $0x1  }
0xac: {  	s5 =	simm.s32 @p0 $0x1B8D  }
0xad: {  	_ =	swait.eq @p0 [sflag:s5], $0x1  }
0xae: {  	[sflag:s5] =	ssyncadd.s32 @p0 $0xFFFFFFFF  }
0xaf: {  	s6 =	sshll.u32 @!p0 s1, $0xE  }
0xb0: {  	s6 =	sor.u32 @!p0 $0x4000, s6;
	s5 =	simm.s32 @!p0 $0x1B8D  }
0xb1: {  	s4 =	sshll.u32 @!p0 s4, $0x11;
	s6 =	sadd.s32 @!p0 $0x11B8D, s6;
	_ =	swait.eq @!p0 [sflag:s5], $0x1  }
0xb2: {  	s4 =	sor.u32 @!p0 s4, s6;
	[sflag:s5] =	ssyncadd.s32 @!p0 $0xFFFFFFFF  }
0xb3: {  	s25 =	simm.s32 $0x1B8E;
	s24 =	sld [smem:$0x3FFE];
	[sflag:s4] =	ssyncadd.remote.s32 @!p0 $0x1  }
0xb4: {  	s26 =	simm.s32 $execute0_lowered;
	[smem:$0x3FD2] =	sst s25  }
0xb5: {  	s5 =	sshll.u32 s26, $0x1;
	_ =	strace $0x8000004C;
	[dreg:$0x1] =	wrdreg $0xFFFFFFFF  }
0xb6: {  	s28 =	simm.s32 $_size_execute0_lowered;
	s3 =	sadd.s32 s3, s5;
	[dreg:$0x0] =	wrdreg $0x0  }
0xb7: {  	s5 =	sshll.u32 s28, $0x1;
	[dreg:$0x2] =	wrdreg s3  }
0xb8: {  	[dreg:$0x3] =	wrdreg s5  }
0xb9: {  	[dreg:$0x4] =	wrdreg $0xC0  }
0xba: {  	_ =	task [dreg:s22], $0x5FFFF  }
0xbb: {  	[dreg:$0x1] =	wrdreg $0xFFFFFFFF  }
0xbc: {  	[dreg:$0x0] =	wrdreg $0x60  }
0xbd: {  	[dreg:$0x2] =	wrdreg s24  }
0xbe: {  	[dreg:$0x3] =	wrdreg $0x80800  }
0xbf: {  	[dreg:$0x4] =	wrdreg $0xA  }
0xc0: {  	_ =	task.clear_ibuf [dreg:s22], $0x5FFFF;
	_ =	strace $0x9000004C  }
0xc1: {  	s29 =	simm.s32 $0xA;
	_ =	strace $0x8000004E  }
0xc2: {  	_ =	swait.ge [sflag:s29], $0x1  }
0xc3: {  	[sflag:s29] =	ssyncadd.s32 $0xFFFFFFFF  }
0xc4: {  	_ =	strace $0x9000004E  }
0xc5: {  	_ =	sfence  }
0xc6: {  	s30 =	sld [smem:$0x0];
	_ =	sdelay $0x2  }
0xc7: {  	s31 =	sshll.u32 s1, $0xD;
	s1 =	sshrl.u32 s1, $0x2  }
0xc8: {  	s4 =	sand.u32 $0x4000, s31;
	s1 =	sadd.s32 s1, s30  }
0xc9: {  	s0 =	sor.u32 s4, s0;
	s1 =	sshll.u32 s1, $0x11  }
0xca: {  	s0 =	sor.u32 s1, s0  }
0xcb: {  	s0 =	sadd.s32 $0x8F2B, s0  }
0xcc: {  	[sflag:s0] =	ssyncadd.remote.s32 $0x1  }
0xcd: {  	_ =	sfence.sel $0xFFFF  }
0xce: {  	[dreg:$0x0] =	wrdreg $0xFFFFFFFF;
	(pc) =	sbr.abs _section_cstart, $3  }
0xcf: {  	[dreg:$0x1] =	wrdreg $0xFFFFFFFF  }
0xd0: {  	_ =	task.clear_ibuf [dreg:s22], $0x2FFFF;
	_ =	strace $0x9FFFFFFF  }
0xd1: {  	(tm) =	ssettm $0x7FFFFFFF  }
tec
execute0_lowered:
.L_overlay_start_1:
0x0: {  	(tag) =	ssettag $0x1  }
0x1: {  	s0 =	srdreg.scid;
	s5 =	rddreg [dreg:$0x0]  }
0x2: {  	s2 =	rddreg [dreg:$0x1];
	s4 =	sand.u32 $0x1, s0  }
0x3: {  	s0 =	stileid.u32;
	s6 =	smul.u32 $0x1400000, s4  }
0x4: {  	s1 =	rddreg [dreg:$0x2];
	s3 =	simm.s32 $0x0;
	s7 =	smul.u32 $0x140000, s0  }
0x5: {  	s13 =	simm.s32 $0x1;
	s14 =	simm.s32 $0x8000;
	s8 =	smul.u32 $0xA000, s0  }
0x6: {  	s15 =	simm.s32 $0x4000;
	s16 =	simm.s32 $0x80;
	s23 =	smul.u32 $0x140000, s4  }
0x7: {  	s19 =	simm.s32 $0x0;
	[smem:$0x7FF] =	sst s3;
	s24 =	smul.u32 $0x14000, s0  }
0x8: {  	s9 =	sshll.u32 s4, $0x7;
	s10 =	smul.u32 $0x50000, s0;
	s26 =	ssub.s32 $0x2, s4  }
0x9: {  	_ =	strace $0x8000004D;
	s17 =	sshll.u32 s0, $0x6;
	s29 =	sshrl.u32 s26, $0x1  }
0xa: {  	s17 =	sor.u32 $0x1C01, s17;
	s6 =	sadd.s32 s7, s6;
	s22 =	sor.u32 s9, s8  }
0xb: {  	s25 =	sadd.s32 s24, s23;
	s28 =	sshrl.u32 s10, $0x2;
	s31 =	ssub.s32 s26, s29  }
0xc: {  	s6 =	sadd.s32 $0x2800000, s6;
	s7 =	sor.u32 $0x100, s22;
	s4 =	sadd.s32 s28, s2  }
0xd: {  	s10 =	smax.u32 s31, $0x1;
	s6 =	sshrl.u32 s6, $0x3;
	s7 =	sshrl.u32 s7, $0x3  }
0xe: {  	s8 =	sadd.s32 $0x10000, s4;
	s18 =	sshrl.u32 s4, $0x3;
	s11 =	sadd.s32 s6, s5  }
0xf: {  	s12 =	sadd.s32 s7, s5;
	s6 =	sshrl.u32 s25, $0x3;
	s7 =	sadd.s32 $0xC000, s4  }
0x10: {  	s30 =	sadd.s32 s6, s5;
	s5 =	sadd.s32 $0x4000, s4;
	s11 =	sadd.s32 $0x1683A00, s11  }
0x11: {  	v0 =	vimm.f32 $0.0e+00;
	s6 =	sadd.s32 $0x8000, s4;
	s12 =	sadd.s32 $0x15CFA00, s12;
	s9 =	sadd.s32 $0xDFA00, s30  }
.LBB2_1:
0x12: {  	s20 =	sand.u32 $0xFE00, s3  }
0x13: {  	s21 =	sand.u32 $0x70, s3;
	s22 =	sshrl.u32 s20, $0x2  }
0x14: {  	s20 =	simm.s32 $0x40;
	s22 =	sor.u32 s21, s22;
	s21 =	simm.s32 $0x0  }
.LBB2_2:
0x15: {  	p0 =	sne.s32 s20, $0xFFC0  }
0x16: {  	[tilespmem:s22+$0x0] =	vst v0;
	s21 =	sadd.s32 $0x10, s21;
	s22 =	smov.u32 s20;
	s20 =	sadd.s32 $0x40, s20  }
.Ltmp0:
0x17: {  	(pc) =	sbr.rel @p0 .LBB2_2-.Ltmp0, $4  }
0x18: {  	_ = 	snop  }
0x19: {  	s22 =	sand.u32 $0xFE00, s22  }
0x1a: {  	s23 =	sand.u32 $0x70, s21;
	s22 =	sshrl.u32 s22, $0x2  }
0x1b: {  	s22 =	sor.u32 s23, s22  }
0x1c: {  	[tilespmem:s22+$0x0] =	vst v0;
	s20 =	simm.s32 $0x0  }
0x1d: {  	[spmem:s4] =	stream.linear.scatter [tilespmem:s20], [sflag:$0x1], $0x4000, $0x38;
	[tilespmem:$0x1C080] =	vst v63  }
0x1e: {  	_ =	swait.ge [sflag:s13], $0x4000  }
0x1f: {  	[sflag:s13] =	ssyncset.done $0x0  }
0x20: {  	[sflag:s13] =	ssyncadd.s32 $0xFFFFC000  }
0x21: {  	[spmem:s5] =	stream.linear.scatter [tilespmem:s20], [sflag:$0x1], $0x4000, $0x38;
	[tilespmem:$0x1C080] =	vst v63  }
0x22: {  	_ =	swait.ge [sflag:s13], $0x4000  }
0x23: {  	[sflag:s13] =	ssyncset.done $0x0  }
0x24: {  	[sflag:s13] =	ssyncadd.s32 $0xFFFFC000  }
0x25: {  	[spmem:s6] =	stream.linear.scatter [tilespmem:s20], [sflag:$0x1], $0x4000, $0x38;
	[tilespmem:$0x1C080] =	vst v63  }
0x26: {  	_ =	swait.ge [sflag:s13], $0x4000  }
0x27: {  	[sflag:s13] =	ssyncset.done $0x0  }
0x28: {  	[sflag:s13] =	ssyncadd.s32 $0xFFFFC000  }
0x29: {  	[spmem:s7] =	stream.linear.scatter [tilespmem:s20], [sflag:$0x1], $0x4000, $0x38;
	[tilespmem:$0x1C080] =	vst v63  }
0x2a: {  	_ =	swait.ge [sflag:s13], $0x4000  }
0x2b: {  	[sflag:s13] =	ssyncset.done $0x0  }
0x2c: {  	[sflag:s13] =	ssyncadd.s32 $0xFFFFC000  }
0x2d: {  	[spmem:s8] =	stream.linear.scatter [tilespmem:s20], [sflag:$0x1], $0x4000, $0x38;
	[tilespmem:$0x1C080] =	vst v63  }
0x2e: {  	_ =	swait.ge [sflag:s13], $0x4000  }
0x2f: {  	[sflag:s13] =	ssyncset.done $0x0  }
0x30: {  	[sflag:s13] =	ssyncadd.s32 $0xFFFFC000  }
0x31: {  	s31 =	sadd.s32 $0x0, s12;
	[bflag:$0x0] =	sbarrier.arrive $0xFFFF  }
0x32: {  	[tilespmem:s14], [sflag:$0x1] =	stream.linear.gather [hbm4b:s31+s3], $0x80, $0x38;
	[tilespmem:$0x1C080] =	vst v63  }
0x33: {  	_ =	swait.ge [sflag:s13], $0x80  }
0x34: {  	[sflag:s13] =	ssyncset.done $0x0  }
0x35: {  	[sflag:s13] =	ssyncadd.s32 $0xFFFFFF80  }
0x36: {  	[tilespmem:s15], [sflag:$0x1] =	stream.linear.gather [hbm4b:s11+s3], $0x4000, $0x38;
	[tilespmem:$0x1C080] =	vst v63  }
0x37: {  	_ =	swait.ge [sflag:s13], $0x4000  }
0x38: {  	[sflag:s13] =	ssyncset.done $0x0  }
0x39: {  	[sflag:s13] =	ssyncadd.s32 $0xFFFFC000  }
0x3a: {  	[spmem:s2] =	stream.indirect.scatter.add.f32 [tilespmem:s15], [sflag:$0x1], $0x80, s14, s16, $0xb8;
	[tilespmem:$0x1C080] =	vst v63  }
0x3b: {  	s21 =	simm.s32 $0x40;
	_ =	swait.ge [sflag:s13], $0x4000  }
0x3c: {  	s22 =	simm.s32 $0x80;
	s20 =	sadd.s32 $0x800, s11;
	[sflag:s13] =	ssyncset.done $0x0  }
.LBB2_4:
0x3d: {  	s23 =	sadd.s32 s21, s12  }
0x3e: {  	[sflag:s13] =	ssyncadd.s32 $0xFFFFC000;
	s21 =	smov.u32 s22;
	s24 =	sadd.s32 $0x40, s22  }
0x3f: {  	[tilespmem:s14], [sflag:$0x1] =	stream.linear.gather [hbm4b:s23+s3], $0x80, $0x38;
	[tilespmem:$0x1C080] =	vst v63  }
0x40: {  	p0 =	sne.s32 s22, $0x13C0;
	_ =	swait.ge [sflag:s13], $0x80  }
0x41: {  	[sflag:s13] =	ssyncset.done $0x0  }
0x42: {  	[sflag:s13] =	ssyncadd.s32 $0xFFFFFF80  }
0x43: {  	[tilespmem:s15], [sflag:$0x1] =	stream.linear.gather [hbm4b:s20+s3], $0x4000, $0x38;
	[tilespmem:$0x1C080] =	vst v63  }
0x44: {  	_ =	swait.ge [sflag:s13], $0x4000  }
.Ltmp1:
0x45: {  	[sflag:s13] =	ssyncset.done $0x0;
	(pc) =	sbr.rel @p0 .LBB2_4-.Ltmp1, $4  }
0x46: {  	[sflag:s13] =	ssyncadd.s32 $0xFFFFC000  }
0x47: {  	[spmem:s2] =	stream.indirect.scatter.add.f32 [tilespmem:s15], [sflag:$0x1], $0x80, s14, s16, $0xb8;
	[tilespmem:$0x1C080] =	vst v63  }
0x48: {  	_ =	swait.ge [sflag:s13], $0x4000  }
0x49: {  	s22 =	smov.u32 s24;
	s20 =	sadd.s32 $0x800, s20;
	[sflag:s13] =	ssyncset.done $0x0  }
0x4a: {  	s21 =	sadd.s32 s21, s12;
	[sflag:s13] =	ssyncadd.s32 $0xFFFFC000  }
0x4b: {  	[tilespmem:s14], [sflag:$0x1] =	stream.linear.gather [hbm4b:s21+s3], $0x80, $0x38;
	[tilespmem:$0x1C080] =	vst v63  }
0x4c: {  	_ =	swait.ge [sflag:s13], $0x80  }
0x4d: {  	[sflag:s13] =	ssyncset.done $0x0  }
0x4e: {  	[sflag:s13] =	ssyncadd.s32 $0xFFFFFF80  }
0x4f: {  	[tilespmem:s15], [sflag:$0x1] =	stream.linear.gather [hbm4b:s20+s3], $0x4000, $0x38;
	[tilespmem:$0x1C080] =	vst v63  }
0x50: {  	_ =	swait.ge [sflag:s13], $0x4000  }
0x51: {  	[sflag:s13] =	ssyncset.done $0x0  }
0x52: {  	[sflag:s13] =	ssyncadd.s32 $0xFFFFC000  }
0x53: {  	[spmem:s2] =	stream.indirect.scatter.add.f32 [tilespmem:s15], [sflag:$0x1], $0x80, s14, s16, $0xb8;
	[tilespmem:$0x1C080] =	vst v63  }
0x54: {  	_ =	swait.ge [sflag:s13], $0x4000  }
0x55: {  	s19 =	sadd.s32 $0x1, s19;
	[sflag:s13] =	ssyncset.done $0x0  }
0x56: {  	p0 =	sne.s32 s19, s10;
	[sflag:s13] =	ssyncadd.s32 $0xFFFFC000  }
.Ltmp2:
0x57: {  	[bflag:$0x0] =	sbarrier.arrive $0xFFFF;
	(pc) =	sbr.rel @p0 .LBB2_1-.Ltmp2, $4  }
0x58: {  	[hbm:s9], [sflag:s17] =	dma.local [spmem:s18], $0x2800  }
0x59: {  	_ =	swait.ge [sflag:s13], $0x2800  }
0x5a: {  	[sflag:s13] =	ssyncset.done $0x0  }
0x5b: {  	[sflag:s13] =	ssyncadd.s32 $0xFFFFD800  }
0x5c: {  	_ =	sfence.sel $0x180000  }
0x5d: {  	[bflag:$0x0] =	sbarrier.arrive $0xFFFF  }
0x5e: {  	p0 =	sne.s32 s0, $0x0;
	_ =	strace $0x9000004D  }
0x5f: {  	s0 =	sadd.s32 @!p0 $0x100000, s1;
	[bflag:$0x2] =	sbarrier.arrive $0xFFFF  }
0x60: {  	[sflag:s0] =	ssyncadd.tile.s32 @!p0 $0x1;
	_ =	shalt  }
.Lfunc_end2:
_tile_overlayer_lowered:
.L_overlay_start_2:
0x61: {  	(tag) =	ssettag $0x2  }
0x62: {  	s0 =	rddreg [dreg:$0x0];
	s2 =	stileid.u32  }
0x63: {  	s1 =	rddreg [dreg:$0x1];
	p0 =	sne.s32 s2, $0x0  }
0x64: {  	s3 =	rddreg [dreg:$0x2];
	[bflag:$0x3] =	sbarrier.arrive $0xFFFF;
	s2 =	simm.s32 @!p0 $0x1C01  }
0x65: {  	[timem:s3], [sflag:s2] =	dma.local @!p0 [hbm:s0], s1  }
0x66: {  	s0 =	simm.s32 @!p0 $0x1  }
0x67: {  	_ =	swait.ge @!p0 [sflag:s0], s1  }
0x68: {  	s1 =	ssub.s32 @!p0 $0x0, s1;
	[sflag:s0] =	ssyncset.done @!p0 $0x0  }
0x69: {  	[sflag:s0] =	ssyncadd.s32 @!p0 s1  }
0x6a: {  	[bflag:$0x3] =	sbarrier.arrive $0xFFFF  }
0x6b: {  	_ =	shalt  }

// kernel: kernel.27.cloned.1.call-start
scs
__scs_entry_jumppad:
0x0: {  	(pc) =	sbr.rel $0x88, $3  }
0x1: {  	(tag) =	ssettag $0x0;
	lr =	simm.s32 $0x1  }
0x2: {  	[smem:$0x3F50] =	sst lr;
	_ =	strace $0xD0000000  }
0x3: {  	_ = 	snop  }
0x4: {  	_ = 	snop  }
0x5: {  	_ = 	snop  }
0x6: {  	_ = 	snop  }
0x7: {  	_ = 	snop  }
__scs_overlays_trampoline_lowered:
0x8: {  	[smem:$0x3F5F] =	sst s0  }
0x9: {  	[smem:$0x3F60] =	sst s1  }
0xa: {  	[smem:$0x3F61] =	sst s2  }
0xb: {  	[smem:$0x3F62] =	sst s3  }
0xc: {  	[smem:$0x3F63] =	sst s4  }
0xd: {  	[smem:$0x3F64] =	sst s5  }
0xe: {  	[smem:$0x3F65] =	sst s6  }
0xf: {  	[smem:$0x3F66] =	sst s7  }
0x10: {  	[smem:$0x3F67] =	sst s8  }
0x11: {  	[smem:$0x3F68] =	sst s9;
	s0 =	simm.s32 @!p0 $0x0  }
0x12: {  	s1 =	sld [smem:$0x3F4E];
	s0 =	simm.s32 @p0 $0x1  }
0x13: {  	[smem:$0x3F69] =	sst s0;
	s0 =	simm.s32 @!p1 $0x0  }
0x14: {  	s2 =	sld [smem:$0x3F4D];
	s0 =	simm.s32 @p1 $0x1  }
0x15: {  	[smem:$0x3F6A] =	sst s0;
	s0 =	simm.s32 @!p2 $0x0  }
0x16: {  	s3 =	sld [smem:$0x3FDB];
	s0 =	simm.s32 @p2 $0x1  }
0x17: {  	s4 =	simm.s32 $0x1BF5;
	[smem:$0x3F6C] =	sst s0  }
0x18: {  	s0 =	sld [smem:$0x3F4F];
	_ =	swait.ge [sflag:s4], $0x0  }
0x19: {  	s7 =	sld [smem:$0x3F50]  }
0x1a: {  	s8 =	sadd.s32 $0xFFFFE003, lr  }
0x1b: {  	s9 =	sadd.s32 $0xFFFFFEF7, lr;
	s5 =	simm.s32 $0xFFFFFFFF;
	p2 =	slt.u32 s8, $0xFFFFF086  }
0x1c: {  	p1 =	slt.u32 s9, $0xF7A;
	s5 =	simm.s32 @!p2 $0x0  }
0x1d: {  	s5 =	simm.s32 @p1 $0x1;
	p0 =	seq.s32 s7, s2  }
0x1e: {  	s7 =	smul.u32 @!p0 $0xF7A, s2;
	p2 =	seq.s32 @!p0 s5, $0x0  }
0x1f: {  	s9 =	smul.u32 $0xF7A, s1;
	s8 =	simm.s32 @!p0 $0x1BF5;
	p2 =	por !p2, p0  }
0x20: {  	[sflag:s8] =	ssyncset.s32 @!p0 $0xFFFFF086;
	s6 =	sadd.s32 @!p0 s3, s7;
	s7 =	simm.s32 @!p0 $0x108  }
0x21: {  	s3 =	sadd.s32 s3, s9;
	s6 =	sadd.s32 @!p0 $0x88, s6;
	s7 =	simm.s32 @p2 $0x1082  }
0x22: {  	[simem:s7], [sflag:s8] =	dma.local @!p0 [hbm:s6], $0xF7A  }
0x23: {  	s9 =	sor.u32 $0xD0000000, s2;
	s6 =	simm.s32 $0x108;
	_ =	swait.ge @!p0 [sflag:s8], $0x0  }
0x24: {  	s3 =	sadd.s32 $0x88, s3;
	s6 =	simm.s32 @!p1 $0x1082;
	[sflag:s4] =	ssyncset.s32 $0xFFFFF086  }
0x25: {  	[simem:s6], [sflag:s4] =	dma.local [hbm:s3], $0xF7A  }
0x26: {  	[smem:$0x3F50] =	sst s1;
	(tag) =	ssettag s2;
	_ =	strace s9  }
0x27: {  	s1 =	sld [smem:$0x3F60]  }
0x28: {  	s2 =	sld [smem:$0x3F61]  }
0x29: {  	s4 =	sld [smem:$0x3F63]  }
0x2a: {  	p0 =	seq.s32 s5, $0x0;
	s5 =	sld [smem:$0x3F64]  }
0x2b: {  	s6 =	sld [smem:$0x3F65]  }
0x2c: {  	s7 =	sld [smem:$0x3F66]  }
0x2d: {  	s3 =	simm.s32 $0x108;
	s8 =	sld [smem:$0x3F67]  }
0x2e: {  	s3 =	simm.s32 @!p0 $0x1082;
	s9 =	sld [smem:$0x3F68]  }
0x2f: {  	lr =	sadd.s32 s0, s3;
	s0 =	sld [smem:$0x3F5F]  }
0x30: {  	s3 =	sld [smem:$0x3F62]  }
0x31: {  	[smem:$0x3F6B] =	sst s10  }
0x32: {  	s10 =	sld [smem:$0x3F69];
	_ =	sdelay $0x3  }
0x33: {  	p0 =	seq.s32 s10, $0x1;
	s10 =	sld [smem:$0x3F6B];
	_ =	sdelay $0x3  }
0x34: {  	[smem:$0x3F6B] =	sst s10  }
0x35: {  	s10 =	sld [smem:$0x3F6A];
	_ =	sdelay $0x3  }
0x36: {  	p1 =	seq.s32 s10, $0x1;
	s10 =	sld [smem:$0x3F6B];
	_ =	sdelay $0x3  }
0x37: {  	[smem:$0x3F6B] =	sst s10  }
0x38: {  	s10 =	sld [smem:$0x3F6C]  }
0x39: {  	_ = 	snop;
	(pc) =	sbr.ind lr, $3  }
0x3a: {  	_ = 	snop  }
0x3b: {  	_ = 	snop  }
0x3c: {  	p2 =	seq.s32 s10, $0x1;
	s10 =	sld [smem:$0x3F6B]  }
0x3d: {  	_ =	shalt  }
0x3e: {  	_ =	shalt  }
0x3f: {  	_ =	shalt  }
0x40: {  	_ =	shalt  }
0x41: {  	_ =	shalt  }
0x42: {  	_ =	shalt  }
0x43: {  	_ =	shalt  }
0x44: {  	_ =	shalt  }
0x45: {  	_ =	shalt  }
0x46: {  	_ =	shalt  }
0x47: {  	_ =	shalt  }
0x48: {  	_ =	shalt  }
0x49: {  	_ =	shalt  }
0x4a: {  	_ =	shalt  }
0x4b: {  	_ =	shalt  }
0x4c: {  	_ =	shalt  }
0x4d: {  	_ =	shalt  }
0x4e: {  	_ =	shalt  }
0x4f: {  	_ =	shalt  }
0x50: {  	_ =	shalt  }
0x51: {  	_ =	shalt  }
0x52: {  	_ =	shalt  }
0x53: {  	_ =	shalt  }
0x54: {  	_ =	shalt  }
0x55: {  	_ =	shalt  }
0x56: {  	_ =	shalt  }
0x57: {  	_ =	shalt  }
0x58: {  	_ =	shalt  }
0x59: {  	_ =	shalt  }
0x5a: {  	_ =	shalt  }
0x5b: {  	_ =	shalt  }
0x5c: {  	_ =	shalt  }
0x5d: {  	_ =	shalt  }
0x5e: {  	_ =	shalt  }
0x5f: {  	_ =	shalt  }
0x60: {  	_ =	shalt  }
0x61: {  	_ =	shalt  }
0x62: {  	_ =	shalt  }
0x63: {  	_ =	shalt  }
0x64: {  	_ =	shalt  }
0x65: {  	_ =	shalt  }
0x66: {  	_ =	shalt  }
0x67: {  	_ =	shalt  }
0x68: {  	_ =	shalt  }
0x69: {  	_ =	shalt  }
0x6a: {  	_ =	shalt  }
0x6b: {  	_ =	shalt  }
0x6c: {  	_ =	shalt  }
0x6d: {  	_ =	shalt  }
0x6e: {  	_ =	shalt  }
0x6f: {  	_ =	shalt  }
0x70: {  	_ =	shalt  }
0x71: {  	_ =	shalt  }
0x72: {  	_ =	shalt  }
0x73: {  	_ =	shalt  }
0x74: {  	_ =	shalt  }
0x75: {  	_ =	shalt  }
0x76: {  	_ =	shalt  }
0x77: {  	_ =	shalt  }
0x78: {  	_ =	shalt  }
0x79: {  	_ =	shalt  }
0x7a: {  	_ =	shalt  }
0x7b: {  	_ =	shalt  }
0x7c: {  	_ =	shalt  }
0x7d: {  	_ =	shalt  }
0x7e: {  	_ =	shalt  }
0x7f: {  	_ =	shalt  }
0x80: {  	_ =	shalt  }
0x81: {  	_ =	shalt  }
0x82: {  	_ =	shalt  }
0x83: {  	_ =	shalt  }
0x84: {  	_ =	shalt  }
0x85: {  	_ =	shalt  }
0x86: {  	_ =	shalt  }
0x87: {  	_ =	shalt  }
.Lfunc_end0:
.L_simem_size_0:
called_computation.3_lowered:
.L_overlay_start_0:
0x88: {  	s2 =	sld [smem:$0x3FD9]  }
0x89: {  	s3 =	sld [smem:$0x3FFE];
	_ =	sdelay $0x1  }
0x8a: {  	s1 =	srdreg.scid  }
0x8b: {  	s0 =	sand.u32 $0x1, s1  }
0x8c: {  	s16 =	sshll.u32 s0, $0xA;
	s2 =	sadd.s32 s3, s2  }
0x8d: {  	s2 =	sadd.s32 s2, s16  }
0x8e: {  	[smem:$0x3F77] =	sst s2  }
0x8f: {  	_ = 	snop  }
0x90: {  	(tm) =	ssettm $0x1  }
0x91: {  	s17 =	sld [smem:$0x3FFB];
	_ =	sdelay $0x3  }
0x92: {  	_ =	strace s17  }
0x93: {  	s2 =	sld [smem:$0x3FFC];
	_ =	sdelay $0x3  }
0x94: {  	_ =	strace s2  }
0x95: {  	s2 =	sld [smem:$0x3FFD];
	_ =	sdelay $0x3  }
0x96: {  	_ =	strace s2  }
0x97: {  	_ =	strace $0x8FFFFFFF  }
0x98: {  	s18 =	sld [smem:$0x3FDB];
	_ =	sdelay $0x1  }
0x99: {  	s19 =	simm.s32 $_scs_section_size  }
0x9a: {  	s4 =	simm.s32 $_size__tile_overlayer_lowered;
	s5 =	simm.s32 $_tile_overlayer_lowered  }
0x9b: {  	s22 =	simm.s32 $0x1BFF;
	s21 =	sshll.u32 s5, $0x1;
	s2 =	sadd.s32 s19, s18  }
0x9c: {  	s6 =	simm.s32 $0x0;
	s20 =	sshll.u32 s4, $0x1;
	s4 =	sadd.s32 s21, s2  }
0x9d: {  	[timem:s6], [sflag:s22] =	dma.local [hbm:s4], s20  }
0x9e: {  	_ =	swait.ge [sflag:s22], s20  }
0x9f: {  	s3 =	ssub.s32 $0x0, s20;
	[sflag:s22] =	ssyncset.done $0x0  }
0xa0: {  	[sflag:s22] =	ssyncadd.s32 s3;
	_ =	sdelay $0x1  }
0xa1: {  	s23 =	simm.s32 $0x1B8B  }
0xa2: {  	_ =	swait.ge [sflag:s23], $0x1  }
0xa3: {  	[sflag:s23] =	ssyncset.done $0x0  }
0xa4: {  	s25 =	simm.s32 $0x1B8E;
	s24 =	sld [smem:$0x3FFE];
	[sflag:s23] =	ssyncadd.s32 $0xFFFFFFFF  }
0xa5: {  	s26 =	simm.s32 $execute0_lowered;
	[smem:$0x3FD2] =	sst s25  }
0xa6: {  	s4 =	sshll.u32 s26, $0x1;
	_ =	strace $0x8000004F;
	[dreg:$0x1] =	wrdreg $0xFFFFFFFF  }
0xa7: {  	s28 =	simm.s32 $_size_execute0_lowered;
	s2 =	sadd.s32 s2, s4;
	[dreg:$0x0] =	wrdreg $0x0  }
0xa8: {  	s4 =	sshll.u32 s28, $0x1;
	[dreg:$0x2] =	wrdreg s2  }
0xa9: {  	[dreg:$0x3] =	wrdreg s4  }
0xaa: {  	[dreg:$0x4] =	wrdreg $0xC0  }
0xab: {  	_ =	task [dreg:s6], $0x5FFFF  }
0xac: {  	[dreg:$0x1] =	wrdreg $0xFFFFFFFF  }
0xad: {  	[dreg:$0x0] =	wrdreg $0x60  }
0xae: {  	[dreg:$0x2] =	wrdreg s24  }
0xaf: {  	[dreg:$0x3] =	wrdreg $0x9  }
0xb0: {  	_ =	task.clear_ibuf [dreg:s6], $0x4FFFF;
	_ =	strace $0x9000004F  }
0xb1: {  	s29 =	simm.s32 $0x9;
	_ =	strace $0x80000051  }
0xb2: {  	_ =	swait.ge [sflag:s29], $0x1  }
0xb3: {  	[sflag:s29] =	ssyncadd.s32 $0xFFFFFFFF  }
0xb4: {  	_ =	strace $0x90000051  }
0xb5: {  	_ =	sfence  }
0xb6: {  	s30 =	sld [smem:$0x0];
	_ =	sdelay $0x2  }
0xb7: {  	s31 =	sshll.u32 s1, $0xD;
	s1 =	sshrl.u32 s1, $0x2  }
0xb8: {  	s3 =	sand.u32 $0x4000, s31;
	s1 =	sadd.s32 s1, s30  }
0xb9: {  	s0 =	sor.u32 s3, s0;
	s1 =	sshll.u32 s1, $0x11  }
0xba: {  	s0 =	sor.u32 s1, s0  }
0xbb: {  	s0 =	sadd.s32 $0x8F2B, s0  }
0xbc: {  	[sflag:s0] =	ssyncadd.remote.s32 $0x1  }
0xbd: {  	_ =	sfence.sel $0xFFFF  }
0xbe: {  	[dreg:$0x0] =	wrdreg $0xFFFFFFFF;
	(pc) =	sbr.abs _section_cstart, $3  }
0xbf: {  	[dreg:$0x1] =	wrdreg $0xFFFFFFFF  }
0xc0: {  	_ =	task.clear_ibuf [dreg:s6], $0x2FFFF;
	_ =	strace $0x9FFFFFFF  }
0xc1: {  	(tm) =	ssettm $0x7FFFFFFF  }
tec
execute0_lowered:
.L_overlay_start_1:
0x0: {  	(tag) =	ssettag $0x1  }
0x1: {  	s4 =	rddreg [dreg:$0x0]  }
0x2: {  	s0 =	rddreg [dreg:$0x1];
	s2 =	simm.s32 $0x0;
	s1 =	stileid.u32  }
0x3: {  	s3 =	srdreg.scid;
	s10 =	simm.s32 $0x0;
	s6 =	smul.u32 $0x14000, s1  }
0x4: {  	[smem:$0x7FF] =	sst s2;
	s5 =	sand.u32 $0x1, s3;
	s8 =	smul.u32 $0x140000, s1  }
0x5: {  	s3 =	sadd.s32 $0x8FA00, s4;
	s7 =	smul.u32 $0xA000, s5;
	s9 =	ssub.s32 $0x2, s5  }
0x6: {  	_ =	strace $0x80000050;
	s5 =	smul.u32 $0xA0000, s5;
	s31 =	sshrl.u32 s9, $0x1  }
0x7: {  	s8 =	sadd.s32 s8, s4;
	s6 =	sadd.s32 s7, s6;
	s7 =	ssub.s32 s9, s31  }
0x8: {  	s5 =	sadd.s32 s5, s8;
	s8 =	simm.s32 $0x80;
	s6 =	sshrl.u32 s6, $0x3  }
0x9: {  	s9 =	simm.s32 $0x1;
	s5 =	sadd.s32 $0x1CFA00, s5;
	s6 =	sadd.s32 s6, s4  }
0xa: {  	s4 =	smax.u32 s7, $0x1;
	s7 =	simm.s32 $0x2;
	s6 =	sadd.s32 $0x17A00, s6  }
.LBB2_1:
0xb: {  	s11 =	sadd.s32 $0x0, s6  }
0xc: {  	[tilespmem:s2], [sflag:$0x2] =	stream.linear.gather [hbm4b:s11+s2], $0x80, $0x38;
	[tilespmem:$0x4080] =	vst v63  }
0xd: {  	_ =	swait.ge [sflag:s7], $0x80  }
0xe: {  	[sflag:s7] =	ssyncset.done $0x0  }
0xf: {  	[sflag:s7] =	ssyncadd.s32 $0xFFFFFF80  }
0x10: {  	[tilespmem:s8], [sflag:$0x1] =	stream.indirect.gather [hbm4b:s3+s8], $0x80, s2, s8, $0xb8;
	[tilespmem:$0x4080] =	vst v63  }
0x11: {  	_ =	swait.ge [sflag:s9], $0x4000  }
0x12: {  	[sflag:s9] =	ssyncset.done $0x0  }
0x13: {  	[sflag:s9] =	ssyncadd.s32 $0xFFFFC000  }
0x14: {  	[hbm4b:s5+s2] =	stream.linear.scatter [tilespmem:s8], [sflag:$0x2], $0x4000, $0x38;
	[tilespmem:$0x4080] =	vst v63  }
0x15: {  	s12 =	simm.s32 $0x10;
	_ =	swait.ge [sflag:s7], $0x4000  }
0x16: {  	s13 =	simm.s32 $0x20;
	s11 =	sadd.s32 $0x800, s5;
	[sflag:s7] =	ssyncset.done $0x0  }
.LBB2_2:
0x17: {  	s14 =	sadd.s32 s12, s6  }
0x18: {  	[sflag:s7] =	ssyncadd.s32 $0xFFFFC000;
	s12 =	smov.u32 s13;
	s15 =	sadd.s32 $0x10, s13  }
0x19: {  	[tilespmem:s2], [sflag:$0x2] =	stream.linear.gather [hbm4b:s14+s2], $0x80, $0x38;
	[tilespmem:$0x4080] =	vst v63  }
0x1a: {  	p0 =	sne.s32 s13, $0x13F0;
	_ =	swait.ge [sflag:s7], $0x80  }
0x1b: {  	[sflag:s7] =	ssyncset.done $0x0  }
0x1c: {  	[sflag:s7] =	ssyncadd.s32 $0xFFFFFF80  }
0x1d: {  	[tilespmem:s8], [sflag:$0x1] =	stream.indirect.gather [hbm4b:s3+s8], $0x80, s2, s8, $0xb8;
	[tilespmem:$0x4080] =	vst v63  }
0x1e: {  	_ =	swait.ge [sflag:s9], $0x4000  }
.Ltmp0:
0x1f: {  	[sflag:s9] =	ssyncset.done $0x0;
	(pc) =	sbr.rel @p0 .LBB2_2-.Ltmp0, $4  }
0x20: {  	[sflag:s9] =	ssyncadd.s32 $0xFFFFC000  }
0x21: {  	[hbm4b:s11+s2] =	stream.linear.scatter [tilespmem:s8], [sflag:$0x2], $0x4000, $0x38;
	[tilespmem:$0x4080] =	vst v63  }
0x22: {  	_ =	swait.ge [sflag:s7], $0x4000  }
0x23: {  	s13 =	smov.u32 s15;
	s11 =	sadd.s32 $0x800, s11;
	[sflag:s7] =	ssyncset.done $0x0  }
0x24: {  	s12 =	sadd.s32 s12, s6;
	[sflag:s7] =	ssyncadd.s32 $0xFFFFC000  }
0x25: {  	[tilespmem:s2], [sflag:$0x2] =	stream.linear.gather [hbm4b:s12+s2], $0x80, $0x38;
	[tilespmem:$0x4080] =	vst v63  }
0x26: {  	_ =	swait.ge [sflag:s7], $0x80  }
0x27: {  	[sflag:s7] =	ssyncset.done $0x0  }
0x28: {  	[sflag:s7] =	ssyncadd.s32 $0xFFFFFF80  }
0x29: {  	[tilespmem:s8], [sflag:$0x1] =	stream.indirect.gather [hbm4b:s3+s8], $0x80, s2, s8, $0xb8;
	[tilespmem:$0x4080] =	vst v63  }
0x2a: {  	s10 =	sadd.s32 $0x1, s10;
	_ =	swait.ge [sflag:s9], $0x4000  }
0x2b: {  	p0 =	sne.s32 s10, s4;
	[sflag:s9] =	ssyncset.done $0x0  }
.Ltmp1:
0x2c: {  	[sflag:s9] =	ssyncadd.s32 $0xFFFFC000;
	(pc) =	sbr.rel @p0 .LBB2_1-.Ltmp1, $4  }
0x2d: {  	[hbm4b:s11+s2] =	stream.linear.scatter [tilespmem:s8], [sflag:$0x2], $0x4000, $0x38;
	[tilespmem:$0x4080] =	vst v63  }
0x2e: {  	_ =	swait.ge [sflag:s7], $0x4000  }
0x2f: {  	[sflag:s7] =	ssyncset.done $0x0  }
0x30: {  	[sflag:s7] =	ssyncadd.s32 $0xFFFFC000  }
0x31: {  	_ =	sfence.sel $0x180000  }
0x32: {  	[bflag:$0x0] =	sbarrier.arrive $0xFFFF  }
0x33: {  	p0 =	sne.s32 s1, $0x0;
	_ =	strace $0x90000050  }
0x34: {  	s0 =	sadd.s32 @!p0 $0x100000, s0;
	[bflag:$0x2] =	sbarrier.arrive $0xFFFF  }
0x35: {  	[sflag:s0] =	ssyncadd.tile.s32 @!p0 $0x1;
	_ =	shalt  }
.Lfunc_end2:
_tile_overlayer_lowered:
.L_overlay_start_2:
0x36: {  	(tag) =	ssettag $0x2  }
0x37: {  	s0 =	rddreg [dreg:$0x0];
	s2 =	stileid.u32  }
0x38: {  	s1 =	rddreg [dreg:$0x1];
	p0 =	sne.s32 s2, $0x0  }
0x39: {  	s3 =	rddreg [dreg:$0x2];
	[bflag:$0x3] =	sbarrier.arrive $0xFFFF;
	s2 =	simm.s32 @!p0 $0x1C02  }
0x3a: {  	[timem:s3], [sflag:s2] =	dma.local @!p0 [hbm:s0], s1  }
0x3b: {  	s0 =	simm.s32 @!p0 $0x2  }
0x3c: {  	_ =	swait.ge @!p0 [sflag:s0], s1  }
0x3d: {  	s1 =	ssub.s32 @!p0 $0x0, s1;
	[sflag:s0] =	ssyncset.done @!p0 $0x0  }
0x3e: {  	[sflag:s0] =	ssyncadd.s32 @!p0 s1  }
0x3f: {  	[bflag:$0x3] =	sbarrier.arrive $0xFFFF  }
0x40: {  	_ =	shalt  }

// kernel: kernel.30.cloned.1.call-start
scs
__scs_entry_jumppad:
0x0: {  	(pc) =	sbr.rel $0x88, $3  }
0x1: {  	(tag) =	ssettag $0x0;
	lr =	simm.s32 $0x1  }
0x2: {  	[smem:$0x3F50] =	sst lr;
	_ =	strace $0xD0000000  }
0x3: {  	_ = 	snop  }
0x4: {  	_ = 	snop  }
0x5: {  	_ = 	snop  }
0x6: {  	_ = 	snop  }
0x7: {  	_ = 	snop  }
__scs_overlays_trampoline_lowered:
0x8: {  	[smem:$0x3F5F] =	sst s0  }
0x9: {  	[smem:$0x3F60] =	sst s1  }
0xa: {  	[smem:$0x3F61] =	sst s2  }
0xb: {  	[smem:$0x3F62] =	sst s3  }
0xc: {  	[smem:$0x3F63] =	sst s4  }
0xd: {  	[smem:$0x3F64] =	sst s5  }
0xe: {  	[smem:$0x3F65] =	sst s6  }
0xf: {  	[smem:$0x3F66] =	sst s7  }
0x10: {  	[smem:$0x3F67] =	sst s8  }
0x11: {  	[smem:$0x3F68] =	sst s9;
	s0 =	simm.s32 @!p0 $0x0  }
0x12: {  	s1 =	sld [smem:$0x3F4E];
	s0 =	simm.s32 @p0 $0x1  }
0x13: {  	[smem:$0x3F69] =	sst s0;
	s0 =	simm.s32 @!p1 $0x0  }
0x14: {  	s2 =	sld [smem:$0x3F4D];
	s0 =	simm.s32 @p1 $0x1  }
0x15: {  	[smem:$0x3F6A] =	sst s0;
	s0 =	simm.s32 @!p2 $0x0  }
0x16: {  	s3 =	sld [smem:$0x3FDB];
	s0 =	simm.s32 @p2 $0x1  }
0x17: {  	s4 =	simm.s32 $0x1BF5;
	[smem:$0x3F6C] =	sst s0  }
0x18: {  	s0 =	sld [smem:$0x3F4F];
	_ =	swait.ge [sflag:s4], $0x0  }
0x19: {  	s7 =	sld [smem:$0x3F50]  }
0x1a: {  	s8 =	sadd.s32 $0xFFFFE003, lr  }
0x1b: {  	s9 =	sadd.s32 $0xFFFFFEF7, lr;
	s5 =	simm.s32 $0xFFFFFFFF;
	p2 =	slt.u32 s8, $0xFFFFF086  }
0x1c: {  	p1 =	slt.u32 s9, $0xF7A;
	s5 =	simm.s32 @!p2 $0x0  }
0x1d: {  	s5 =	simm.s32 @p1 $0x1;
	p0 =	seq.s32 s7, s2  }
0x1e: {  	s7 =	smul.u32 @!p0 $0xF7A, s2;
	p2 =	seq.s32 @!p0 s5, $0x0  }
0x1f: {  	s9 =	smul.u32 $0xF7A, s1;
	s8 =	simm.s32 @!p0 $0x1BF5;
	p2 =	por !p2, p0  }
0x20: {  	[sflag:s8] =	ssyncset.s32 @!p0 $0xFFFFF086;
	s6 =	sadd.s32 @!p0 s3, s7;
	s7 =	simm.s32 @!p0 $0x108  }
0x21: {  	s3 =	sadd.s32 s3, s9;
	s6 =	sadd.s32 @!p0 $0x88, s6;
	s7 =	simm.s32 @p2 $0x1082  }
0x22: {  	[simem:s7], [sflag:s8] =	dma.local @!p0 [hbm:s6], $0xF7A  }
0x23: {  	s9 =	sor.u32 $0xD0000000, s2;
	s6 =	simm.s32 $0x108;
	_ =	swait.ge @!p0 [sflag:s8], $0x0  }
0x24: {  	s3 =	sadd.s32 $0x88, s3;
	s6 =	simm.s32 @!p1 $0x1082;
	[sflag:s4] =	ssyncset.s32 $0xFFFFF086  }
0x25: {  	[simem:s6], [sflag:s4] =	dma.local [hbm:s3], $0xF7A  }
0x26: {  	[smem:$0x3F50] =	sst s1;
	(tag) =	ssettag s2;
	_ =	strace s9  }
0x27: {  	s1 =	sld [smem:$0x3F60]  }
0x28: {  	s2 =	sld [smem:$0x3F61]  }
0x29: {  	s4 =	sld [smem:$0x3F63]  }
0x2a: {  	p0 =	seq.s32 s5, $0x0;
	s5 =	sld [smem:$0x3F64]  }
0x2b: {  	s6 =	sld [smem:$0x3F65]  }
0x2c: {  	s7 =	sld [smem:$0x3F66]  }
0x2d: {  	s3 =	simm.s32 $0x108;
	s8 =	sld [smem:$0x3F67]  }
0x2e: {  	s3 =	simm.s32 @!p0 $0x1082;
	s9 =	sld [smem:$0x3F68]  }
0x2f: {  	lr =	sadd.s32 s0, s3;
	s0 =	sld [smem:$0x3F5F]  }
0x30: {  	s3 =	sld [smem:$0x3F62]  }
0x31: {  	[smem:$0x3F6B] =	sst s10  }
0x32: {  	s10 =	sld [smem:$0x3F69];
	_ =	sdelay $0x3  }
0x33: {  	p0 =	seq.s32 s10, $0x1;
	s10 =	sld [smem:$0x3F6B];
	_ =	sdelay $0x3  }
0x34: {  	[smem:$0x3F6B] =	sst s10  }
0x35: {  	s10 =	sld [smem:$0x3F6A];
	_ =	sdelay $0x3  }
0x36: {  	p1 =	seq.s32 s10, $0x1;
	s10 =	sld [smem:$0x3F6B];
	_ =	sdelay $0x3  }
0x37: {  	[smem:$0x3F6B] =	sst s10  }
0x38: {  	s10 =	sld [smem:$0x3F6C]  }
0x39: {  	_ = 	snop;
	(pc) =	sbr.ind lr, $3  }
0x3a: {  	_ = 	snop  }
0x3b: {  	_ = 	snop  }
0x3c: {  	p2 =	seq.s32 s10, $0x1;
	s10 =	sld [smem:$0x3F6B]  }
0x3d: {  	_ =	shalt  }
0x3e: {  	_ =	shalt  }
0x3f: {  	_ =	shalt  }
0x40: {  	_ =	shalt  }
0x41: {  	_ =	shalt  }
0x42: {  	_ =	shalt  }
0x43: {  	_ =	shalt  }
0x44: {  	_ =	shalt  }
0x45: {  	_ =	shalt  }
0x46: {  	_ =	shalt  }
0x47: {  	_ =	shalt  }
0x48: {  	_ =	shalt  }
0x49: {  	_ =	shalt  }
0x4a: {  	_ =	shalt  }
0x4b: {  	_ =	shalt  }
0x4c: {  	_ =	shalt  }
0x4d: {  	_ =	shalt  }
0x4e: {  	_ =	shalt  }
0x4f: {  	_ =	shalt  }
0x50: {  	_ =	shalt  }
0x51: {  	_ =	shalt  }
0x52: {  	_ =	shalt  }
0x53: {  	_ =	shalt  }
0x54: {  	_ =	shalt  }
0x55: {  	_ =	shalt  }
0x56: {  	_ =	shalt  }
0x57: {  	_ =	shalt  }
0x58: {  	_ =	shalt  }
0x59: {  	_ =	shalt  }
0x5a: {  	_ =	shalt  }
0x5b: {  	_ =	shalt  }
0x5c: {  	_ =	shalt  }
0x5d: {  	_ =	shalt  }
0x5e: {  	_ =	shalt  }
0x5f: {  	_ =	shalt  }
0x60: {  	_ =	shalt  }
0x61: {  	_ =	shalt  }
0x62: {  	_ =	shalt  }
0x63: {  	_ =	shalt  }
0x64: {  	_ =	shalt  }
0x65: {  	_ =	shalt  }
0x66: {  	_ =	shalt  }
0x67: {  	_ =	shalt  }
0x68: {  	_ =	shalt  }
0x69: {  	_ =	shalt  }
0x6a: {  	_ =	shalt  }
0x6b: {  	_ =	shalt  }
0x6c: {  	_ =	shalt  }
0x6d: {  	_ =	shalt  }
0x6e: {  	_ =	shalt  }
0x6f: {  	_ =	shalt  }
0x70: {  	_ =	shalt  }
0x71: {  	_ =	shalt  }
0x72: {  	_ =	shalt  }
0x73: {  	_ =	shalt  }
0x74: {  	_ =	shalt  }
0x75: {  	_ =	shalt  }
0x76: {  	_ =	shalt  }
0x77: {  	_ =	shalt  }
0x78: {  	_ =	shalt  }
0x79: {  	_ =	shalt  }
0x7a: {  	_ =	shalt  }
0x7b: {  	_ =	shalt  }
0x7c: {  	_ =	shalt  }
0x7d: {  	_ =	shalt  }
0x7e: {  	_ =	shalt  }
0x7f: {  	_ =	shalt  }
0x80: {  	_ =	shalt  }
0x81: {  	_ =	shalt  }
0x82: {  	_ =	shalt  }
0x83: {  	_ =	shalt  }
0x84: {  	_ =	shalt  }
0x85: {  	_ =	shalt  }
0x86: {  	_ =	shalt  }
0x87: {  	_ =	shalt  }
.Lfunc_end0:
.L_simem_size_0:
called_computation.4_lowered:
.L_overlay_start_0:
0x88: {  	s2 =	sld [smem:$0x3FD9]  }
0x89: {  	s3 =	sld [smem:$0x3FFE];
	_ =	sdelay $0x1  }
0x8a: {  	s1 =	srdreg.scid  }
0x8b: {  	s0 =	sand.u32 $0x1, s1  }
0x8c: {  	s16 =	sshll.u32 s0, $0xA;
	s2 =	sadd.s32 s3, s2  }
0x8d: {  	s2 =	sadd.s32 s2, s16  }
0x8e: {  	[smem:$0x3F77] =	sst s2  }
0x8f: {  	_ = 	snop  }
0x90: {  	(tm) =	ssettm $0x1  }
0x91: {  	s17 =	sld [smem:$0x3FFB];
	_ =	sdelay $0x3  }
0x92: {  	_ =	strace s17  }
0x93: {  	s2 =	sld [smem:$0x3FFC];
	_ =	sdelay $0x3  }
0x94: {  	_ =	strace s2  }
0x95: {  	s2 =	sld [smem:$0x3FFD];
	_ =	sdelay $0x3  }
0x96: {  	_ =	strace s2  }
0x97: {  	_ =	strace $0x8FFFFFFF  }
0x98: {  	s18 =	sld [smem:$0x3FDB];
	_ =	sdelay $0x1  }
0x99: {  	s19 =	simm.s32 $_scs_section_size  }
0x9a: {  	s4 =	simm.s32 $_size__tile_overlayer_lowered;
	s5 =	simm.s32 $_tile_overlayer_lowered  }
0x9b: {  	s22 =	simm.s32 $0x1BFF;
	s21 =	sshll.u32 s5, $0x1;
	s2 =	sadd.s32 s19, s18  }
0x9c: {  	s6 =	simm.s32 $0x0;
	s20 =	sshll.u32 s4, $0x1;
	s4 =	sadd.s32 s21, s2  }
0x9d: {  	[timem:s6], [sflag:s22] =	dma.local [hbm:s4], s20  }
0x9e: {  	_ =	swait.ge [sflag:s22], s20  }
0x9f: {  	s3 =	ssub.s32 $0x0, s20;
	[sflag:s22] =	ssyncset.done $0x0  }
0xa0: {  	[sflag:s22] =	ssyncadd.s32 s3;
	_ =	sdelay $0x1  }
0xa1: {  	s23 =	simm.s32 $0x1B8B  }
0xa2: {  	_ =	swait.ge [sflag:s23], $0x1  }
0xa3: {  	[sflag:s23] =	ssyncset.done $0x0  }
0xa4: {  	s25 =	simm.s32 $0x1B8E;
	s24 =	sld [smem:$0x3FFE];
	[sflag:s23] =	ssyncadd.s32 $0xFFFFFFFF  }
0xa5: {  	s26 =	simm.s32 $execute0_lowered;
	[smem:$0x3FD2] =	sst s25  }
0xa6: {  	s4 =	sshll.u32 s26, $0x1;
	_ =	strace $0x80000052;
	[dreg:$0x1] =	wrdreg $0xFFFFFFFF  }
0xa7: {  	s28 =	simm.s32 $_size_execute0_lowered;
	s2 =	sadd.s32 s2, s4;
	[dreg:$0x0] =	wrdreg $0x0  }
0xa8: {  	s4 =	sshll.u32 s28, $0x1;
	[dreg:$0x2] =	wrdreg s2  }
0xa9: {  	[dreg:$0x3] =	wrdreg s4  }
0xaa: {  	[dreg:$0x4] =	wrdreg $0xC0  }
0xab: {  	_ =	task [dreg:s6], $0x5FFFF  }
0xac: {  	[dreg:$0x1] =	wrdreg $0xFFFFFFFF  }
0xad: {  	[dreg:$0x0] =	wrdreg $0x60  }
0xae: {  	[dreg:$0x2] =	wrdreg s24  }
0xaf: {  	[dreg:$0x3] =	wrdreg $0x80800  }
0xb0: {  	[dreg:$0x4] =	wrdreg $0x9  }
0xb1: {  	_ =	task.clear_ibuf [dreg:s6], $0x5FFFF;
	_ =	strace $0x90000052  }
0xb2: {  	s29 =	simm.s32 $0x9;
	_ =	strace $0x80000054  }
0xb3: {  	_ =	swait.ge [sflag:s29], $0x1  }
0xb4: {  	[sflag:s29] =	ssyncadd.s32 $0xFFFFFFFF  }
0xb5: {  	_ =	strace $0x90000054  }
0xb6: {  	_ =	sfence  }
0xb7: {  	s30 =	sld [smem:$0x0];
	_ =	sdelay $0x2  }
0xb8: {  	s31 =	sshll.u32 s1, $0xD;
	s1 =	sshrl.u32 s1, $0x2  }
0xb9: {  	s3 =	sand.u32 $0x4000, s31;
	s1 =	sadd.s32 s1, s30  }
0xba: {  	s0 =	sor.u32 s3, s0;
	s1 =	sshll.u32 s1, $0x11  }
0xbb: {  	s0 =	sor.u32 s1, s0  }
0xbc: {  	s0 =	sadd.s32 $0x8F2B, s0  }
0xbd: {  	[sflag:s0] =	ssyncadd.remote.s32 $0x1  }
0xbe: {  	_ =	sfence.sel $0xFFFF  }
0xbf: {  	[dreg:$0x0] =	wrdreg $0xFFFFFFFF;
	(pc) =	sbr.abs _section_cstart, $3  }
0xc0: {  	[dreg:$0x1] =	wrdreg $0xFFFFFFFF  }
0xc1: {  	_ =	task.clear_ibuf [dreg:s6], $0x2FFFF;
	_ =	strace $0x9FFFFFFF  }
0xc2: {  	(tm) =	ssettm $0x7FFFFFFF  }
0xc3: {  	_ =	shalt  }
tec
execute0_lowered:
.L_overlay_start_1:
0x0: {  	(tag) =	ssettag $0x1  }
0x1: {  	s5 =	rddreg [dreg:$0x0]  }
0x2: {  	s0 =	srdreg.scid;
	s2 =	rddreg [dreg:$0x1]  }
0x3: {  	s1 =	rddreg [dreg:$0x2];
	s4 =	sand.u32 $0x1, s0  }
0x4: {  	s0 =	stileid.u32;
	s6 =	smul.u32 $0x1400000, s4  }
0x5: {  	s3 =	simm.s32 $0x0;
	s13 =	simm.s32 $0x1;
	s7 =	smul.u32 $0x140000, s0  }
0x6: {  	s14 =	simm.s32 $0x8000;
	s15 =	simm.s32 $0x4000;
	s8 =	smul.u32 $0xA000, s0  }
0x7: {  	s16 =	simm.s32 $0x80;
	s19 =	simm.s32 $0x0;
	s10 =	smul.u32 $0x140000, s4  }
0x8: {  	[smem:$0x7FF] =	sst s3;
	s9 =	sshll.u32 s4, $0x7;
	s23 =	smul.u32 $0x14000, s0  }
0x9: {  	s24 =	smul.u32 $0x50000, s0;
	s26 =	ssub.s32 $0x2, s4;
	s17 =	sshll.u32 s0, $0x6  }
0xa: {  	_ =	strace $0x80000053;
	s29 =	sshrl.u32 s26, $0x1;
	s17 =	sor.u32 $0x1C01, s17  }
0xb: {  	s6 =	sadd.s32 s7, s6;
	s22 =	sor.u32 s9, s8;
	s25 =	sadd.s32 s23, s10  }
0xc: {  	s28 =	sshrl.u32 s24, $0x2;
	s31 =	ssub.s32 s26, s29;
	s6 =	sshrl.u32 s6, $0x3  }
0xd: {  	s7 =	sshrl.u32 s22, $0x3;
	s4 =	sadd.s32 s28, s2;
	s10 =	smax.u32 s31, $0x1  }
0xe: {  	s11 =	sadd.s32 s6, s5;
	s12 =	sadd.s32 s7, s5;
	s6 =	sshrl.u32 s25, $0x3  }
0xf: {  	s7 =	sadd.s32 $0xC000, s4;
	s8 =	sadd.s32 $0x10000, s4;
	s18 =	sshrl.u32 s4, $0x3  }
0x10: {  	s30 =	sadd.s32 s6, s5;
	s5 =	sadd.s32 $0x4000, s4;
	s11 =	sadd.s32 $0x15E3A00, s11  }
0x11: {  	v0 =	vimm.f32 $0.0e+00;
	s6 =	sadd.s32 $0x8000, s4;
	s12 =	sadd.s32 $0x15CFA00, s12;
	s9 =	sadd.s32 $0x8FA00, s30  }
.LBB2_1:
0x12: {  	s20 =	sand.u32 $0xFE00, s3  }
0x13: {  	s21 =	sand.u32 $0x70, s3;
	s22 =	sshrl.u32 s20, $0x2  }
0x14: {  	s20 =	simm.s32 $0x40;
	s22 =	sor.u32 s21, s22;
	s21 =	simm.s32 $0x0  }
.LBB2_2:
0x15: {  	p0 =	sne.s32 s20, $0xFFC0  }
0x16: {  	[tilespmem:s22+$0x0] =	vst v0;
	s21 =	sadd.s32 $0x10, s21;
	s22 =	smov.u32 s20;
	s20 =	sadd.s32 $0x40, s20  }
.Ltmp0:
0x17: {  	(pc) =	sbr.rel @p0 .LBB2_2-.Ltmp0, $4  }
0x18: {  	_ = 	snop  }
0x19: {  	s22 =	sand.u32 $0xFE00, s22  }
0x1a: {  	s23 =	sand.u32 $0x70, s21;
	s22 =	sshrl.u32 s22, $0x2  }
0x1b: {  	s22 =	sor.u32 s23, s22  }
0x1c: {  	[tilespmem:s22+$0x0] =	vst v0;
	s20 =	simm.s32 $0x0  }
0x1d: {  	[spmem:s4] =	stream.linear.scatter [tilespmem:s20], [sflag:$0x1], $0x4000, $0x38;
	[tilespmem:$0x1C080] =	vst v63  }
0x1e: {  	_ =	swait.ge [sflag:s13], $0x4000  }
0x1f: {  	[sflag:s13] =	ssyncset.done $0x0  }
0x20: {  	[sflag:s13] =	ssyncadd.s32 $0xFFFFC000  }
0x21: {  	[spmem:s5] =	stream.linear.scatter [tilespmem:s20], [sflag:$0x1], $0x4000, $0x38;
	[tilespmem:$0x1C080] =	vst v63  }
0x22: {  	_ =	swait.ge [sflag:s13], $0x4000  }
0x23: {  	[sflag:s13] =	ssyncset.done $0x0  }
0x24: {  	[sflag:s13] =	ssyncadd.s32 $0xFFFFC000  }
0x25: {  	[spmem:s6] =	stream.linear.scatter [tilespmem:s20], [sflag:$0x1], $0x4000, $0x38;
	[tilespmem:$0x1C080] =	vst v63  }
0x26: {  	_ =	swait.ge [sflag:s13], $0x4000  }
0x27: {  	[sflag:s13] =	ssyncset.done $0x0  }
0x28: {  	[sflag:s13] =	ssyncadd.s32 $0xFFFFC000  }
0x29: {  	[spmem:s7] =	stream.linear.scatter [tilespmem:s20], [sflag:$0x1], $0x4000, $0x38;
	[tilespmem:$0x1C080] =	vst v63  }
0x2a: {  	_ =	swait.ge [sflag:s13], $0x4000  }
0x2b: {  	[sflag:s13] =	ssyncset.done $0x0  }
0x2c: {  	[sflag:s13] =	ssyncadd.s32 $0xFFFFC000  }
0x2d: {  	[spmem:s8] =	stream.linear.scatter [tilespmem:s20], [sflag:$0x1], $0x4000, $0x38;
	[tilespmem:$0x1C080] =	vst v63  }
0x2e: {  	_ =	swait.ge [sflag:s13], $0x4000  }
0x2f: {  	[sflag:s13] =	ssyncset.done $0x0  }
0x30: {  	[sflag:s13] =	ssyncadd.s32 $0xFFFFC000  }
0x31: {  	s31 =	sadd.s32 $0x0, s12;
	[bflag:$0x0] =	sbarrier.arrive $0xFFFF  }
0x32: {  	[tilespmem:s14], [sflag:$0x1] =	stream.linear.gather [hbm4b:s31+s3], $0x80, $0x38;
	[tilespmem:$0x1C080] =	vst v63  }
0x33: {  	_ =	swait.ge [sflag:s13], $0x80  }
0x34: {  	[sflag:s13] =	ssyncset.done $0x0  }
0x35: {  	[sflag:s13] =	ssyncadd.s32 $0xFFFFFF80  }
0x36: {  	[tilespmem:s15], [sflag:$0x1] =	stream.linear.gather [hbm4b:s11+s3], $0x4000, $0x38;
	[tilespmem:$0x1C080] =	vst v63  }
0x37: {  	_ =	swait.ge [sflag:s13], $0x4000  }
0x38: {  	[sflag:s13] =	ssyncset.done $0x0  }
0x39: {  	[sflag:s13] =	ssyncadd.s32 $0xFFFFC000  }
0x3a: {  	[spmem:s2] =	stream.indirect.scatter.add.f32 [tilespmem:s15], [sflag:$0x1], $0x80, s14, s16, $0xb8;
	[tilespmem:$0x1C080] =	vst v63  }
0x3b: {  	s21 =	simm.s32 $0x40;
	_ =	swait.ge [sflag:s13], $0x4000  }
0x3c: {  	s22 =	simm.s32 $0x80;
	s20 =	sadd.s32 $0x800, s11;
	[sflag:s13] =	ssyncset.done $0x0  }
.LBB2_4:
0x3d: {  	s23 =	sadd.s32 s21, s12  }
0x3e: {  	[sflag:s13] =	ssyncadd.s32 $0xFFFFC000;
	s21 =	smov.u32 s22;
	s24 =	sadd.s32 $0x40, s22  }
0x3f: {  	[tilespmem:s14], [sflag:$0x1] =	stream.linear.gather [hbm4b:s23+s3], $0x80, $0x38;
	[tilespmem:$0x1C080] =	vst v63  }
0x40: {  	p0 =	sne.s32 s22, $0x13C0;
	_ =	swait.ge [sflag:s13], $0x80  }
0x41: {  	[sflag:s13] =	ssyncset.done $0x0  }
0x42: {  	[sflag:s13] =	ssyncadd.s32 $0xFFFFFF80  }
0x43: {  	[tilespmem:s15], [sflag:$0x1] =	stream.linear.gather [hbm4b:s20+s3], $0x4000, $0x38;
	[tilespmem:$0x1C080] =	vst v63  }
0x44: {  	_ =	swait.ge [sflag:s13], $0x4000  }
.Ltmp1:
0x45: {  	[sflag:s13] =	ssyncset.done $0x0;
	(pc) =	sbr.rel @p0 .LBB2_4-.Ltmp1, $4  }
0x46: {  	[sflag:s13] =	ssyncadd.s32 $0xFFFFC000  }
0x47: {  	[spmem:s2] =	stream.indirect.scatter.add.f32 [tilespmem:s15], [sflag:$0x1], $0x80, s14, s16, $0xb8;
	[tilespmem:$0x1C080] =	vst v63  }
0x48: {  	_ =	swait.ge [sflag:s13], $0x4000  }
0x49: {  	s22 =	smov.u32 s24;
	s20 =	sadd.s32 $0x800, s20;
	[sflag:s13] =	ssyncset.done $0x0  }
0x4a: {  	s21 =	sadd.s32 s21, s12;
	[sflag:s13] =	ssyncadd.s32 $0xFFFFC000  }
0x4b: {  	[tilespmem:s14], [sflag:$0x1] =	stream.linear.gather [hbm4b:s21+s3], $0x80, $0x38;
	[tilespmem:$0x1C080] =	vst v63  }
0x4c: {  	_ =	swait.ge [sflag:s13], $0x80  }
0x4d: {  	[sflag:s13] =	ssyncset.done $0x0  }
0x4e: {  	[sflag:s13] =	ssyncadd.s32 $0xFFFFFF80  }
0x4f: {  	[tilespmem:s15], [sflag:$0x1] =	stream.linear.gather [hbm4b:s20+s3], $0x4000, $0x38;
	[tilespmem:$0x1C080] =	vst v63  }
0x50: {  	_ =	swait.ge [sflag:s13], $0x4000  }
0x51: {  	[sflag:s13] =	ssyncset.done $0x0  }
0x52: {  	[sflag:s13] =	ssyncadd.s32 $0xFFFFC000  }
0x53: {  	[spmem:s2] =	stream.indirect.scatter.add.f32 [tilespmem:s15], [sflag:$0x1], $0x80, s14, s16, $0xb8;
	[tilespmem:$0x1C080] =	vst v63  }
0x54: {  	_ =	swait.ge [sflag:s13], $0x4000  }
0x55: {  	s19 =	sadd.s32 $0x1, s19;
	[sflag:s13] =	ssyncset.done $0x0  }
0x56: {  	p0 =	sne.s32 s19, s10;
	[sflag:s13] =	ssyncadd.s32 $0xFFFFC000  }
.Ltmp2:
0x57: {  	[bflag:$0x0] =	sbarrier.arrive $0xFFFF;
	(pc) =	sbr.rel @p0 .LBB2_1-.Ltmp2, $4  }
0x58: {  	[hbm:s9], [sflag:s17] =	dma.local [spmem:s18], $0x2800  }
0x59: {  	_ =	swait.ge [sflag:s13], $0x2800  }
0x5a: {  	[sflag:s13] =	ssyncset.done $0x0  }
0x5b: {  	[sflag:s13] =	ssyncadd.s32 $0xFFFFD800  }
0x5c: {  	_ =	sfence.sel $0x180000  }
0x5d: {  	[bflag:$0x0] =	sbarrier.arrive $0xFFFF  }
0x5e: {  	p0 =	sne.s32 s0, $0x0;
	_ =	strace $0x90000053  }
0x5f: {  	s0 =	sadd.s32 @!p0 $0x100000, s1;
	[bflag:$0x2] =	sbarrier.arrive $0xFFFF  }
0x60: {  	[sflag:s0] =	ssyncadd.tile.s32 @!p0 $0x1;
	_ =	shalt  }
.Lfunc_end2:
_tile_overlayer_lowered:
.L_overlay_start_2:
0x61: {  	(tag) =	ssettag $0x2  }
0x62: {  	s0 =	rddreg [dreg:$0x0];
	s2 =	stileid.u32  }
0x63: {  	s1 =	rddreg [dreg:$0x1];
	p0 =	sne.s32 s2, $0x0  }
0x64: {  	s3 =	rddreg [dreg:$0x2];
	[bflag:$0x3] =	sbarrier.arrive $0xFFFF;
	s2 =	simm.s32 @!p0 $0x1C01  }
0x65: {  	[timem:s3], [sflag:s2] =	dma.local @!p0 [hbm:s0], s1  }
0x66: {  	s0 =	simm.s32 @!p0 $0x1  }
0x67: {  	_ =	swait.ge @!p0 [sflag:s0], s1  }
0x68: {  	s1 =	ssub.s32 @!p0 $0x0, s1;
	[sflag:s0] =	ssyncset.done @!p0 $0x0  }
0x69: {  	[sflag:s0] =	ssyncadd.s32 @!p0 s1  }
0x6a: {  	[bflag:$0x3] =	sbarrier.arrive $0xFFFF  }
0x6b: {  	_ =	shalt  }

// kernel: kernel.33.cloned.1.call-start
scs
__scs_entry_jumppad:
0x0: {  	(pc) =	sbr.rel $0x88, $3  }
0x1: {  	(tag) =	ssettag $0x0;
	lr =	simm.s32 $0x1  }
0x2: {  	[smem:$0x3F50] =	sst lr;
	_ =	strace $0xD0000000  }
0x3: {  	_ = 	snop  }
0x4: {  	_ = 	snop  }
0x5: {  	_ = 	snop  }
0x6: {  	_ = 	snop  }
0x7: {  	_ = 	snop  }
__scs_overlays_trampoline_lowered:
0x8: {  	[smem:$0x3F5F] =	sst s0  }
0x9: {  	[smem:$0x3F60] =	sst s1  }
0xa: {  	[smem:$0x3F61] =	sst s2  }
0xb: {  	[smem:$0x3F62] =	sst s3  }
0xc: {  	[smem:$0x3F63] =	sst s4  }
0xd: {  	[smem:$0x3F64] =	sst s5  }
0xe: {  	[smem:$0x3F65] =	sst s6  }
0xf: {  	[smem:$0x3F66] =	sst s7  }
0x10: {  	[smem:$0x3F67] =	sst s8  }
0x11: {  	[smem:$0x3F68] =	sst s9;
	s0 =	simm.s32 @!p0 $0x0  }
0x12: {  	s1 =	sld [smem:$0x3F4E];
	s0 =	simm.s32 @p0 $0x1  }
0x13: {  	[smem:$0x3F69] =	sst s0;
	s0 =	simm.s32 @!p1 $0x0  }
0x14: {  	s2 =	sld [smem:$0x3F4D];
	s0 =	simm.s32 @p1 $0x1  }
0x15: {  	[smem:$0x3F6A] =	sst s0;
	s0 =	simm.s32 @!p2 $0x0  }
0x16: {  	s3 =	sld [smem:$0x3FDB];
	s0 =	simm.s32 @p2 $0x1  }
0x17: {  	s4 =	simm.s32 $0x1BF5;
	[smem:$0x3F6C] =	sst s0  }
0x18: {  	s0 =	sld [smem:$0x3F4F];
	_ =	swait.ge [sflag:s4], $0x0  }
0x19: {  	s7 =	sld [smem:$0x3F50]  }
0x1a: {  	s8 =	sadd.s32 $0xFFFFE003, lr  }
0x1b: {  	s9 =	sadd.s32 $0xFFFFFEF7, lr;
	s5 =	simm.s32 $0xFFFFFFFF;
	p2 =	slt.u32 s8, $0xFFFFF086  }
0x1c: {  	p1 =	slt.u32 s9, $0xF7A;
	s5 =	simm.s32 @!p2 $0x0  }
0x1d: {  	s5 =	simm.s32 @p1 $0x1;
	p0 =	seq.s32 s7, s2  }
0x1e: {  	s7 =	smul.u32 @!p0 $0xF7A, s2;
	p2 =	seq.s32 @!p0 s5, $0x0  }
0x1f: {  	s9 =	smul.u32 $0xF7A, s1;
	s8 =	simm.s32 @!p0 $0x1BF5;
	p2 =	por !p2, p0  }
0x20: {  	[sflag:s8] =	ssyncset.s32 @!p0 $0xFFFFF086;
	s6 =	sadd.s32 @!p0 s3, s7;
	s7 =	simm.s32 @!p0 $0x108  }
0x21: {  	s3 =	sadd.s32 s3, s9;
	s6 =	sadd.s32 @!p0 $0x88, s6;
	s7 =	simm.s32 @p2 $0x1082  }
0x22: {  	[simem:s7], [sflag:s8] =	dma.local @!p0 [hbm:s6], $0xF7A  }
0x23: {  	s9 =	sor.u32 $0xD0000000, s2;
	s6 =	simm.s32 $0x108;
	_ =	swait.ge @!p0 [sflag:s8], $0x0  }
0x24: {  	s3 =	sadd.s32 $0x88, s3;
	s6 =	simm.s32 @!p1 $0x1082;
	[sflag:s4] =	ssyncset.s32 $0xFFFFF086  }
0x25: {  	[simem:s6], [sflag:s4] =	dma.local [hbm:s3], $0xF7A  }
0x26: {  	[smem:$0x3F50] =	sst s1;
	(tag) =	ssettag s2;
	_ =	strace s9  }
0x27: {  	s1 =	sld [smem:$0x3F60]  }
0x28: {  	s2 =	sld [smem:$0x3F61]  }
0x29: {  	s4 =	sld [smem:$0x3F63]  }
0x2a: {  	p0 =	seq.s32 s5, $0x0;
	s5 =	sld [smem:$0x3F64]  }
0x2b: {  	s6 =	sld [smem:$0x3F65]  }
0x2c: {  	s7 =	sld [smem:$0x3F66]  }
0x2d: {  	s3 =	simm.s32 $0x108;
	s8 =	sld [smem:$0x3F67]  }
0x2e: {  	s3 =	simm.s32 @!p0 $0x1082;
	s9 =	sld [smem:$0x3F68]  }
0x2f: {  	lr =	sadd.s32 s0, s3;
	s0 =	sld [smem:$0x3F5F]  }
0x30: {  	s3 =	sld [smem:$0x3F62]  }
0x31: {  	[smem:$0x3F6B] =	sst s10  }
0x32: {  	s10 =	sld [smem:$0x3F69];
	_ =	sdelay $0x3  }
0x33: {  	p0 =	seq.s32 s10, $0x1;
	s10 =	sld [smem:$0x3F6B];
	_ =	sdelay $0x3  }
0x34: {  	[smem:$0x3F6B] =	sst s10  }
0x35: {  	s10 =	sld [smem:$0x3F6A];
	_ =	sdelay $0x3  }
0x36: {  	p1 =	seq.s32 s10, $0x1;
	s10 =	sld [smem:$0x3F6B];
	_ =	sdelay $0x3  }
0x37: {  	[smem:$0x3F6B] =	sst s10  }
0x38: {  	s10 =	sld [smem:$0x3F6C]  }
0x39: {  	_ = 	snop;
	(pc) =	sbr.ind lr, $3  }
0x3a: {  	_ = 	snop  }
0x3b: {  	_ = 	snop  }
0x3c: {  	p2 =	seq.s32 s10, $0x1;
	s10 =	sld [smem:$0x3F6B]  }
0x3d: {  	_ =	shalt  }
0x3e: {  	_ =	shalt  }
0x3f: {  	_ =	shalt  }
0x40: {  	_ =	shalt  }
0x41: {  	_ =	shalt  }
0x42: {  	_ =	shalt  }
0x43: {  	_ =	shalt  }
0x44: {  	_ =	shalt  }
0x45: {  	_ =	shalt  }
0x46: {  	_ =	shalt  }
0x47: {  	_ =	shalt  }
0x48: {  	_ =	shalt  }
0x49: {  	_ =	shalt  }
0x4a: {  	_ =	shalt  }
0x4b: {  	_ =	shalt  }
0x4c: {  	_ =	shalt  }
0x4d: {  	_ =	shalt  }
0x4e: {  	_ =	shalt  }
0x4f: {  	_ =	shalt  }
0x50: {  	_ =	shalt  }
0x51: {  	_ =	shalt  }
0x52: {  	_ =	shalt  }
0x53: {  	_ =	shalt  }
0x54: {  	_ =	shalt  }
0x55: {  	_ =	shalt  }
0x56: {  	_ =	shalt  }
0x57: {  	_ =	shalt  }
0x58: {  	_ =	shalt  }
0x59: {  	_ =	shalt  }
0x5a: {  	_ =	shalt  }
0x5b: {  	_ =	shalt  }
0x5c: {  	_ =	shalt  }
0x5d: {  	_ =	shalt  }
0x5e: {  	_ =	shalt  }
0x5f: {  	_ =	shalt  }
0x60: {  	_ =	shalt  }
0x61: {  	_ =	shalt  }
0x62: {  	_ =	shalt  }
0x63: {  	_ =	shalt  }
0x64: {  	_ =	shalt  }
0x65: {  	_ =	shalt  }
0x66: {  	_ =	shalt  }
0x67: {  	_ =	shalt  }
0x68: {  	_ =	shalt  }
0x69: {  	_ =	shalt  }
0x6a: {  	_ =	shalt  }
0x6b: {  	_ =	shalt  }
0x6c: {  	_ =	shalt  }
0x6d: {  	_ =	shalt  }
0x6e: {  	_ =	shalt  }
0x6f: {  	_ =	shalt  }
0x70: {  	_ =	shalt  }
0x71: {  	_ =	shalt  }
0x72: {  	_ =	shalt  }
0x73: {  	_ =	shalt  }
0x74: {  	_ =	shalt  }
0x75: {  	_ =	shalt  }
0x76: {  	_ =	shalt  }
0x77: {  	_ =	shalt  }
0x78: {  	_ =	shalt  }
0x79: {  	_ =	shalt  }
0x7a: {  	_ =	shalt  }
0x7b: {  	_ =	shalt  }
0x7c: {  	_ =	shalt  }
0x7d: {  	_ =	shalt  }
0x7e: {  	_ =	shalt  }
0x7f: {  	_ =	shalt  }
0x80: {  	_ =	shalt  }
0x81: {  	_ =	shalt  }
0x82: {  	_ =	shalt  }
0x83: {  	_ =	shalt  }
0x84: {  	_ =	shalt  }
0x85: {  	_ =	shalt  }
0x86: {  	_ =	shalt  }
0x87: {  	_ =	shalt  }
.Lfunc_end0:
.L_simem_size_0:
called_computation.5_lowered:
.L_overlay_start_0:
0x88: {  	s2 =	sld [smem:$0x3FD9]  }
0x89: {  	s3 =	sld [smem:$0x3FFE];
	_ =	sdelay $0x1  }
0x8a: {  	s1 =	srdreg.scid  }
0x8b: {  	s0 =	sand.u32 $0x1, s1  }
0x8c: {  	s17 =	sshll.u32 s0, $0xA;
	s2 =	sadd.s32 s3, s2  }
0x8d: {  	s2 =	sadd.s32 s2, s17  }
0x8e: {  	[smem:$0x3F77] =	sst s2  }
0x8f: {  	_ = 	snop  }
0x90: {  	(tm) =	ssettm $0x1  }
0x91: {  	s18 =	sld [smem:$0x3FFB];
	_ =	sdelay $0x3  }
0x92: {  	_ =	strace s18  }
0x93: {  	s2 =	sld [smem:$0x3FFC];
	_ =	sdelay $0x3  }
0x94: {  	_ =	strace s2  }
0x95: {  	s2 =	sld [smem:$0x3FFD];
	_ =	sdelay $0x3  }
0x96: {  	_ =	strace s2  }
0x97: {  	_ =	strace $0x8FFFFFFF  }
0x98: {  	s19 =	sld [smem:$0x3FDB];
	_ =	sdelay $0x1  }
0x99: {  	s20 =	simm.s32 $_scs_section_size  }
0x9a: {  	s4 =	simm.s32 $_size__tile_overlayer_lowered;
	s5 =	simm.s32 $_tile_overlayer_lowered  }
0x9b: {  	s6 =	simm.s32 $0x1BFF;
	s21 =	sshll.u32 s5, $0x1;
	s3 =	sadd.s32 s20, s19  }
0x9c: {  	s22 =	simm.s32 $0x0;
	s4 =	sshll.u32 s4, $0x1;
	s5 =	sadd.s32 s21, s3  }
0x9d: {  	[timem:s22], [sflag:s6] =	dma.local [hbm:s5], s4  }
0x9e: {  	_ =	swait.ge [sflag:s6], s4  }
0x9f: {  	s4 =	ssub.s32 $0x0, s4;
	[sflag:s6] =	ssyncset.done $0x0  }
0xa0: {  	[sflag:s6] =	ssyncadd.s32 s4;
	_ =	sdelay $0x1  }
0xa1: {  	s23 =	simm.s32 $0x1B8B  }
0xa2: {  	_ =	swait.ge [sflag:s23], $0x1  }
0xa3: {  	[sflag:s23] =	ssyncset.done $0x0  }
0xa4: {  	[sflag:s23] =	ssyncadd.s32 $0xFFFFFFFF  }
0xa5: {  	s4 =	sld [smem:$0x0]  }
0xa6: {  	s5 =	sand.u32 $0xFFFFFFFE, s1  }
0xa7: {  	p0 =	sne.s32 s1, s5  }
0xa8: {  	s5 =	sshll.u32 @p0 s5, $0xE  }
0xa9: {  	s5 =	sadd.s32 @p0 $0x11B8D, s5;
	s6 =	sshll.u32 @p0 s4, $0x11  }
0xaa: {  	s5 =	sor.u32 @p0 s6, s5  }
0xab: {  	[sflag:s5] =	ssyncadd.remote.s32 @p0 $0x1;
	_ =	sdelay $0x1  }
0xac: {  	s5 =	simm.s32 @p0 $0x1B8D  }
0xad: {  	_ =	swait.eq @p0 [sflag:s5], $0x1  }
0xae: {  	[sflag:s5] =	ssyncadd.s32 @p0 $0xFFFFFFFF  }
0xaf: {  	s6 =	sshll.u32 @!p0 s1, $0xE  }
0xb0: {  	s6 =	sor.u32 @!p0 $0x4000, s6;
	s5 =	simm.s32 @!p0 $0x1B8D  }
0xb1: {  	s4 =	sshll.u32 @!p0 s4, $0x11;
	s6 =	sadd.s32 @!p0 $0x11B8D, s6;
	_ =	swait.eq @!p0 [sflag:s5], $0x1  }
0xb2: {  	s4 =	sor.u32 @!p0 s4, s6;
	[sflag:s5] =	ssyncadd.s32 @!p0 $0xFFFFFFFF  }
0xb3: {  	s25 =	simm.s32 $0x1B8E;
	s24 =	sld [smem:$0x3FFE];
	[sflag:s4] =	ssyncadd.remote.s32 @!p0 $0x1  }
0xb4: {  	s26 =	simm.s32 $execute0_lowered;
	[smem:$0x3FD2] =	sst s25  }
0xb5: {  	s5 =	sshll.u32 s26, $0x1;
	_ =	strace $0x80000055;
	[dreg:$0x1] =	wrdreg $0xFFFFFFFF  }
0xb6: {  	s28 =	simm.s32 $_size_execute0_lowered;
	s3 =	sadd.s32 s3, s5;
	[dreg:$0x0] =	wrdreg $0x0  }
0xb7: {  	s5 =	sshll.u32 s28, $0x1;
	[dreg:$0x2] =	wrdreg s3  }
0xb8: {  	[dreg:$0x3] =	wrdreg s5  }
0xb9: {  	[dreg:$0x4] =	wrdreg $0xC0  }
0xba: {  	_ =	task [dreg:s22], $0x5FFFF  }
0xbb: {  	[dreg:$0x1] =	wrdreg $0xFFFFFFFF  }
0xbc: {  	[dreg:$0x0] =	wrdreg $0x60  }
0xbd: {  	[dreg:$0x2] =	wrdreg s24  }
0xbe: {  	[dreg:$0x3] =	wrdreg $0x80800  }
0xbf: {  	[dreg:$0x4] =	wrdreg $0xA  }
0xc0: {  	_ =	task.clear_ibuf [dreg:s22], $0x5FFFF;
	_ =	strace $0x90000055  }
0xc1: {  	s29 =	simm.s32 $0xA;
	_ =	strace $0x80000057  }
0xc2: {  	_ =	swait.ge [sflag:s29], $0x1  }
0xc3: {  	[sflag:s29] =	ssyncadd.s32 $0xFFFFFFFF  }
0xc4: {  	_ =	strace $0x90000057  }
0xc5: {  	_ =	sfence  }
0xc6: {  	s30 =	sld [smem:$0x0];
	_ =	sdelay $0x2  }
0xc7: {  	s31 =	sshll.u32 s1, $0xD;
	s1 =	sshrl.u32 s1, $0x2  }
0xc8: {  	s4 =	sand.u32 $0x4000, s31;
	s1 =	sadd.s32 s1, s30  }
0xc9: {  	s0 =	sor.u32 s4, s0;
	s1 =	sshll.u32 s1, $0x11  }
0xca: {  	s0 =	sor.u32 s1, s0  }
0xcb: {  	s0 =	sadd.s32 $0x8F2B, s0  }
0xcc: {  	[sflag:s0] =	ssyncadd.remote.s32 $0x1  }
0xcd: {  	_ =	sfence.sel $0xFFFF  }
0xce: {  	[dreg:$0x0] =	wrdreg $0xFFFFFFFF;
	(pc) =	sbr.abs _section_cstart, $3  }
0xcf: {  	[dreg:$0x1] =	wrdreg $0xFFFFFFFF  }
0xd0: {  	_ =	task.clear_ibuf [dreg:s22], $0x2FFFF;
	_ =	strace $0x9FFFFFFF  }
0xd1: {  	(tm) =	ssettm $0x7FFFFFFF  }
tec
execute0_lowered:
.L_overlay_start_1:
0x0: {  	(tag) =	ssettag $0x1  }
0x1: {  	s0 =	srdreg.scid;
	s5 =	rddreg [dreg:$0x0]  }
0x2: {  	s2 =	rddreg [dreg:$0x1];
	s4 =	sand.u32 $0x1, s0  }
0x3: {  	s0 =	stileid.u32;
	s6 =	smul.u32 $0x1400000, s4  }
0x4: {  	s1 =	rddreg [dreg:$0x2];
	s3 =	simm.s32 $0x0;
	s7 =	smul.u32 $0x140000, s0  }
0x5: {  	s13 =	simm.s32 $0x1;
	s14 =	simm.s32 $0x8000;
	s8 =	smul.u32 $0xA000, s0  }
0x6: {  	s15 =	simm.s32 $0x4000;
	s16 =	simm.s32 $0x80;
	s23 =	smul.u32 $0x140000, s4  }
0x7: {  	s19 =	simm.s32 $0x0;
	[smem:$0x7FF] =	sst s3;
	s24 =	smul.u32 $0x14000, s0  }
0x8: {  	s9 =	sshll.u32 s4, $0x7;
	s10 =	smul.u32 $0x50000, s0;
	s26 =	ssub.s32 $0x2, s4  }
0x9: {  	_ =	strace $0x80000056;
	s17 =	sshll.u32 s0, $0x6;
	s29 =	sshrl.u32 s26, $0x1  }
0xa: {  	s17 =	sor.u32 $0x1C01, s17;
	s6 =	sadd.s32 s7, s6;
	s22 =	sor.u32 s9, s8  }
0xb: {  	s25 =	sadd.s32 s24, s23;
	s28 =	sshrl.u32 s10, $0x2;
	s31 =	ssub.s32 s26, s29  }
0xc: {  	s6 =	sadd.s32 $0x2800000, s6;
	s7 =	sor.u32 $0x100, s22;
	s4 =	sadd.s32 s28, s2  }
0xd: {  	s10 =	smax.u32 s31, $0x1;
	s6 =	sshrl.u32 s6, $0x3;
	s7 =	sshrl.u32 s7, $0x3  }
0xe: {  	s8 =	sadd.s32 $0x10000, s4;
	s18 =	sshrl.u32 s4, $0x3;
	s11 =	sadd.s32 s6, s5  }
0xf: {  	s12 =	sadd.s32 s7, s5;
	s6 =	sshrl.u32 s25, $0x3;
	s7 =	sadd.s32 $0xC000, s4  }
0x10: {  	s30 =	sadd.s32 s6, s5;
	s5 =	sadd.s32 $0x4000, s4;
	s11 =	sadd.s32 $0x15E3A00, s11  }
0x11: {  	v0 =	vimm.f32 $0.0e+00;
	s6 =	sadd.s32 $0x8000, s4;
	s12 =	sadd.s32 $0x15CFA00, s12;
	s9 =	sadd.s32 $0xDFA00, s30  }
.LBB2_1:
0x12: {  	s20 =	sand.u32 $0xFE00, s3  }
0x13: {  	s21 =	sand.u32 $0x70, s3;
	s22 =	sshrl.u32 s20, $0x2  }
0x14: {  	s20 =	simm.s32 $0x40;
	s22 =	sor.u32 s21, s22;
	s21 =	simm.s32 $0x0  }
.LBB2_2:
0x15: {  	p0 =	sne.s32 s20, $0xFFC0  }
0x16: {  	[tilespmem:s22+$0x0] =	vst v0;
	s21 =	sadd.s32 $0x10, s21;
	s22 =	smov.u32 s20;
	s20 =	sadd.s32 $0x40, s20  }
.Ltmp0:
0x17: {  	(pc) =	sbr.rel @p0 .LBB2_2-.Ltmp0, $4  }
0x18: {  	_ = 	snop  }
0x19: {  	s22 =	sand.u32 $0xFE00, s22  }
0x1a: {  	s23 =	sand.u32 $0x70, s21;
	s22 =	sshrl.u32 s22, $0x2  }
0x1b: {  	s22 =	sor.u32 s23, s22  }
0x1c: {  	[tilespmem:s22+$0x0] =	vst v0;
	s20 =	simm.s32 $0x0  }
0x1d: {  	[spmem:s4] =	stream.linear.scatter [tilespmem:s20], [sflag:$0x1], $0x4000, $0x38;
	[tilespmem:$0x1C080] =	vst v63  }
0x1e: {  	_ =	swait.ge [sflag:s13], $0x4000  }
0x1f: {  	[sflag:s13] =	ssyncset.done $0x0  }
0x20: {  	[sflag:s13] =	ssyncadd.s32 $0xFFFFC000  }
0x21: {  	[spmem:s5] =	stream.linear.scatter [tilespmem:s20], [sflag:$0x1], $0x4000, $0x38;
	[tilespmem:$0x1C080] =	vst v63  }
0x22: {  	_ =	swait.ge [sflag:s13], $0x4000  }
0x23: {  	[sflag:s13] =	ssyncset.done $0x0  }
0x24: {  	[sflag:s13] =	ssyncadd.s32 $0xFFFFC000  }
0x25: {  	[spmem:s6] =	stream.linear.scatter [tilespmem:s20], [sflag:$0x1], $0x4000, $0x38;
	[tilespmem:$0x1C080] =	vst v63  }
0x26: {  	_ =	swait.ge [sflag:s13], $0x4000  }
0x27: {  	[sflag:s13] =	ssyncset.done $0x0  }
0x28: {  	[sflag:s13] =	ssyncadd.s32 $0xFFFFC000  }
0x29: {  	[spmem:s7] =	stream.linear.scatter [tilespmem:s20], [sflag:$0x1], $0x4000, $0x38;
	[tilespmem:$0x1C080] =	vst v63  }
0x2a: {  	_ =	swait.ge [sflag:s13], $0x4000  }
0x2b: {  	[sflag:s13] =	ssyncset.done $0x0  }
0x2c: {  	[sflag:s13] =	ssyncadd.s32 $0xFFFFC000  }
0x2d: {  	[spmem:s8] =	stream.linear.scatter [tilespmem:s20], [sflag:$0x1], $0x4000, $0x38;
	[tilespmem:$0x1C080] =	vst v63  }
0x2e: {  	_ =	swait.ge [sflag:s13], $0x4000  }
0x2f: {  	[sflag:s13] =	ssyncset.done $0x0  }
0x30: {  	[sflag:s13] =	ssyncadd.s32 $0xFFFFC000  }
0x31: {  	s31 =	sadd.s32 $0x0, s12;
	[bflag:$0x0] =	sbarrier.arrive $0xFFFF  }
0x32: {  	[tilespmem:s14], [sflag:$0x1] =	stream.linear.gather [hbm4b:s31+s3], $0x80, $0x38;
	[tilespmem:$0x1C080] =	vst v63  }
0x33: {  	_ =	swait.ge [sflag:s13], $0x80  }
0x34: {  	[sflag:s13] =	ssyncset.done $0x0  }
0x35: {  	[sflag:s13] =	ssyncadd.s32 $0xFFFFFF80  }
0x36: {  	[tilespmem:s15], [sflag:$0x1] =	stream.linear.gather [hbm4b:s11+s3], $0x4000, $0x38;
	[tilespmem:$0x1C080] =	vst v63  }
0x37: {  	_ =	swait.ge [sflag:s13], $0x4000  }
0x38: {  	[sflag:s13] =	ssyncset.done $0x0  }
0x39: {  	[sflag:s13] =	ssyncadd.s32 $0xFFFFC000  }
0x3a: {  	[spmem:s2] =	stream.indirect.scatter.add.f32 [tilespmem:s15], [sflag:$0x1], $0x80, s14, s16, $0xb8;
	[tilespmem:$0x1C080] =	vst v63  }
0x3b: {  	s21 =	simm.s32 $0x40;
	_ =	swait.ge [sflag:s13], $0x4000  }
0x3c: {  	s22 =	simm.s32 $0x80;
	s20 =	sadd.s32 $0x800, s11;
	[sflag:s13] =	ssyncset.done $0x0  }
.LBB2_4:
0x3d: {  	s23 =	sadd.s32 s21, s12  }
0x3e: {  	[sflag:s13] =	ssyncadd.s32 $0xFFFFC000;
	s21 =	smov.u32 s22;
	s24 =	sadd.s32 $0x40, s22  }
0x3f: {  	[tilespmem:s14], [sflag:$0x1] =	stream.linear.gather [hbm4b:s23+s3], $0x80, $0x38;
	[tilespmem:$0x1C080] =	vst v63  }
0x40: {  	p0 =	sne.s32 s22, $0x13C0;
	_ =	swait.ge [sflag:s13], $0x80  }
0x41: {  	[sflag:s13] =	ssyncset.done $0x0  }
0x42: {  	[sflag:s13] =	ssyncadd.s32 $0xFFFFFF80  }
0x43: {  	[tilespmem:s15], [sflag:$0x1] =	stream.linear.gather [hbm4b:s20+s3], $0x4000, $0x38;
	[tilespmem:$0x1C080] =	vst v63  }
0x44: {  	_ =	swait.ge [sflag:s13], $0x4000  }
.Ltmp1:
0x45: {  	[sflag:s13] =	ssyncset.done $0x0;
	(pc) =	sbr.rel @p0 .LBB2_4-.Ltmp1, $4  }
0x46: {  	[sflag:s13] =	ssyncadd.s32 $0xFFFFC000  }
0x47: {  	[spmem:s2] =	stream.indirect.scatter.add.f32 [tilespmem:s15], [sflag:$0x1], $0x80, s14, s16, $0xb8;
	[tilespmem:$0x1C080] =	vst v63  }
0x48: {  	_ =	swait.ge [sflag:s13], $0x4000  }
0x49: {  	s22 =	smov.u32 s24;
	s20 =	sadd.s32 $0x800, s20;
	[sflag:s13] =	ssyncset.done $0x0  }
0x4a: {  	s21 =	sadd.s32 s21, s12;
	[sflag:s13] =	ssyncadd.s32 $0xFFFFC000  }
0x4b: {  	[tilespmem:s14], [sflag:$0x1] =	stream.linear.gather [hbm4b:s21+s3], $0x80, $0x38;
	[tilespmem:$0x1C080] =	vst v63  }
0x4c: {  	_ =	swait.ge [sflag:s13], $0x80  }
0x4d: {  	[sflag:s13] =	ssyncset.done $0x0  }
0x4e: {  	[sflag:s13] =	ssyncadd.s32 $0xFFFFFF80  }
0x4f: {  	[tilespmem:s15], [sflag:$0x1] =	stream.linear.gather [hbm4b:s20+s3], $0x4000, $0x38;
	[tilespmem:$0x1C080] =	vst v63  }
0x50: {  	_ =	swait.ge [sflag:s13], $0x4000  }
0x51: {  	[sflag:s13] =	ssyncset.done $0x0  }
0x52: {  	[sflag:s13] =	ssyncadd.s32 $0xFFFFC000  }
0x53: {  	[spmem:s2] =	stream.indirect.scatter.add.f32 [tilespmem:s15], [sflag:$0x1], $0x80, s14, s16, $0xb8;
	[tilespmem:$0x1C080] =	vst v63  }
0x54: {  	_ =	swait.ge [sflag:s13], $0x4000  }
0x55: {  	s19 =	sadd.s32 $0x1, s19;
	[sflag:s13] =	ssyncset.done $0x0  }
0x56: {  	p0 =	sne.s32 s19, s10;
	[sflag:s13] =	ssyncadd.s32 $0xFFFFC000  }
.Ltmp2:
0x57: {  	[bflag:$0x0] =	sbarrier.arrive $0xFFFF;
	(pc) =	sbr.rel @p0 .LBB2_1-.Ltmp2, $4  }
0x58: {  	[hbm:s9], [sflag:s17] =	dma.local [spmem:s18], $0x2800  }
0x59: {  	_ =	swait.ge [sflag:s13], $0x2800  }
0x5a: {  	[sflag:s13] =	ssyncset.done $0x0  }
0x5b: {  	[sflag:s13] =	ssyncadd.s32 $0xFFFFD800  }
0x5c: {  	_ =	sfence.sel $0x180000  }
0x5d: {  	[bflag:$0x0] =	sbarrier.arrive $0xFFFF  }
0x5e: {  	p0 =	sne.s32 s0, $0x0;
	_ =	strace $0x90000056  }
0x5f: {  	s0 =	sadd.s32 @!p0 $0x100000, s1;
	[bflag:$0x2] =	sbarrier.arrive $0xFFFF  }
0x60: {  	[sflag:s0] =	ssyncadd.tile.s32 @!p0 $0x1;
	_ =	shalt  }
.Lfunc_end2:
_tile_overlayer_lowered:
.L_overlay_start_2:
0x61: {  	(tag) =	ssettag $0x2  }
0x62: {  	s0 =	rddreg [dreg:$0x0];
	s2 =	stileid.u32  }
0x63: {  	s1 =	rddreg [dreg:$0x1];
	p0 =	sne.s32 s2, $0x0  }
0x64: {  	s3 =	rddreg [dreg:$0x2];
	[bflag:$0x3] =	sbarrier.arrive $0xFFFF;
	s2 =	simm.s32 @!p0 $0x1C01  }
0x65: {  	[timem:s3], [sflag:s2] =	dma.local @!p0 [hbm:s0], s1  }
0x66: {  	s0 =	simm.s32 @!p0 $0x1  }
0x67: {  	_ =	swait.ge @!p0 [sflag:s0], s1  }
0x68: {  	s1 =	ssub.s32 @!p0 $0x0, s1;
	[sflag:s0] =	ssyncset.done @!p0 $0x0  }
0x69: {  	[sflag:s0] =	ssyncadd.s32 @!p0 s1  }
0x6a: {  	[bflag:$0x3] =	sbarrier.arrive $0xFFFF  }
0x6b: {  	_ =	shalt  }

</sc_bundles>
